<compile_context>
chip_gen: v7x
topology: tpu7x:2x2x1
jax: 0.10.2.dev20260603
libtpu: 0.0.44.dev20260713+nightly
codegen_flags: <defaults>
</compile_context>

<pallas_src>
import functools

import jax
import jax.numpy as jnp
from jax import lax
from jax.experimental import pallas as pl
from jax.experimental.pallas import tpu as pltpu
from jax.experimental.pallas import tpu_sc as plsc

_H = 128
_W = 128
_B = 2
_N = 1024
_PR = 16
_PC = 32
_PPX = _PR * _PC
_QMAX = 30.0
_ROWS = 48
_LOG2E = 1.4426950408889634

_mesh = plsc.VectorSubcoreMesh(core_axis_name="c", subcore_axis_name="s")


@functools.partial(
    pl.kernel,
    out_type=jax.ShapeDtypeStruct((32, 4 * _PPX), jnp.float32),
    mesh=_mesh,
    scratch_types=[
        pltpu.VMEM((_N * 16,), jnp.float32),
        pltpu.VMEM((5 * _N,), jnp.float32),
        pltpu.SMEM((_N + 1,), jnp.int32),
        pltpu.VMEM((16,), jnp.int32),
        pltpu.VMEM((_PPX,), jnp.float32),
        pltpu.VMEM((4 * _PPX,), jnp.float32),
    ],
)
def _sc_render(pk_hbm, cull_hbm, out_hbm, pk, cull, hits, hvbuf, t, acc):
    wid = lax.axis_index("s") * 2 + lax.axis_index("c")
    pr0 = (wid // 4) * _PR
    pc0 = (wid % 4) * _PC
    pr0f = pr0.astype(jnp.float32)
    pc0f = pc0.astype(jnp.float32)

    pltpu.sync_copy(pk_hbm, pk)
    pltpu.sync_copy(cull_hbm, cull)

    ones = jnp.full((16,), 1.0, jnp.float32)
    zeros = jnp.zeros((16,), jnp.float32)

    def init_t(j, c):
        t[pl.ds(j * 16, 16)] = ones
        return c

    lax.fori_loop(0, _PPX // 16, init_t, 0)

    def init_acc(j, c):
        acc[pl.ds(j * 16, 16)] = zeros
        return c

    lax.fori_loop(0, (4 * _PPX) // 16, init_acc, 0)

    lanei = lax.iota(jnp.int32, 16)
    lane = lanei.astype(jnp.float32) + 0.5
    x0v = lane + pc0f
    x1v = x0v + 16.0

    def cull_body(j, cnt):
        j16 = j * 16
        bidv = cull[pl.ds(j16, 16)]
        myv = cull[pl.ds(j16 + _N, 16)]
        ryv = cull[pl.ds(j16 + 2 * _N, 16)]
        mxv = cull[pl.ds(j16 + 3 * _N, 16)]
        rxv = cull[pl.ds(j16 + 4 * _N, 16)]
        hit = bidv == 1.0
        hit = jnp.logical_and(hit, myv - ryv - 0.5 <= pr0f + (_PR - 1.0))
        hit = jnp.logical_and(hit, myv + ryv + 0.5 >= pr0f)
        hit = jnp.logical_and(hit, mxv - rxv - 0.5 < pc0f + float(_PC))
        hit = jnp.logical_and(hit, mxv + rxv + 0.5 > pc0f)
        one16 = jnp.full((16,), 1, jnp.int32)
        zero16 = jnp.full((16,), 0, jnp.int32)
        hvbuf[pl.ds(0, 16)] = jnp.where(hit, one16, zero16)
        hb = hvbuf[pl.ds(0, 16)]
        base = j * 16
        for l in range(16):
            hits[cnt] = base + l
            cnt = cnt + hb[l]
        return cnt

    cnt = lax.fori_loop(0, _N // 16, cull_body, 0)

    def hit_body(k, c):
        i = hits[k]
        v = pk[pl.ds(i * 16, 16)]
        mx = v[1]
        my = v[2]
        a = v[3]
        bc = v[4]
        d = v[5]
        cr = v[6]
        cg = v[7]
        cb = v[8]
        lnop = v[9]
        ry = v[10]
        rx = v[11]
        ylo = jnp.maximum(my - ry - 0.5, pr0f).astype(jnp.int32)
        yhi = jnp.minimum(my + ry + 0.5, pr0f + (_PR - 1.0)).astype(jnp.int32) + 1
        inc0 = mx - rx - 0.5 < pc0f + 16.0
        inc1 = mx + rx + 0.5 > pc0f + 16.0

        dx0 = x0v - mx
        u0 = a * dx0 * dx0
        vv0 = bc * dx0
        dx1 = x1v - mx
        u1 = a * dx1 * dx1
        vv1 = bc * dx1

        def half_step(r, off, u, vv, dy, ddy2):
            q = (vv * dy + ddy2) + u
            e = jnp.exp(q)
            bb = (r - pr0) * _PC + off
            tt = t[pl.ds(bb, 16)]
            w = e * tt
            t[pl.ds(bb, 16)] = tt - w
            plsc.addupdate(acc.at[pl.ds(bb, 16)], cr * w)
            plsc.addupdate(acc.at[pl.ds(bb + _PPX, 16)], cg * w)
            plsc.addupdate(acc.at[pl.ds(bb + 2 * _PPX, 16)], cb * w)
            plsc.addupdate(acc.at[pl.ds(bb + 3 * _PPX, 16)], w)

        @pl.when(jnp.logical_and(inc0, inc1))
        def _():
            @plsc.parallel_loop(ylo, yhi, unroll=2)
            def _(r):
                dy = r.astype(jnp.float32) + 0.5 - my
                ddy2 = d * dy * dy + lnop
                half_step(r, 0, u0, vv0, dy, ddy2)
                half_step(r, 16, u1, vv1, dy, ddy2)

        @pl.when(jnp.logical_and(inc0, jnp.logical_not(inc1)))
        def _():
            @plsc.parallel_loop(ylo, yhi, unroll=2)
            def _(r):
                dy = r.astype(jnp.float32) + 0.5 - my
                ddy2 = d * dy * dy + lnop
                half_step(r, 0, u0, vv0, dy, ddy2)

        @pl.when(jnp.logical_and(inc1, jnp.logical_not(inc0)))
        def _():
            @plsc.parallel_loop(ylo, yhi, unroll=2)
            def _(r):
                dy = r.astype(jnp.float32) + 0.5 - my
                ddy2 = d * dy * dy + lnop
                half_step(r, 16, u1, vv1, dy, ddy2)

        return c

    lax.fori_loop(0, cnt, hit_body, 0)

    pltpu.sync_copy(acc, out_hbm.at[wid])


def _tc_raster(n0_ref, pk_ref, out_ref, t_ref):
    out_ref[...] = jnp.zeros_like(out_ref)
    t_ref[...] = jnp.ones_like(t_ref)
    xs = jax.lax.broadcasted_iota(jnp.int32, (1, _W), 1).astype(jnp.float32) + 0.5
    ys = jax.lax.broadcasted_iota(jnp.int32, (_ROWS, 1), 0).astype(jnp.float32) + 0.5

    def body(i, carry):
        ib = i * 16
        mx = pk_ref[ib + 1]
        my = pk_ref[ib + 2]
        r0 = jnp.clip(jnp.floor(my).astype(jnp.int32) - 22, 0, _H - _ROWS)
        r0 = (r0 >> 3) << 3
        dx = xs - mx
        dy = (ys + r0.astype(jnp.float32)) - my
        q = (pk_ref[ib + 5] * dy + pk_ref[ib + 4] * dx) * dy \
            + (pk_ref[ib + 3] * dx) * dx + pk_ref[ib + 9]
        w = jnp.exp(q)
        tt = t_ref[pl.ds(r0, _ROWS), :]
        w = w * tt
        t_ref[pl.ds(r0, _ROWS), :] = tt - w
        out_ref[pl.ds(r0, _ROWS), :] += pk_ref[ib + 6] * w
        out_ref[pl.ds(r0 + _H, _ROWS), :] += pk_ref[ib + 7] * w
        out_ref[pl.ds(r0 + 2 * _H, _ROWS), :] += pk_ref[ib + 8] * w
        out_ref[pl.ds(r0 + 3 * _H, _ROWS), :] += w
        return carry

    jax.lax.fori_loop(0, n0_ref[0], body, 0)


@jax.jit
def kernel(batch_ids, means, sigmas, rhos, colors, opacs):
    c = jnp.cos(rhos[:, 0])
    s = jnp.sin(rhos[:, 0])
    s1 = sigmas[:, 0]
    s2 = sigmas[:, 1]
    i1 = 1.0 / s1
    i2 = 1.0 / s2
    a = -0.5 * (c * c * i1 + s * s * i2)
    d = -0.5 * (s * s * i1 + c * c * i2)
    bc = -0.5 * (2.0 * c * s * (i1 - i2))
    sxx = c * c * s1 + s * s * s2
    syy = s * s * s1 + c * c * s2
    rx = jnp.sqrt(_QMAX * sxx)
    ry = jnp.sqrt(_QMAX * syy)
    bidf = batch_ids.astype(jnp.float32)
    lnop = jnp.log(opacs[:, 0])
    z = jnp.zeros_like(a)
    pk = jnp.stack([
        bidf, means[:, 0], means[:, 1],
        a, bc, d, colors[:, 0], colors[:, 1], colors[:, 2],
        lnop, ry, rx, z, z, z, z,
    ], axis=1).reshape(-1)
    cull = jnp.concatenate([bidf, means[:, 1], ry, means[:, 0], rx])

    out1 = _sc_render(pk, cull)
    out1 = out1.reshape(8, 4, 4, _PR, _PC)
    out1 = out1.transpose(2, 0, 3, 1, 4).reshape(4, _H, _W)

    n0 = jnp.sum(batch_ids == 0).astype(jnp.int32).reshape(1)
    smem = pl.BlockSpec(memory_space=pltpu.SMEM)
    out0 = pl.pallas_call(
        _tc_raster,
        in_specs=[smem] * 2,
        out_specs=pl.BlockSpec(memory_space=pltpu.VMEM),
        out_shape=jax.ShapeDtypeStruct((4 * _H, _W), jnp.float32),
        scratch_shapes=[pltpu.VMEM((_H, _W), jnp.float32)],
    )(n0, pk)
    out0 = out0.reshape(4, _H, _W)

    return jnp.stack([out0, out1], axis=0)

# --- scband reference (transcript-rebuilt; emitter-appended) ---
"""Pipeline reference for scband-gaussian2d-render-24988119728210 (READ-ONLY COPY).

The authoritative reference and input builder live on the scoring server;
editing this copy changes nothing except your own understanding.
"""

import jax, jax.numpy as jnp
import numpy as np

IMAGE_H = 128
IMAGE_W = 128
BATCH = 2
N_GAUSS = 1024


def setup_inputs(seed: int = 0) -> dict:
    key = jax.random.key(seed)
    ks = jax.random.split(key, 6)
    N = N_GAUSS
    batch_ids = jnp.sort(jax.random.randint(ks[0], (N,), 0, BATCH))
    means = jax.random.uniform(ks[1], (N, 2), dtype=jnp.float32) * jnp.array([IMAGE_W, IMAGE_H], dtype=jnp.float32)
    sigmas = jax.random.uniform(ks[2], (N, 2), dtype=jnp.float32) * 9.0 + 1.0
    rhos = jax.random.normal(ks[3], (N, 1), dtype=jnp.float32) * 0.5
    colors = jax.random.uniform(ks[4], (N, 3), dtype=jnp.float32)
    opacs = jax.random.uniform(ks[5], (N, 1), dtype=jnp.float32) * 0.99
    return {"batch_ids": batch_ids, "means": means, "sigmas": sigmas, "rhos": rhos, "colors": colors, "opacs": opacs}


def _inv_covs(sigmas, rhos):
    # Same math as the torch module: inv_cov = R @ diag(1/sigma) @ R^T
    cos = jnp.cos(rhos)
    sin = jnp.sin(rhos)
    zeros = jnp.zeros_like(sin)
    R = jnp.concatenate([cos, -sin, sin, cos], axis=-1).reshape(-1, 2, 2)
    RT = jnp.concatenate([cos, sin, -sin, cos], axis=-1).reshape(-1, 2, 2)
    invds = jnp.concatenate([1.0 / sigmas[:, :1], zeros, zeros, 1.0 / sigmas[:, 1:]], axis=-1).reshape(-1, 2, 2)
    return jnp.einsum('nij,njk->nik', jnp.einsum('nij,njk->nik', R, invds), RT)


def _render(batch_ids, means, inv_covs, colors, opacs):
    # Dense per-pixel alpha compositing in gaussian-index order per batch image.
    # This reproduces the math of the tiled triton renderer (the tile/rect
    # culling + stable key sort are performance optimizations; stable sort
    # preserves gaussian index order within each tile).
    ys = jnp.arange(IMAGE_H, dtype=jnp.float32) + 0.5
    xs = jnp.arange(IMAGE_W, dtype=jnp.float32) + 0.5
    dx = xs[None, None, :] - means[:, 0][:, None, None]  # [N,1,W]
    dy = ys[None, :, None] - means[:, 1][:, None, None]  # [N,H,1]
    a = inv_covs[:, 0, 0][:, None, None]
    bc = (inv_covs[:, 0, 1] + inv_covs[:, 1, 0])[:, None, None]
    d = inv_covs[:, 1, 1][:, None, None]
    q = dx * dx * a + dx * dy * bc + dy * dy * d  # [N,H,W]
    A = opacs[:, 0][:, None, None] * jnp.exp(-0.5 * q)  # [N,H,W]
    onehot = (batch_ids[:, None] == jnp.arange(BATCH)[None, :]).astype(A.dtype)  # [N,B]
    outs = []
    for b in range(BATCH):
        A_b = A * onehot[:, b][:, None, None]
        keep = 1.0 - A_b
        Tc = jnp.cumprod(keep, axis=0)
        T_excl = jnp.concatenate([jnp.ones((1, IMAGE_H, IMAGE_W), A.dtype), Tc[:-1]], axis=0)
        w = A_b * T_excl  # [N,H,W] compositing weights
        rgb = jnp.einsum('nhw,nc->chw', w, colors)  # [3,H,W]
        occ = jnp.sum(w, axis=0)  # [H,W] accumulated opacity
        outs.append(jnp.concatenate([rgb, occ[None]], axis=0))
    return jnp.stack(outs, axis=0)  # [B,4,H,W]


def reference(batch_ids, means, sigmas, rhos, colors, opacs):
    inv_covs = _inv_covs(sigmas, rhos)
    return _render(batch_ids, means, inv_covs, colors, opacs)

if __name__ == "__main__":
    import jax
    _d = setup_inputs()
    print(jax.jit(kernel)(*tuple(_d.values())))

</pallas_src>

<mosaic_0001>
#map = affine_map<(d0, d1) -> (0)>
#map1 = affine_map<(d0, d1) -> (0, 0)>
module attributes {stable_mosaic.version = 14 : i64} {
  func.func @_sc_render(%arg0: i32, %arg1: i32, %arg2: memref<16384xf32, #tpu.memory_space<hbm>>, %arg3: memref<5120xf32, #tpu.memory_space<hbm>>, %arg4: memref<32x2048xf32, #tpu.memory_space<hbm>>, %arg5: memref<16384xf32, #tpu.memory_space<vmem>>, %arg6: memref<5120xf32, #tpu.memory_space<vmem>>, %arg7: memref<1025xi32, #tpu.memory_space<smem>>, %arg8: memref<16xi32, #tpu.memory_space<vmem>>, %arg9: memref<512xf32, #tpu.memory_space<vmem>>, %arg10: memref<2048xf32, #tpu.memory_space<vmem>>) attributes {dimension_semantics = [#tpu.dimension_semantics<core_parallel>, #tpu.dimension_semantics<subcore_parallel>], iteration_bounds = array<i64: 2, 16>, scalar_prefetch = 0 : i64, scratch_operands = 6 : i64, tpu.core_type = #tpu.core_type<sc_vector_subcore>, window_params = [{transform_indices = #map}, {transform_indices = #map}, {transform_indices = #map1}]} {
    %mul3A = arith.constant 2 : i32
    %mul3A_0 = arith.muli %arg1, %mul3A : i32
    %add3A = arith.addi %mul3A_0, %arg0 : i32
    %jit3A = arith.constant 4 : i32
    %div3A = arith.divsi %add3A, %jit3A : i32
    %sign3A = arith.constant 0 : i32
    %sign3A_1 = arith.cmpi sgt, %add3A, %sign3A : i32
    %sign3A_2 = arith.extui %sign3A_1 : i1 to i32
    %sign3A_3 = arith.constant 0 : i32
    %sign3A_4 = arith.cmpi slt, %add3A, %sign3A_3 : i32
    %sign3A_5 = arith.extui %sign3A_4 : i1 to i32
    %sign3A_6 = arith.subi %sign3A_2, %sign3A_5 : i32
    %sign3A_7 = arith.constant 0 : i32
    %sign3A_8 = arith.cmpi sgt, %jit3A, %sign3A_7 : i32
    %sign3A_9 = arith.extui %sign3A_8 : i1 to i32
    %sign3A_10 = arith.constant 0 : i32
    %sign3A_11 = arith.cmpi slt, %jit3A, %sign3A_10 : i32
    %sign3A_12 = arith.extui %sign3A_11 : i1 to i32
    %sign3A_13 = arith.subi %sign3A_9, %sign3A_12 : i32
    %ne3A = arith.cmpi ne, %sign3A_6, %sign3A_13 : i32
    %rem3A = arith.remsi %add3A, %jit3A : i32
    %ne3A_14 = arith.constant 0 : i32
    %ne3A_15 = arith.cmpi ne, %rem3A, %ne3A_14 : i32
    %and3A = arith.andi %ne3A, %ne3A_15 : i1
    %sub3A = arith.constant 1 : i32
    %sub3A_16 = arith.subi %div3A, %sub3A : i32
    %select_n3A = arith.select %and3A, %sub3A_16, %div3A : i32
    %mul3A_17 = arith.constant 16 : i32
    %mul3A_18 = arith.muli %select_n3A, %mul3A_17 : i32
    %jit3A_19 = arith.constant 4 : i32
    %eq3A = arith.constant 0 : i32
    %eq3A_20 = arith.cmpi eq, %jit3A_19, %eq3A : i32
    %jit3A_21 = arith.constant 1 : i32
    %select_n3A_22 = arith.select %eq3A_20, %jit3A_21, %jit3A_19 : i32
    %rem3A_23 = arith.remsi %add3A, %select_n3A_22 : i32
    %ne3A_24 = arith.constant 0 : i32
    %ne3A_25 = arith.cmpi ne, %rem3A_23, %ne3A_24 : i32
    %lt3A = arith.constant 0 : i32
    %lt3A_26 = arith.cmpi slt, %rem3A_23, %lt3A : i32
    %lt3A_27 = arith.constant 0 : i32
    %lt3A_28 = arith.cmpi slt, %select_n3A_22, %lt3A_27 : i32
    %ne3A_29 = arith.xori %lt3A_26, %lt3A_28 : i1
    %and3A_30 = arith.andi %ne3A_29, %ne3A_25 : i1
    %add3A_31 = arith.addi %rem3A_23, %select_n3A_22 : i32
    %select_n3A_32 = arith.select %and3A_30, %add3A_31, %rem3A_23 : i32
    %mul3A_33 = arith.constant 32 : i32
    %mul3A_34 = arith.muli %select_n3A_32, %mul3A_33 : i32
    %convert_element_type3A = arith.sitofp %mul3A_18 : i32 to f32
    %convert_element_type3A_35 = arith.sitofp %mul3A_34 : i32 to f32
    "tpu.region"() ({
      %run_scoped3A = tpu.sem_alloc : memref<!tpu.dma_semaphore, #tpu.memory_space<semaphore_mem>>
      tpu.enqueue_dma source(%arg2 : memref<16384xf32, #tpu.memory_space<hbm>>) target(%arg5 : memref<16384xf32, #tpu.memory_space<vmem>>) target_semaphore(%run_scoped3A : memref<!tpu.dma_semaphore, #tpu.memory_space<semaphore_mem>>)
      tpu.wait_dma2 semaphore(%run_scoped3A : memref<!tpu.dma_semaphore, #tpu.memory_space<semaphore_mem>>) src(%arg2 : memref<16384xf32, #tpu.memory_space<hbm>>) dst(%arg5 : memref<16384xf32, #tpu.memory_space<vmem>>)
      tpu.yield
    }) : () -> ()
    "tpu.region"() ({
      %run_scoped3A = tpu.sem_alloc : memref<!tpu.dma_semaphore, #tpu.memory_space<semaphore_mem>>
      tpu.enqueue_dma source(%arg3 : memref<5120xf32, #tpu.memory_space<hbm>>) target(%arg6 : memref<5120xf32, #tpu.memory_space<vmem>>) target_semaphore(%run_scoped3A : memref<!tpu.dma_semaphore, #tpu.memory_space<semaphore_mem>>)
      tpu.wait_dma2 semaphore(%run_scoped3A : memref<!tpu.dma_semaphore, #tpu.memory_space<semaphore_mem>>) src(%arg3 : memref<5120xf32, #tpu.memory_space<hbm>>) dst(%arg6 : memref<5120xf32, #tpu.memory_space<vmem>>)
      tpu.yield
    }) : () -> ()
    %broadcast_in_dim3A = arith.constant 1.000000e+00 : f32
    %broadcast_in_dim3A_36 = vector.broadcast %broadcast_in_dim3A : f32 to vector<16xf32>
    %broadcast_in_dim3A_37 = arith.constant 0.000000e+00 : f32
    %broadcast_in_dim3A_38 = vector.broadcast %broadcast_in_dim3A_37 : f32 to vector<16xf32>
    %scan3A = arith.constant 0 : i32
    %scan3A_39 = arith.constant 0 : i32
    %scan3A_40 = arith.constant 32 : i32
    %scan3A_41 = arith.addi %scan3A_39, %scan3A_40 : i32
    %scan3A_42 = arith.constant 1 : i32
    scf.for %scan3A_75 = %scan3A_39 to %scan3A_41 step %scan3A_42  : i32 {
      %mul3A_76 = arith.constant 16 : i32
      %mul3A_77 = arith.muli %scan3A_75, %mul3A_76 : i32
      %swap3A = arith.index_cast %mul3A_77 : i32 to index
      %swap3A_78 = tpu.vector_load %arg9[%swap3A] {strides = array<i32>} : memref<512xf32, #tpu.memory_space<vmem>>, vector<16xf32>,
      %swap3A_79 = vector.shape_cast %swap3A_78 : vector<16xf32> to vector<16xf32>
      %swap3A_80 = vector.shape_cast %broadcast_in_dim3A_36 : vector<16xf32> to vector<16xf32>
      tpu.vector_store %arg9[%swap3A], %swap3A_80 {strides = array<i32>} : memref<512xf32, #tpu.memory_space<vmem>>, vector<16xf32>,
    }
    %scan3A_43 = arith.constant 32 : i32
    %scan3A_44 = arith.constant 0 : i32
    %scan3A_45 = arith.constant 0 : i32
    %scan3A_46 = arith.constant 128 : i32
    %scan3A_47 = arith.addi %scan3A_45, %scan3A_46 : i32
    %scan3A_48 = arith.constant 1 : i32
    scf.for %scan3A_75 = %scan3A_45 to %scan3A_47 step %scan3A_48  : i32 {
      %mul3A_76 = arith.constant 16 : i32
      %mul3A_77 = arith.muli %scan3A_75, %mul3A_76 : i32
      %swap3A = arith.index_cast %mul3A_77 : i32 to index
      %swap3A_78 = tpu.vector_load %arg10[%swap3A] {strides = array<i32>} : memref<2048xf32, #tpu.memory_space<vmem>>, vector<16xf32>,
      %swap3A_79 = vector.shape_cast %swap3A_78 : vector<16xf32> to vector<16xf32>
      %swap3A_80 = vector.shape_cast %broadcast_in_dim3A_38 : vector<16xf32> to vector<16xf32>
      tpu.vector_store %arg10[%swap3A], %swap3A_80 {strides = array<i32>} : memref<2048xf32, #tpu.memory_space<vmem>>, vector<16xf32>,
    }
    %scan3A_49 = arith.constant 128 : i32
    %iota3A = tpu.iota {dimensions = array<i32: 0>} : vector<16xi32>
    %convert_element_type3A_50 = arith.sitofp %iota3A : vector<16xi32> to vector<16xf32>
    %add3A_51 = arith.constant 5.000000e-01 : f32
    %add3A_52 = vector.broadcast %add3A_51 : f32 to vector<16xf32>
    %add3A_53 = arith.addf %convert_element_type3A_50, %add3A_52 : vector<16xf32>
    %add3A_54 = vector.broadcast %convert_element_type3A_35 : f32 to vector<16xf32>
    %add3A_55 = arith.addf %add3A_53, %add3A_54 : vector<16xf32>
    %add3A_56 = arith.constant 1.600000e+01 : f32
    %add3A_57 = vector.broadcast %add3A_56 : f32 to vector<16xf32>
    %add3A_58 = arith.addf %add3A_55, %add3A_57 : vector<16xf32>
    %scan3A_59 = arith.constant 0 : i32
    %scan3A_60 = arith.constant 0 : i32
    %scan3A_61 = arith.constant 64 : i32
    %scan3A_62 = arith.addi %scan3A_60, %scan3A_61 : i32
    %scan3A_63 = arith.constant 1 : i32
    %scan3A_64 = scf.for %scan3A_75 = %scan3A_60 to %scan3A_62 step %scan3A_63 iter_args(%scan3A_76 = %scan3A_59) -> (i32)  : i32 {
      %mul3A_77 = arith.constant 16 : i32
      %mul3A_78 = arith.muli %scan3A_75, %mul3A_77 : i32
      %get3A = arith.index_cast %mul3A_78 : i32 to index
      %get3A_79 = tpu.vector_load %arg6[%get3A] {strides = array<i32>} : memref<5120xf32, #tpu.memory_space<vmem>>, vector<16xf32>,
      %get3A_80 = vector.shape_cast %get3A_79 : vector<16xf32> to vector<16xf32>
      %add3A_81 = arith.constant 1024 : i32
      %add3A_82 = arith.addi %mul3A_78, %add3A_81 : i32
      %get3A_83 = arith.index_cast %add3A_82 : i32 to index
      %get3A_84 = tpu.vector_load %arg6[%get3A_83] {strides = array<i32>} : memref<5120xf32, #tpu.memory_space<vmem>>, vector<16xf32>,
      %get3A_85 = vector.shape_cast %get3A_84 : vector<16xf32> to vector<16xf32>
      %add3A_86 = arith.constant 2048 : i32
      %add3A_87 = arith.addi %mul3A_78, %add3A_86 : i32
      %get3A_88 = arith.index_cast %add3A_87 : i32 to index
      %get3A_89 = tpu.vector_load %arg6[%get3A_88] {strides = array<i32>} : memref<5120xf32, #tpu.memory_space<vmem>>, vector<16xf32>,
      %get3A_90 = vector.shape_cast %get3A_89 : vector<16xf32> to vector<16xf32>
      %add3A_91 = arith.constant 3072 : i32
      %add3A_92 = arith.addi %mul3A_78, %add3A_91 : i32
      %get3A_93 = arith.index_cast %add3A_92 : i32 to index
      %get3A_94 = tpu.vector_load %arg6[%get3A_93] {strides = array<i32>} : memref<5120xf32, #tpu.memory_space<vmem>>, vector<16xf32>,
      %get3A_95 = vector.shape_cast %get3A_94 : vector<16xf32> to vector<16xf32>
      %add3A_96 = arith.constant 4096 : i32
      %add3A_97 = arith.addi %mul3A_78, %add3A_96 : i32
      %get3A_98 = arith.index_cast %add3A_97 : i32 to index
      %get3A_99 = tpu.vector_load %arg6[%get3A_98] {strides = array<i32>} : memref<5120xf32, #tpu.memory_space<vmem>>, vector<16xf32>,
      %get3A_100 = vector.shape_cast %get3A_99 : vector<16xf32> to vector<16xf32>
      %eq3A_101 = arith.constant 1.000000e+00 : f32
      %eq3A_102 = vector.broadcast %eq3A_101 : f32 to vector<16xf32>
      %eq3A_103 = arith.cmpf oeq, %get3A_80, %eq3A_102 : vector<16xf32>
      %sub3A_104 = arith.subf %get3A_85, %get3A_90 : vector<16xf32>
      %sub3A_105 = arith.constant 5.000000e-01 : f32
      %sub3A_106 = vector.broadcast %sub3A_105 : f32 to vector<16xf32>
      %sub3A_107 = arith.subf %sub3A_104, %sub3A_106 : vector<16xf32>
      %add3A_108 = arith.constant 1.500000e+01 : f32
      %add3A_109 = arith.addf %convert_element_type3A, %add3A_108 : f32
      %le3A = vector.broadcast %add3A_109 : f32 to vector<16xf32>
      %le3A_110 = arith.cmpf ole, %sub3A_107, %le3A : vector<16xf32>
      %and3A_111 = arith.andi %eq3A_103, %le3A_110 : vector<16xi1>
      %add3A_112 = arith.addf %get3A_85, %get3A_90 : vector<16xf32>
      %add3A_113 = arith.constant 5.000000e-01 : f32
      %add3A_114 = vector.broadcast %add3A_113 : f32 to vector<16xf32>
      %add3A_115 = arith.addf %add3A_112, %add3A_114 : vector<16xf32>
      %ge3A = vector.broadcast %convert_element_type3A : f32 to vector<16xf32>
      %ge3A_116 = arith.cmpf oge, %add3A_115, %ge3A : vector<16xf32>
      %and3A_117 = arith.andi %and3A_111, %ge3A_116 : vector<16xi1>
      %sub3A_118 = arith.subf %get3A_95, %get3A_100 : vector<16xf32>
      %sub3A_119 = arith.constant 5.000000e-01 : f32
      %sub3A_120 = vector.broadcast %sub3A_119 : f32 to vector<16xf32>
      %sub3A_121 = arith.subf %sub3A_118, %sub3A_120 : vector<16xf32>
      %add3A_122 = arith.constant 3.200000e+01 : f32
      %add3A_123 = arith.addf %convert_element_type3A_35, %add3A_122 : f32
      %lt3A_124 = vector.broadcast %add3A_123 : f32 to vector<16xf32>
      %lt3A_125 = arith.cmpf olt, %sub3A_121, %lt3A_124 : vector<16xf32>
      %and3A_126 = arith.andi %and3A_117, %lt3A_125 : vector<16xi1>
      %add3A_127 = arith.addf %get3A_95, %get3A_100 : vector<16xf32>
      %add3A_128 = arith.constant 5.000000e-01 : f32
      %add3A_129 = vector.broadcast %add3A_128 : f32 to vector<16xf32>
      %add3A_130 = arith.addf %add3A_127, %add3A_129 : vector<16xf32>
      %gt3A = vector.broadcast %convert_element_type3A_35 : f32 to vector<16xf32>
      %gt3A_131 = arith.cmpf ogt, %add3A_130, %gt3A : vector<16xf32>
      %and3A_132 = arith.andi %and3A_126, %gt3A_131 : vector<16xi1>
      %broadcast_in_dim3A_133 = arith.constant 1 : i32
      %broadcast_in_dim3A_134 = vector.broadcast %broadcast_in_dim3A_133 : i32 to vector<16xi32>
      %broadcast_in_dim3A_135 = arith.constant 0 : i32
      %broadcast_in_dim3A_136 = vector.broadcast %broadcast_in_dim3A_135 : i32 to vector<16xi32>
      %select_n3A_137 = arith.select %and3A_132, %broadcast_in_dim3A_134, %broadcast_in_dim3A_136 : vector<16xi1>, vector<16xi32>
      %swap3A = arith.constant 0 : index
      %swap3A_138 = tpu.vector_load %arg8[%swap3A] {strides = array<i32>} : memref<16xi32, #tpu.memory_space<vmem>>, vector<16xi32>,
      %swap3A_139 = vector.shape_cast %swap3A_138 : vector<16xi32> to vector<16xi32>
      %swap3A_140 = vector.shape_cast %select_n3A_137 : vector<16xi32> to vector<16xi32>
      tpu.vector_store %arg8[%swap3A], %swap3A_140 {strides = array<i32>} : memref<16xi32, #tpu.memory_space<vmem>>, vector<16xi32>,
      %get3A_141 = arith.constant 0 : index
      %get3A_142 = tpu.vector_load %arg8[%get3A_141] {strides = array<i32>} : memref<16xi32, #tpu.memory_space<vmem>>, vector<16xi32>,
      %get3A_143 = vector.shape_cast %get3A_142 : vector<16xi32> to vector<16xi32>
      %mul3A_144 = arith.constant 16 : i32
      %mul3A_145 = arith.muli %scan3A_75, %mul3A_144 : i32
      %add3A_146 = arith.constant 0 : i32
      %add3A_147 = arith.addi %mul3A_145, %add3A_146 : i32
      %swap3A_148 = arith.index_cast %scan3A_76 : i32 to index
      %swap3A_149 = memref.load %arg7[%swap3A_148] : memref<1025xi32, #tpu.memory_space<smem>>
      memref.store %add3A_147, %arg7[%swap3A_148] : memref<1025xi32, #tpu.memory_space<smem>>
      %slice3A = vector.extract_strided_slice %get3A_143 {offsets = [0], sizes = [1], strides = [1]} : vector<16xi32> to vector<1xi32>
      %squeeze3A = vector.extract %slice3A[0] : i32 from vector<1xi32>
      %add3A_150 = arith.addi %scan3A_76, %squeeze3A : i32
      %add3A_151 = arith.constant 1 : i32
      %add3A_152 = arith.addi %mul3A_145, %add3A_151 : i32
      %swap3A_153 = arith.index_cast %add3A_150 : i32 to index
      %swap3A_154 = memref.load %arg7[%swap3A_153] : memref<1025xi32, #tpu.memory_space<smem>>
      memref.store %add3A_152, %arg7[%swap3A_153] : memref<1025xi32, #tpu.memory_space<smem>>
      %slice3A_155 = vector.extract_strided_slice %get3A_143 {offsets = [1], sizes = [1], strides = [1]} : vector<16xi32> to vector<1xi32>
      %squeeze3A_156 = vector.extract %slice3A_155[0] : i32 from vector<1xi32>
      %add3A_157 = arith.addi %add3A_150, %squeeze3A_156 : i32
      %add3A_158 = arith.constant 2 : i32
      %add3A_159 = arith.addi %mul3A_145, %add3A_158 : i32
      %swap3A_160 = arith.index_cast %add3A_157 : i32 to index
      %swap3A_161 = memref.load %arg7[%swap3A_160] : memref<1025xi32, #tpu.memory_space<smem>>
      memref.store %add3A_159, %arg7[%swap3A_160] : memref<1025xi32, #tpu.memory_space<smem>>
      %slice3A_162 = vector.extract_strided_slice %get3A_143 {offsets = [2], sizes = [1], strides = [1]} : vector<16xi32> to vector<1xi32>
      %squeeze3A_163 = vector.extract %slice3A_162[0] : i32 from vector<1xi32>
      %add3A_164 = arith.addi %add3A_157, %squeeze3A_163 : i32
      %add3A_165 = arith.constant 3 : i32
      %add3A_166 = arith.addi %mul3A_145, %add3A_165 : i32
      %swap3A_167 = arith.index_cast %add3A_164 : i32 to index
      %swap3A_168 = memref.load %arg7[%swap3A_167] : memref<1025xi32, #tpu.memory_space<smem>>
      memref.store %add3A_166, %arg7[%swap3A_167] : memref<1025xi32, #tpu.memory_space<smem>>
      %slice3A_169 = vector.extract_strided_slice %get3A_143 {offsets = [3], sizes = [1], strides = [1]} : vector<16xi32> to vector<1xi32>
      %squeeze3A_170 = vector.extract %slice3A_169[0] : i32 from vector<1xi32>
      %add3A_171 = arith.addi %add3A_164, %squeeze3A_170 : i32
      %add3A_172 = arith.constant 4 : i32
      %add3A_173 = arith.addi %mul3A_145, %add3A_172 : i32
      %swap3A_174 = arith.index_cast %add3A_171 : i32 to index
      %swap3A_175 = memref.load %arg7[%swap3A_174] : memref<1025xi32, #tpu.memory_space<smem>>
      memref.store %add3A_173, %arg7[%swap3A_174] : memref<1025xi32, #tpu.memory_space<smem>>
      %slice3A_176 = vector.extract_strided_slice %get3A_143 {offsets = [4], sizes = [1], strides = [1]} : vector<16xi32> to vector<1xi32>
      %squeeze3A_177 = vector.extract %slice3A_176[0] : i32 from vector<1xi32>
      %add3A_178 = arith.addi %add3A_171, %squeeze3A_177 : i32
      %add3A_179 = arith.constant 5 : i32
      %add3A_180 = arith.addi %mul3A_145, %add3A_179 : i32
      %swap3A_181 = arith.index_cast %add3A_178 : i32 to index
      %swap3A_182 = memref.load %arg7[%swap3A_181] : memref<1025xi32, #tpu.memory_space<smem>>
      memref.store %add3A_180, %arg7[%swap3A_181] : memref<1025xi32, #tpu.memory_space<smem>>
      %slice3A_183 = vector.extract_strided_slice %get3A_143 {offsets = [5], sizes = [1], strides = [1]} : vector<16xi32> to vector<1xi32>
      %squeeze3A_184 = vector.extract %slice3A_183[0] : i32 from vector<1xi32>
      %add3A_185 = arith.addi %add3A_178, %squeeze3A_184 : i32
      %add3A_186 = arith.constant 6 : i32
      %add3A_187 = arith.addi %mul3A_145, %add3A_186 : i32
      %swap3A_188 = arith.index_cast %add3A_185 : i32 to index
      %swap3A_189 = memref.load %arg7[%swap3A_188] : memref<1025xi32, #tpu.memory_space<smem>>
      memref.store %add3A_187, %arg7[%swap3A_188] : memref<1025xi32, #tpu.memory_space<smem>>
      %slice3A_190 = vector.extract_strided_slice %get3A_143 {offsets = [6], sizes = [1], strides = [1]} : vector<16xi32> to vector<1xi32>
      %squeeze3A_191 = vector.extract %slice3A_190[0] : i32 from vector<1xi32>
      %add3A_192 = arith.addi %add3A_185, %squeeze3A_191 : i32
      %add3A_193 = arith.constant 7 : i32
      %add3A_194 = arith.addi %mul3A_145, %add3A_193 : i32
      %swap3A_195 = arith.index_cast %add3A_192 : i32 to index
      %swap3A_196 = memref.load %arg7[%swap3A_195] : memref<1025xi32, #tpu.memory_space<smem>>
      memref.store %add3A_194, %arg7[%swap3A_195] : memref<1025xi32, #tpu.memory_space<smem>>
      %slice3A_197 = vector.extract_strided_slice %get3A_143 {offsets = [7], sizes = [1], strides = [1]} : vector<16xi32> to vector<1xi32>
      %squeeze3A_198 = vector.extract %slice3A_197[0] : i32 from vector<1xi32>
      %add3A_199 = arith.addi %add3A_192, %squeeze3A_198 : i32
      %add3A_200 = arith.constant 8 : i32
      %add3A_201 = arith.addi %mul3A_145, %add3A_200 : i32
      %swap3A_202 = arith.index_cast %add3A_199 : i32 to index
      %swap3A_203 = memref.load %arg7[%swap3A_202] : memref<1025xi32, #tpu.memory_space<smem>>
      memref.store %add3A_201, %arg7[%swap3A_202] : memref<1025xi32, #tpu.memory_space<smem>>
      %slice3A_204 = vector.extract_strided_slice %get3A_143 {offsets = [8], sizes = [1], strides = [1]} : vector<16xi32> to vector<1xi32>
      %squeeze3A_205 = vector.extract %slice3A_204[0] : i32 from vector<1xi32>
      %add3A_206 = arith.addi %add3A_199, %squeeze3A_205 : i32
      %add3A_207 = arith.constant 9 : i32
      %add3A_208 = arith.addi %mul3A_145, %add3A_207 : i32
      %swap3A_209 = arith.index_cast %add3A_206 : i32 to index
      %swap3A_210 = memref.load %arg7[%swap3A_209] : memref<1025xi32, #tpu.memory_space<smem>>
      memref.store %add3A_208, %arg7[%swap3A_209] : memref<1025xi32, #tpu.memory_space<smem>>
      %slice3A_211 = vector.extract_strided_slice %get3A_143 {offsets = [9], sizes = [1], strides = [1]} : vector<16xi32> to vector<1xi32>
      %squeeze3A_212 = vector.extract %slice3A_211[0] : i32 from vector<1xi32>
      %add3A_213 = arith.addi %add3A_206, %squeeze3A_212 : i32
      %add3A_214 = arith.constant 10 : i32
      %add3A_215 = arith.addi %mul3A_145, %add3A_214 : i32
      %swap3A_216 = arith.index_cast %add3A_213 : i32 to index
      %swap3A_217 = memref.load %arg7[%swap3A_216] : memref<1025xi32, #tpu.memory_space<smem>>
      memref.store %add3A_215, %arg7[%swap3A_216] : memref<1025xi32, #tpu.memory_space<smem>>
      %slice3A_218 = vector.extract_strided_slice %get3A_143 {offsets = [10], sizes = [1], strides = [1]} : vector<16xi32> to vector<1xi32>
      %squeeze3A_219 = vector.extract %slice3A_218[0] : i32 from vector<1xi32>
      %add3A_220 = arith.addi %add3A_213, %squeeze3A_219 : i32
      %add3A_221 = arith.constant 11 : i32
      %add3A_222 = arith.addi %mul3A_145, %add3A_221 : i32
      %swap3A_223 = arith.index_cast %add3A_220 : i32 to index
      %swap3A_224 = memref.load %arg7[%swap3A_223] : memref<1025xi32, #tpu.memory_space<smem>>
      memref.store %add3A_222, %arg7[%swap3A_223] : memref<1025xi32, #tpu.memory_space<smem>>
      %slice3A_225 = vector.extract_strided_slice %get3A_143 {offsets = [11], sizes = [1], strides = [1]} : vector<16xi32> to vector<1xi32>
      %squeeze3A_226 = vector.extract %slice3A_225[0] : i32 from vector<1xi32>
      %add3A_227 = arith.addi %add3A_220, %squeeze3A_226 : i32
      %add3A_228 = arith.constant 12 : i32
      %add3A_229 = arith.addi %mul3A_145, %add3A_228 : i32
      %swap3A_230 = arith.index_cast %add3A_227 : i32 to index
      %swap3A_231 = memref.load %arg7[%swap3A_230] : memref<1025xi32, #tpu.memory_space<smem>>
      memref.store %add3A_229, %arg7[%swap3A_230] : memref<1025xi32, #tpu.memory_space<smem>>
      %slice3A_232 = vector.extract_strided_slice %get3A_143 {offsets = [12], sizes = [1], strides = [1]} : vector<16xi32> to vector<1xi32>
      %squeeze3A_233 = vector.extract %slice3A_232[0] : i32 from vector<1xi32>
      %add3A_234 = arith.addi %add3A_227, %squeeze3A_233 : i32
      %add3A_235 = arith.constant 13 : i32
      %add3A_236 = arith.addi %mul3A_145, %add3A_235 : i32
      %swap3A_237 = arith.index_cast %add3A_234 : i32 to index
      %swap3A_238 = memref.load %arg7[%swap3A_237] : memref<1025xi32, #tpu.memory_space<smem>>
      memref.store %add3A_236, %arg7[%swap3A_237] : memref<1025xi32, #tpu.memory_space<smem>>
      %slice3A_239 = vector.extract_strided_slice %get3A_143 {offsets = [13], sizes = [1], strides = [1]} : vector<16xi32> to vector<1xi32>
      %squeeze3A_240 = vector.extract %slice3A_239[0] : i32 from vector<1xi32>
      %add3A_241 = arith.addi %add3A_234, %squeeze3A_240 : i32
      %add3A_242 = arith.constant 14 : i32
      %add3A_243 = arith.addi %mul3A_145, %add3A_242 : i32
      %swap3A_244 = arith.index_cast %add3A_241 : i32 to index
      %swap3A_245 = memref.load %arg7[%swap3A_244] : memref<1025xi32, #tpu.memory_space<smem>>
      memref.store %add3A_243, %arg7[%swap3A_244] : memref<1025xi32, #tpu.memory_space<smem>>
      %slice3A_246 = vector.extract_strided_slice %get3A_143 {offsets = [14], sizes = [1], strides = [1]} : vector<16xi32> to vector<1xi32>
      %squeeze3A_247 = vector.extract %slice3A_246[0] : i32 from vector<1xi32>
      %add3A_248 = arith.addi %add3A_241, %squeeze3A_247 : i32
      %add3A_249 = arith.constant 15 : i32
      %add3A_250 = arith.addi %mul3A_145, %add3A_249 : i32
      %swap3A_251 = arith.index_cast %add3A_248 : i32 to index
      %swap3A_252 = memref.load %arg7[%swap3A_251] : memref<1025xi32, #tpu.memory_space<smem>>
      memref.store %add3A_250, %arg7[%swap3A_251] : memref<1025xi32, #tpu.memory_space<smem>>
      %slice3A_253 = vector.extract_strided_slice %get3A_143 {offsets = [15], sizes = [1], strides = [1]} : vector<16xi32> to vector<1xi32>
      %squeeze3A_254 = vector.extract %slice3A_253[0] : i32 from vector<1xi32>
      %add3A_255 = arith.addi %add3A_248, %squeeze3A_254 : i32
      scf.yield %add3A_255 : i32
    }
    %scan3A_65 = arith.constant 64 : i32
    %while3A = arith.constant 0 : i32
    %while3A_66 = arith.constant 0 : i32
    %while3A_67 = arith.subi %scan3A_64, %while3A_66 : i32
    %while3A_68 = arith.addi %while3A_66, %while3A_67 : i32
    %while3A_69 = arith.constant 1 : i32
    %while3A_70 = arith.divsi %while3A_67, %while3A_69 : i32
    %while3A_71 = arith.muli %while3A_70, %while3A_69 : i32
    %while3A_72 = arith.addi %while3A_66, %while3A_71 : i32
    %while3A_73 = arith.constant 1 : i32
    scf.for %while3A_75 = %while3A_66 to %while3A_72 step %while3A_73  : i32 {
      %get3A = arith.index_cast %while3A_75 : i32 to index
      %get3A_76 = memref.load %arg7[%get3A] : memref<1025xi32, #tpu.memory_space<smem>>
      %mul3A_77 = arith.constant 16 : i32
      %mul3A_78 = arith.muli %get3A_76, %mul3A_77 : i32
      %get3A_79 = arith.index_cast %mul3A_78 : i32 to index
      %get3A_80 = tpu.vector_load %arg5[%get3A_79] {strides = array<i32>} : memref<16384xf32, #tpu.memory_space<vmem>>, vector<16xf32>,
      %get3A_81 = vector.shape_cast %get3A_80 : vector<16xf32> to vector<16xf32>
      %slice3A = vector.extract_strided_slice %get3A_81 {offsets = [1], sizes = [1], strides = [1]} : vector<16xf32> to vector<1xf32>
      %squeeze3A = vector.extract %slice3A[0] : f32 from vector<1xf32>
      %slice3A_82 = vector.extract_strided_slice %get3A_81 {offsets = [2], sizes = [1], strides = [1]} : vector<16xf32> to vector<1xf32>
      %squeeze3A_83 = vector.extract %slice3A_82[0] : f32 from vector<1xf32>
      %slice3A_84 = vector.extract_strided_slice %get3A_81 {offsets = [3], sizes = [1], strides = [1]} : vector<16xf32> to vector<1xf32>
      %squeeze3A_85 = vector.extract %slice3A_84[0] : f32 from vector<1xf32>
      %slice3A_86 = vector.extract_strided_slice %get3A_81 {offsets = [4], sizes = [1], strides = [1]} : vector<16xf32> to vector<1xf32>
      %squeeze3A_87 = vector.extract %slice3A_86[0] : f32 from vector<1xf32>
      %slice3A_88 = vector.extract_strided_slice %get3A_81 {offsets = [5], sizes = [1], strides = [1]} : vector<16xf32> to vector<1xf32>
      %squeeze3A_89 = vector.extract %slice3A_88[0] : f32 from vector<1xf32>
      %slice3A_90 = vector.extract_strided_slice %get3A_81 {offsets = [6], sizes = [1], strides = [1]} : vector<16xf32> to vector<1xf32>
      %squeeze3A_91 = vector.extract %slice3A_90[0] : f32 from vector<1xf32>
      %slice3A_92 = vector.extract_strided_slice %get3A_81 {offsets = [7], sizes = [1], strides = [1]} : vector<16xf32> to vector<1xf32>
      %squeeze3A_93 = vector.extract %slice3A_92[0] : f32 from vector<1xf32>
      %slice3A_94 = vector.extract_strided_slice %get3A_81 {offsets = [8], sizes = [1], strides = [1]} : vector<16xf32> to vector<1xf32>
      %squeeze3A_95 = vector.extract %slice3A_94[0] : f32 from vector<1xf32>
      %slice3A_96 = vector.extract_strided_slice %get3A_81 {offsets = [9], sizes = [1], strides = [1]} : vector<16xf32> to vector<1xf32>
      %squeeze3A_97 = vector.extract %slice3A_96[0] : f32 from vector<1xf32>
      %slice3A_98 = vector.extract_strided_slice %get3A_81 {offsets = [10], sizes = [1], strides = [1]} : vector<16xf32> to vector<1xf32>
      %squeeze3A_99 = vector.extract %slice3A_98[0] : f32 from vector<1xf32>
      %slice3A_100 = vector.extract_strided_slice %get3A_81 {offsets = [11], sizes = [1], strides = [1]} : vector<16xf32> to vector<1xf32>
      %squeeze3A_101 = vector.extract %slice3A_100[0] : f32 from vector<1xf32>
      %sub3A_102 = arith.subf %squeeze3A_83, %squeeze3A_99 : f32
      %sub3A_103 = arith.constant 5.000000e-01 : f32
      %sub3A_104 = arith.subf %sub3A_102, %sub3A_103 : f32
      %max3A = arith.maximumf %sub3A_104, %convert_element_type3A : f32
      %convert_element_type3A_105 = arith.fptosi %max3A : f32 to i32
      %add3A_106 = arith.addf %squeeze3A_83, %squeeze3A_99 : f32
      %add3A_107 = arith.constant 5.000000e-01 : f32
      %add3A_108 = arith.addf %add3A_106, %add3A_107 : f32
      %add3A_109 = arith.constant 1.500000e+01 : f32
      %add3A_110 = arith.addf %convert_element_type3A, %add3A_109 : f32
      %min3A = arith.minimumf %add3A_108, %add3A_110 : f32
      %convert_element_type3A_111 = arith.fptosi %min3A : f32 to i32
      %add3A_112 = arith.constant 1 : i32
      %add3A_113 = arith.addi %convert_element_type3A_111, %add3A_112 : i32
      %sub3A_114 = arith.subf %squeeze3A, %squeeze3A_101 : f32
      %sub3A_115 = arith.constant 5.000000e-01 : f32
      %sub3A_116 = arith.subf %sub3A_114, %sub3A_115 : f32
      %add3A_117 = arith.constant 1.600000e+01 : f32
      %add3A_118 = arith.addf %convert_element_type3A_35, %add3A_117 : f32
      %lt3A_119 = arith.cmpf olt, %sub3A_116, %add3A_118 : f32
      %add3A_120 = arith.addf %squeeze3A, %squeeze3A_101 : f32
      %add3A_121 = arith.constant 5.000000e-01 : f32
      %add3A_122 = arith.addf %add3A_120, %add3A_121 : f32
      %add3A_123 = arith.constant 1.600000e+01 : f32
      %add3A_124 = arith.addf %convert_element_type3A_35, %add3A_123 : f32
      %gt3A = arith.cmpf ogt, %add3A_122, %add3A_124 : f32
      %sub3A_125 = vector.broadcast %squeeze3A : f32 to vector<16xf32>
      %sub3A_126 = arith.subf %add3A_55, %sub3A_125 : vector<16xf32>
      %mul3A_127 = vector.broadcast %squeeze3A_85 : f32 to vector<16xf32>
      %mul3A_128 = arith.mulf %mul3A_127, %sub3A_126 : vector<16xf32>
      %mul3A_129 = arith.mulf %mul3A_128, %sub3A_126 : vector<16xf32>
      %mul3A_130 = vector.broadcast %squeeze3A_87 : f32 to vector<16xf32>
      %mul3A_131 = arith.mulf %mul3A_130, %sub3A_126 : vector<16xf32>
      %sub3A_132 = vector.broadcast %squeeze3A : f32 to vector<16xf32>
      %sub3A_133 = arith.subf %add3A_58, %sub3A_132 : vector<16xf32>
      %mul3A_134 = vector.broadcast %squeeze3A_85 : f32 to vector<16xf32>
      %mul3A_135 = arith.mulf %mul3A_134, %sub3A_133 : vector<16xf32>
      %mul3A_136 = arith.mulf %mul3A_135, %sub3A_133 : vector<16xf32>
      %mul3A_137 = vector.broadcast %squeeze3A_87 : f32 to vector<16xf32>
      %mul3A_138 = arith.mulf %mul3A_137, %sub3A_133 : vector<16xf32>
      %and3A_139 = arith.andi %lt3A_119, %gt3A : i1
      %convert_element_type3A_140 = arith.extui %and3A_139 : i1 to i32
      %cond3A = arith.constant 0 : i32
      %cond3A_141 = arith.cmpi ne, %convert_element_type3A_140, %cond3A : i32
      scf.if %cond3A_141 {
        %parallel_loop3A = arith.constant 1 : i32
        scf.for %parallel_loop3A_153 = %convert_element_type3A_105 to %add3A_113 step %parallel_loop3A  : i32 {
          %parallel_loop3A_154 = arith.sitofp %parallel_loop3A_153 : i32 to f32
          %parallel_loop3A_155 = arith.constant 5.000000e-01 : f32
          %parallel_loop3A_156 = arith.addf %parallel_loop3A_154, %parallel_loop3A_155 : f32
          %parallel_loop3A_157 = arith.subf %parallel_loop3A_156, %squeeze3A_83 : f32
          %parallel_loop3A_158 = arith.mulf %squeeze3A_89, %parallel_loop3A_157 : f32
          %parallel_loop3A_159 = arith.mulf %parallel_loop3A_158, %parallel_loop3A_157 : f32
          %parallel_loop3A_160 = arith.addf %parallel_loop3A_159, %squeeze3A_97 : f32
          %parallel_loop3A_161 = vector.broadcast %parallel_loop3A_157 : f32 to vector<16xf32>
          %parallel_loop3A_162 = arith.mulf %mul3A_131, %parallel_loop3A_161 : vector<16xf32>
          %parallel_loop3A_163 = vector.broadcast %parallel_loop3A_160 : f32 to vector<16xf32>
          %parallel_loop3A_164 = arith.addf %parallel_loop3A_162, %parallel_loop3A_163 : vector<16xf32>
          %parallel_loop3A_165 = arith.addf %parallel_loop3A_164, %mul3A_129 : vector<16xf32>
          %parallel_loop3A_166 = math.exp %parallel_loop3A_165 : vector<16xf32>
          %parallel_loop3A_167 = arith.subi %parallel_loop3A_153, %mul3A_18 : i32
          %parallel_loop3A_168 = arith.constant 32 : i32
          %parallel_loop3A_169 = arith.muli %parallel_loop3A_167, %parallel_loop3A_168 : i32
          %parallel_loop3A_170 = arith.constant 0 : i32
          %parallel_loop3A_171 = arith.addi %parallel_loop3A_169, %parallel_loop3A_170 : i32
          %parallel_loop3A_172 = arith.index_cast %parallel_loop3A_171 : i32 to index
          %parallel_loop3A_173 = tpu.vector_load %arg9[%parallel_loop3A_172] {strides = array<i32>} : memref<512xf32, #tpu.memory_space<vmem>>, vector<16xf32>,
          %parallel_loop3A_174 = vector.shape_cast %parallel_loop3A_173 : vector<16xf32> to vector<16xf32>
          %parallel_loop3A_175 = arith.mulf %parallel_loop3A_166, %parallel_loop3A_174 : vector<16xf32>
          %parallel_loop3A_176 = arith.subf %parallel_loop3A_174, %parallel_loop3A_175 : vector<16xf32>
          %parallel_loop3A_177 = arith.index_cast %parallel_loop3A_171 : i32 to index
          %parallel_loop3A_178 = tpu.vector_load %arg9[%parallel_loop3A_177] {strides = array<i32>} : memref<512xf32, #tpu.memory_space<vmem>>, vector<16xf32>,
          %parallel_loop3A_179 = vector.shape_cast %parallel_loop3A_178 : vector<16xf32> to vector<16xf32>
          %parallel_loop3A_180 = vector.shape_cast %parallel_loop3A_176 : vector<16xf32> to vector<16xf32>
          tpu.vector_store %arg9[%parallel_loop3A_177], %parallel_loop3A_180 {strides = array<i32>} : memref<512xf32, #tpu.memory_space<vmem>>, vector<16xf32>,
          %parallel_loop3A_181 = vector.broadcast %squeeze3A_91 : f32 to vector<16xf32>
          %parallel_loop3A_182 = arith.mulf %parallel_loop3A_181, %parallel_loop3A_175 : vector<16xf32>
          %parallel_loop3A_183 = arith.index_cast %parallel_loop3A_171 : i32 to index
          %parallel_loop3A_184 = tpu.vector_load %arg10[%parallel_loop3A_183] {strides = array<i32>} : memref<2048xf32, #tpu.memory_space<vmem>>, vector<16xf32>,
          %parallel_loop3A_185 = vector.shape_cast %parallel_loop3A_184 : vector<16xf32> to vector<16xf32>
          %parallel_loop3A_186 = vector.shape_cast %parallel_loop3A_182 : vector<16xf32> to vector<16xf32>
          tpu.vector_store %arg10[%parallel_loop3A_183], %parallel_loop3A_186 {add = true, strides = array<i32>} : memref<2048xf32, #tpu.memory_space<vmem>>, vector<16xf32>,
          %parallel_loop3A_187 = arith.constant 512 : i32
          %parallel_loop3A_188 = arith.addi %parallel_loop3A_171, %parallel_loop3A_187 : i32
          %parallel_loop3A_189 = vector.broadcast %squeeze3A_93 : f32 to vector<16xf32>
          %parallel_loop3A_190 = arith.mulf %parallel_loop3A_189, %parallel_loop3A_175 : vector<16xf32>
          %parallel_loop3A_191 = arith.index_cast %parallel_loop3A_188 : i32 to index
          %parallel_loop3A_192 = tpu.vector_load %arg10[%parallel_loop3A_191] {strides = array<i32>} : memref<2048xf32, #tpu.memory_space<vmem>>, vector<16xf32>,
          %parallel_loop3A_193 = vector.shape_cast %parallel_loop3A_192 : vector<16xf32> to vector<16xf32>
          %parallel_loop3A_194 = vector.shape_cast %parallel_loop3A_190 : vector<16xf32> to vector<16xf32>
          tpu.vector_store %arg10[%parallel_loop3A_191], %parallel_loop3A_194 {add = true, strides = array<i32>} : memref<2048xf32, #tpu.memory_space<vmem>>, vector<16xf32>,
          %parallel_loop3A_195 = arith.constant 1024 : i32
          %parallel_loop3A_196 = arith.addi %parallel_loop3A_171, %parallel_loop3A_195 : i32
          %parallel_loop3A_197 = vector.broadcast %squeeze3A_95 : f32 to vector<16xf32>
          %parallel_loop3A_198 = arith.mulf %parallel_loop3A_197, %parallel_loop3A_175 : vector<16xf32>
          %parallel_loop3A_199 = arith.index_cast %parallel_loop3A_196 : i32 to index
          %parallel_loop3A_200 = tpu.vector_load %arg10[%parallel_loop3A_199] {strides = array<i32>} : memref<2048xf32, #tpu.memory_space<vmem>>, vector<16xf32>,
          %parallel_loop3A_201 = vector.shape_cast %parallel_loop3A_200 : vector<16xf32> to vector<16xf32>
          %parallel_loop3A_202 = vector.shape_cast %parallel_loop3A_198 : vector<16xf32> to vector<16xf32>
          tpu.vector_store %arg10[%parallel_loop3A_199], %parallel_loop3A_202 {add = true, strides = array<i32>} : memref<2048xf32, #tpu.memory_space<vmem>>, vector<16xf32>,
          %parallel_loop3A_203 = arith.constant 1536 : i32
          %parallel_loop3A_204 = arith.addi %parallel_loop3A_171, %parallel_loop3A_203 : i32
          %parallel_loop3A_205 = arith.index_cast %parallel_loop3A_204 : i32 to index
          %parallel_loop3A_206 = tpu.vector_load %arg10[%parallel_loop3A_205] {strides = array<i32>} : memref<2048xf32, #tpu.memory_space<vmem>>, vector<16xf32>,
          %parallel_loop3A_207 = vector.shape_cast %parallel_loop3A_206 : vector<16xf32> to vector<16xf32>
          %parallel_loop3A_208 = vector.shape_cast %parallel_loop3A_175 : vector<16xf32> to vector<16xf32>
          tpu.vector_store %arg10[%parallel_loop3A_205], %parallel_loop3A_208 {add = true, strides = array<i32>} : memref<2048xf32, #tpu.memory_space<vmem>>, vector<16xf32>,
          %parallel_loop3A_209 = vector.broadcast %parallel_loop3A_157 : f32 to vector<16xf32>
          %parallel_loop3A_210 = arith.mulf %mul3A_138, %parallel_loop3A_209 : vector<16xf32>
          %parallel_loop3A_211 = vector.broadcast %parallel_loop3A_160 : f32 to vector<16xf32>
          %parallel_loop3A_212 = arith.addf %parallel_loop3A_210, %parallel_loop3A_211 : vector<16xf32>
          %parallel_loop3A_213 = arith.addf %parallel_loop3A_212, %mul3A_136 : vector<16xf32>
          %parallel_loop3A_214 = math.exp %parallel_loop3A_213 : vector<16xf32>
          %parallel_loop3A_215 = arith.subi %parallel_loop3A_153, %mul3A_18 : i32
          %parallel_loop3A_216 = arith.constant 32 : i32
          %parallel_loop3A_217 = arith.muli %parallel_loop3A_215, %parallel_loop3A_216 : i32
          %parallel_loop3A_218 = arith.constant 16 : i32
          %parallel_loop3A_219 = arith.addi %parallel_loop3A_217, %parallel_loop3A_218 : i32
          %parallel_loop3A_220 = arith.index_cast %parallel_loop3A_219 : i32 to index
          %parallel_loop3A_221 = tpu.vector_load %arg9[%parallel_loop3A_220] {strides = array<i32>} : memref<512xf32, #tpu.memory_space<vmem>>, vector<16xf32>,
          %parallel_loop3A_222 = vector.shape_cast %parallel_loop3A_221 : vector<16xf32> to vector<16xf32>
          %parallel_loop3A_223 = arith.mulf %parallel_loop3A_214, %parallel_loop3A_222 : vector<16xf32>
          %parallel_loop3A_224 = arith.subf %parallel_loop3A_222, %parallel_loop3A_223 : vector<16xf32>
          %parallel_loop3A_225 = arith.index_cast %parallel_loop3A_219 : i32 to index
          %parallel_loop3A_226 = tpu.vector_load %arg9[%parallel_loop3A_225] {strides = array<i32>} : memref<512xf32, #tpu.memory_space<vmem>>, vector<16xf32>,
          %parallel_loop3A_227 = vector.shape_cast %parallel_loop3A_226 : vector<16xf32> to vector<16xf32>
          %parallel_loop3A_228 = vector.shape_cast %parallel_loop3A_224 : vector<16xf32> to vector<16xf32>
          tpu.vector_store %arg9[%parallel_loop3A_225], %parallel_loop3A_228 {strides = array<i32>} : memref<512xf32, #tpu.memory_space<vmem>>, vector<16xf32>,
          %parallel_loop3A_229 = vector.broadcast %squeeze3A_91 : f32 to vector<16xf32>
          %parallel_loop3A_230 = arith.mulf %parallel_loop3A_229, %parallel_loop3A_223 : vector<16xf32>
          %parallel_loop3A_231 = arith.index_cast %parallel_loop3A_219 : i32 to index
          %parallel_loop3A_232 = tpu.vector_load %arg10[%parallel_loop3A_231] {strides = array<i32>} : memref<2048xf32, #tpu.memory_space<vmem>>, vector<16xf32>,
          %parallel_loop3A_233 = vector.shape_cast %parallel_loop3A_232 : vector<16xf32> to vector<16xf32>
          %parallel_loop3A_234 = vector.shape_cast %parallel_loop3A_230 : vector<16xf32> to vector<16xf32>
          tpu.vector_store %arg10[%parallel_loop3A_231], %parallel_loop3A_234 {add = true, strides = array<i32>} : memref<2048xf32, #tpu.memory_space<vmem>>, vector<16xf32>,
          %parallel_loop3A_235 = arith.constant 512 : i32
          %parallel_loop3A_236 = arith.addi %parallel_loop3A_219, %parallel_loop3A_235 : i32
          %parallel_loop3A_237 = vector.broadcast %squeeze3A_93 : f32 to vector<16xf32>
          %parallel_loop3A_238 = arith.mulf %parallel_loop3A_237, %parallel_loop3A_223 : vector<16xf32>
          %parallel_loop3A_239 = arith.index_cast %parallel_loop3A_236 : i32 to index
          %parallel_loop3A_240 = tpu.vector_load %arg10[%parallel_loop3A_239] {strides = array<i32>} : memref<2048xf32, #tpu.memory_space<vmem>>, vector<16xf32>,
          %parallel_loop3A_241 = vector.shape_cast %parallel_loop3A_240 : vector<16xf32> to vector<16xf32>
          %parallel_loop3A_242 = vector.shape_cast %parallel_loop3A_238 : vector<16xf32> to vector<16xf32>
          tpu.vector_store %arg10[%parallel_loop3A_239], %parallel_loop3A_242 {add = true, strides = array<i32>} : memref<2048xf32, #tpu.memory_space<vmem>>, vector<16xf32>,
          %parallel_loop3A_243 = arith.constant 1024 : i32
          %parallel_loop3A_244 = arith.addi %parallel_loop3A_219, %parallel_loop3A_243 : i32
          %parallel_loop3A_245 = vector.broadcast %squeeze3A_95 : f32 to vector<16xf32>
          %parallel_loop3A_246 = arith.mulf %parallel_loop3A_245, %parallel_loop3A_223 : vector<16xf32>
          %parallel_loop3A_247 = arith.index_cast %parallel_loop3A_244 : i32 to index
          %parallel_loop3A_248 = tpu.vector_load %arg10[%parallel_loop3A_247] {strides = array<i32>} : memref<2048xf32, #tpu.memory_space<vmem>>, vector<16xf32>,
          %parallel_loop3A_249 = vector.shape_cast %parallel_loop3A_248 : vector<16xf32> to vector<16xf32>
          %parallel_loop3A_250 = vector.shape_cast %parallel_loop3A_246 : vector<16xf32> to vector<16xf32>
          tpu.vector_store %arg10[%parallel_loop3A_247], %parallel_loop3A_250 {add = true, strides = array<i32>} : memref<2048xf32, #tpu.memory_space<vmem>>, vector<16xf32>,
          %parallel_loop3A_251 = arith.constant 1536 : i32
          %parallel_loop3A_252 = arith.addi %parallel_loop3A_219, %parallel_loop3A_251 : i32
          %parallel_loop3A_253 = arith.index_cast %parallel_loop3A_252 : i32 to index
          %parallel_loop3A_254 = tpu.vector_load %arg10[%parallel_loop3A_253] {strides = array<i32>} : memref<2048xf32, #tpu.memory_space<vmem>>, vector<16xf32>,
          %parallel_loop3A_255 = vector.shape_cast %parallel_loop3A_254 : vector<16xf32> to vector<16xf32>
          %parallel_loop3A_256 = vector.shape_cast %parallel_loop3A_223 : vector<16xf32> to vector<16xf32>
          tpu.vector_store %arg10[%parallel_loop3A_253], %parallel_loop3A_256 {add = true, strides = array<i32>} : memref<2048xf32, #tpu.memory_space<vmem>>, vector<16xf32>,
        } {sc.loop_unroll_factor = 2 : i64, sc.parallel_access}
      } else {
      }
      %not3A = arith.constant true
      %not3A_142 = arith.xori %gt3A, %not3A : i1
      %and3A_143 = arith.andi %lt3A_119, %not3A_142 : i1
      %convert_element_type3A_144 = arith.extui %and3A_143 : i1 to i32
      %cond3A_145 = arith.constant 0 : i32
      %cond3A_146 = arith.cmpi ne, %convert_element_type3A_144, %cond3A_145 : i32
      scf.if %cond3A_146 {
        %parallel_loop3A = arith.constant 1 : i32
        scf.for %parallel_loop3A_153 = %convert_element_type3A_105 to %add3A_113 step %parallel_loop3A  : i32 {
          %parallel_loop3A_154 = arith.sitofp %parallel_loop3A_153 : i32 to f32
          %parallel_loop3A_155 = arith.constant 5.000000e-01 : f32
          %parallel_loop3A_156 = arith.addf %parallel_loop3A_154, %parallel_loop3A_155 : f32
          %parallel_loop3A_157 = arith.subf %parallel_loop3A_156, %squeeze3A_83 : f32
          %parallel_loop3A_158 = arith.mulf %squeeze3A_89, %parallel_loop3A_157 : f32
          %parallel_loop3A_159 = arith.mulf %parallel_loop3A_158, %parallel_loop3A_157 : f32
          %parallel_loop3A_160 = arith.addf %parallel_loop3A_159, %squeeze3A_97 : f32
          %parallel_loop3A_161 = vector.broadcast %parallel_loop3A_157 : f32 to vector<16xf32>
          %parallel_loop3A_162 = arith.mulf %mul3A_131, %parallel_loop3A_161 : vector<16xf32>
          %parallel_loop3A_163 = vector.broadcast %parallel_loop3A_160 : f32 to vector<16xf32>
          %parallel_loop3A_164 = arith.addf %parallel_loop3A_162, %parallel_loop3A_163 : vector<16xf32>
          %parallel_loop3A_165 = arith.addf %parallel_loop3A_164, %mul3A_129 : vector<16xf32>
          %parallel_loop3A_166 = math.exp %parallel_loop3A_165 : vector<16xf32>
          %parallel_loop3A_167 = arith.subi %parallel_loop3A_153, %mul3A_18 : i32
          %parallel_loop3A_168 = arith.constant 32 : i32
          %parallel_loop3A_169 = arith.muli %parallel_loop3A_167, %parallel_loop3A_168 : i32
          %parallel_loop3A_170 = arith.constant 0 : i32
          %parallel_loop3A_171 = arith.addi %parallel_loop3A_169, %parallel_loop3A_170 : i32
          %parallel_loop3A_172 = arith.index_cast %parallel_loop3A_171 : i32 to index
          %parallel_loop3A_173 = tpu.vector_load %arg9[%parallel_loop3A_172] {strides = array<i32>} : memref<512xf32, #tpu.memory_space<vmem>>, vector<16xf32>,
          %parallel_loop3A_174 = vector.shape_cast %parallel_loop3A_173 : vector<16xf32> to vector<16xf32>
          %parallel_loop3A_175 = arith.mulf %parallel_loop3A_166, %parallel_loop3A_174 : vector<16xf32>
          %parallel_loop3A_176 = arith.subf %parallel_loop3A_174, %parallel_loop3A_175 : vector<16xf32>
          %parallel_loop3A_177 = arith.index_cast %parallel_loop3A_171 : i32 to index
          %parallel_loop3A_178 = tpu.vector_load %arg9[%parallel_loop3A_177] {strides = array<i32>} : memref<512xf32, #tpu.memory_space<vmem>>, vector<16xf32>,
          %parallel_loop3A_179 = vector.shape_cast %parallel_loop3A_178 : vector<16xf32> to vector<16xf32>
          %parallel_loop3A_180 = vector.shape_cast %parallel_loop3A_176 : vector<16xf32> to vector<16xf32>
          tpu.vector_store %arg9[%parallel_loop3A_177], %parallel_loop3A_180 {strides = array<i32>} : memref<512xf32, #tpu.memory_space<vmem>>, vector<16xf32>,
          %parallel_loop3A_181 = vector.broadcast %squeeze3A_91 : f32 to vector<16xf32>
          %parallel_loop3A_182 = arith.mulf %parallel_loop3A_181, %parallel_loop3A_175 : vector<16xf32>
          %parallel_loop3A_183 = arith.index_cast %parallel_loop3A_171 : i32 to index
          %parallel_loop3A_184 = tpu.vector_load %arg10[%parallel_loop3A_183] {strides = array<i32>} : memref<2048xf32, #tpu.memory_space<vmem>>, vector<16xf32>,
          %parallel_loop3A_185 = vector.shape_cast %parallel_loop3A_184 : vector<16xf32> to vector<16xf32>
          %parallel_loop3A_186 = vector.shape_cast %parallel_loop3A_182 : vector<16xf32> to vector<16xf32>
          tpu.vector_store %arg10[%parallel_loop3A_183], %parallel_loop3A_186 {add = true, strides = array<i32>} : memref<2048xf32, #tpu.memory_space<vmem>>, vector<16xf32>,
          %parallel_loop3A_187 = arith.constant 512 : i32
          %parallel_loop3A_188 = arith.addi %parallel_loop3A_171, %parallel_loop3A_187 : i32
          %parallel_loop3A_189 = vector.broadcast %squeeze3A_93 : f32 to vector<16xf32>
          %parallel_loop3A_190 = arith.mulf %parallel_loop3A_189, %parallel_loop3A_175 : vector<16xf32>
          %parallel_loop3A_191 = arith.index_cast %parallel_loop3A_188 : i32 to index
          %parallel_loop3A_192 = tpu.vector_load %arg10[%parallel_loop3A_191] {strides = array<i32>} : memref<2048xf32, #tpu.memory_space<vmem>>, vector<16xf32>,
          %parallel_loop3A_193 = vector.shape_cast %parallel_loop3A_192 : vector<16xf32> to vector<16xf32>
          %parallel_loop3A_194 = vector.shape_cast %parallel_loop3A_190 : vector<16xf32> to vector<16xf32>
          tpu.vector_store %arg10[%parallel_loop3A_191], %parallel_loop3A_194 {add = true, strides = array<i32>} : memref<2048xf32, #tpu.memory_space<vmem>>, vector<16xf32>,
          %parallel_loop3A_195 = arith.constant 1024 : i32
          %parallel_loop3A_196 = arith.addi %parallel_loop3A_171, %parallel_loop3A_195 : i32
          %parallel_loop3A_197 = vector.broadcast %squeeze3A_95 : f32 to vector<16xf32>
          %parallel_loop3A_198 = arith.mulf %parallel_loop3A_197, %parallel_loop3A_175 : vector<16xf32>
          %parallel_loop3A_199 = arith.index_cast %parallel_loop3A_196 : i32 to index
          %parallel_loop3A_200 = tpu.vector_load %arg10[%parallel_loop3A_199] {strides = array<i32>} : memref<2048xf32, #tpu.memory_space<vmem>>, vector<16xf32>,
          %parallel_loop3A_201 = vector.shape_cast %parallel_loop3A_200 : vector<16xf32> to vector<16xf32>
          %parallel_loop3A_202 = vector.shape_cast %parallel_loop3A_198 : vector<16xf32> to vector<16xf32>
          tpu.vector_store %arg10[%parallel_loop3A_199], %parallel_loop3A_202 {add = true, strides = array<i32>} : memref<2048xf32, #tpu.memory_space<vmem>>, vector<16xf32>,
          %parallel_loop3A_203 = arith.constant 1536 : i32
          %parallel_loop3A_204 = arith.addi %parallel_loop3A_171, %parallel_loop3A_203 : i32
          %parallel_loop3A_205 = arith.index_cast %parallel_loop3A_204 : i32 to index
          %parallel_loop3A_206 = tpu.vector_load %arg10[%parallel_loop3A_205] {strides = array<i32>} : memref<2048xf32, #tpu.memory_space<vmem>>, vector<16xf32>,
          %parallel_loop3A_207 = vector.shape_cast %parallel_loop3A_206 : vector<16xf32> to vector<16xf32>
          %parallel_loop3A_208 = vector.shape_cast %parallel_loop3A_175 : vector<16xf32> to vector<16xf32>
          tpu.vector_store %arg10[%parallel_loop3A_205], %parallel_loop3A_208 {add = true, strides = array<i32>} : memref<2048xf32, #tpu.memory_space<vmem>>, vector<16xf32>,
        } {sc.loop_unroll_factor = 2 : i64, sc.parallel_access}
      } else {
      }
      %not3A_147 = arith.constant true
      %not3A_148 = arith.xori %lt3A_119, %not3A_147 : i1
      %and3A_149 = arith.andi %gt3A, %not3A_148 : i1
      %convert_element_type3A_150 = arith.extui %and3A_149 : i1 to i32
      %cond3A_151 = arith.constant 0 : i32
      %cond3A_152 = arith.cmpi ne, %convert_element_type3A_150, %cond3A_151 : i32
      scf.if %cond3A_152 {
        %parallel_loop3A = arith.constant 1 : i32
        scf.for %parallel_loop3A_153 = %convert_element_type3A_105 to %add3A_113 step %parallel_loop3A  : i32 {
          %parallel_loop3A_154 = arith.sitofp %parallel_loop3A_153 : i32 to f32
          %parallel_loop3A_155 = arith.constant 5.000000e-01 : f32
          %parallel_loop3A_156 = arith.addf %parallel_loop3A_154, %parallel_loop3A_155 : f32
          %parallel_loop3A_157 = arith.subf %parallel_loop3A_156, %squeeze3A_83 : f32
          %parallel_loop3A_158 = arith.mulf %squeeze3A_89, %parallel_loop3A_157 : f32
          %parallel_loop3A_159 = arith.mulf %parallel_loop3A_158, %parallel_loop3A_157 : f32
          %parallel_loop3A_160 = arith.addf %parallel_loop3A_159, %squeeze3A_97 : f32
          %parallel_loop3A_161 = vector.broadcast %parallel_loop3A_157 : f32 to vector<16xf32>
          %parallel_loop3A_162 = arith.mulf %mul3A_138, %parallel_loop3A_161 : vector<16xf32>
          %parallel_loop3A_163 = vector.broadcast %parallel_loop3A_160 : f32 to vector<16xf32>
          %parallel_loop3A_164 = arith.addf %parallel_loop3A_162, %parallel_loop3A_163 : vector<16xf32>
          %parallel_loop3A_165 = arith.addf %parallel_loop3A_164, %mul3A_136 : vector<16xf32>
          %parallel_loop3A_166 = math.exp %parallel_loop3A_165 : vector<16xf32>
          %parallel_loop3A_167 = arith.subi %parallel_loop3A_153, %mul3A_18 : i32
          %parallel_loop3A_168 = arith.constant 32 : i32
          %parallel_loop3A_169 = arith.muli %parallel_loop3A_167, %parallel_loop3A_168 : i32
          %parallel_loop3A_170 = arith.constant 16 : i32
          %parallel_loop3A_171 = arith.addi %parallel_loop3A_169, %parallel_loop3A_170 : i32
          %parallel_loop3A_172 = arith.index_cast %parallel_loop3A_171 : i32 to index
          %parallel_loop3A_173 = tpu.vector_load %arg9[%parallel_loop3A_172] {strides = array<i32>} : memref<512xf32, #tpu.memory_space<vmem>>, vector<16xf32>,
          %parallel_loop3A_174 = vector.shape_cast %parallel_loop3A_173 : vector<16xf32> to vector<16xf32>
          %parallel_loop3A_175 = arith.mulf %parallel_loop3A_166, %parallel_loop3A_174 : vector<16xf32>
          %parallel_loop3A_176 = arith.subf %parallel_loop3A_174, %parallel_loop3A_175 : vector<16xf32>
          %parallel_loop3A_177 = arith.index_cast %parallel_loop3A_171 : i32 to index
          %parallel_loop3A_178 = tpu.vector_load %arg9[%parallel_loop3A_177] {strides = array<i32>} : memref<512xf32, #tpu.memory_space<vmem>>, vector<16xf32>,
          %parallel_loop3A_179 = vector.shape_cast %parallel_loop3A_178 : vector<16xf32> to vector<16xf32>
          %parallel_loop3A_180 = vector.shape_cast %parallel_loop3A_176 : vector<16xf32> to vector<16xf32>
          tpu.vector_store %arg9[%parallel_loop3A_177], %parallel_loop3A_180 {strides = array<i32>} : memref<512xf32, #tpu.memory_space<vmem>>, vector<16xf32>,
          %parallel_loop3A_181 = vector.broadcast %squeeze3A_91 : f32 to vector<16xf32>
          %parallel_loop3A_182 = arith.mulf %parallel_loop3A_181, %parallel_loop3A_175 : vector<16xf32>
          %parallel_loop3A_183 = arith.index_cast %parallel_loop3A_171 : i32 to index
          %parallel_loop3A_184 = tpu.vector_load %arg10[%parallel_loop3A_183] {strides = array<i32>} : memref<2048xf32, #tpu.memory_space<vmem>>, vector<16xf32>,
          %parallel_loop3A_185 = vector.shape_cast %parallel_loop3A_184 : vector<16xf32> to vector<16xf32>
          %parallel_loop3A_186 = vector.shape_cast %parallel_loop3A_182 : vector<16xf32> to vector<16xf32>
          tpu.vector_store %arg10[%parallel_loop3A_183], %parallel_loop3A_186 {add = true, strides = array<i32>} : memref<2048xf32, #tpu.memory_space<vmem>>, vector<16xf32>,
          %parallel_loop3A_187 = arith.constant 512 : i32
          %parallel_loop3A_188 = arith.addi %parallel_loop3A_171, %parallel_loop3A_187 : i32
          %parallel_loop3A_189 = vector.broadcast %squeeze3A_93 : f32 to vector<16xf32>
          %parallel_loop3A_190 = arith.mulf %parallel_loop3A_189, %parallel_loop3A_175 : vector<16xf32>
          %parallel_loop3A_191 = arith.index_cast %parallel_loop3A_188 : i32 to index
          %parallel_loop3A_192 = tpu.vector_load %arg10[%parallel_loop3A_191] {strides = array<i32>} : memref<2048xf32, #tpu.memory_space<vmem>>, vector<16xf32>,
          %parallel_loop3A_193 = vector.shape_cast %parallel_loop3A_192 : vector<16xf32> to vector<16xf32>
          %parallel_loop3A_194 = vector.shape_cast %parallel_loop3A_190 : vector<16xf32> to vector<16xf32>
          tpu.vector_store %arg10[%parallel_loop3A_191], %parallel_loop3A_194 {add = true, strides = array<i32>} : memref<2048xf32, #tpu.memory_space<vmem>>, vector<16xf32>,
          %parallel_loop3A_195 = arith.constant 1024 : i32
          %parallel_loop3A_196 = arith.addi %parallel_loop3A_171, %parallel_loop3A_195 : i32
          %parallel_loop3A_197 = vector.broadcast %squeeze3A_95 : f32 to vector<16xf32>
          %parallel_loop3A_198 = arith.mulf %parallel_loop3A_197, %parallel_loop3A_175 : vector<16xf32>
          %parallel_loop3A_199 = arith.index_cast %parallel_loop3A_196 : i32 to index
          %parallel_loop3A_200 = tpu.vector_load %arg10[%parallel_loop3A_199] {strides = array<i32>} : memref<2048xf32, #tpu.memory_space<vmem>>, vector<16xf32>,
          %parallel_loop3A_201 = vector.shape_cast %parallel_loop3A_200 : vector<16xf32> to vector<16xf32>
          %parallel_loop3A_202 = vector.shape_cast %parallel_loop3A_198 : vector<16xf32> to vector<16xf32>
          tpu.vector_store %arg10[%parallel_loop3A_199], %parallel_loop3A_202 {add = true, strides = array<i32>} : memref<2048xf32, #tpu.memory_space<vmem>>, vector<16xf32>,
          %parallel_loop3A_203 = arith.constant 1536 : i32
          %parallel_loop3A_204 = arith.addi %parallel_loop3A_171, %parallel_loop3A_203 : i32
          %parallel_loop3A_205 = arith.index_cast %parallel_loop3A_204 : i32 to index
          %parallel_loop3A_206 = tpu.vector_load %arg10[%parallel_loop3A_205] {strides = array<i32>} : memref<2048xf32, #tpu.memory_space<vmem>>, vector<16xf32>,
          %parallel_loop3A_207 = vector.shape_cast %parallel_loop3A_206 : vector<16xf32> to vector<16xf32>
          %parallel_loop3A_208 = vector.shape_cast %parallel_loop3A_175 : vector<16xf32> to vector<16xf32>
          tpu.vector_store %arg10[%parallel_loop3A_205], %parallel_loop3A_208 {add = true, strides = array<i32>} : memref<2048xf32, #tpu.memory_space<vmem>>, vector<16xf32>,
        } {sc.loop_unroll_factor = 2 : i64, sc.parallel_access}
      } else {
      }
    }
    %while3A_74 = arith.constant 1 : i32
    scf.for %while3A_75 = %while3A_72 to %while3A_68 step %while3A_74  : i32 {
      %get3A = arith.index_cast %while3A_75 : i32 to index
      %get3A_76 = memref.load %arg7[%get3A] : memref<1025xi32, #tpu.memory_space<smem>>
      %mul3A_77 = arith.constant 16 : i32
      %mul3A_78 = arith.muli %get3A_76, %mul3A_77 : i32
      %get3A_79 = arith.index_cast %mul3A_78 : i32 to index
      %get3A_80 = tpu.vector_load %arg5[%get3A_79] {strides = array<i32>} : memref<16384xf32, #tpu.memory_space<vmem>>, vector<16xf32>,
      %get3A_81 = vector.shape_cast %get3A_80 : vector<16xf32> to vector<16xf32>
      %slice3A = vector.extract_strided_slice %get3A_81 {offsets = [1], sizes = [1], strides = [1]} : vector<16xf32> to vector<1xf32>
      %squeeze3A = vector.extract %slice3A[0] : f32 from vector<1xf32>
      %slice3A_82 = vector.extract_strided_slice %get3A_81 {offsets = [2], sizes = [1], strides = [1]} : vector<16xf32> to vector<1xf32>
      %squeeze3A_83 = vector.extract %slice3A_82[0] : f32 from vector<1xf32>
      %slice3A_84 = vector.extract_strided_slice %get3A_81 {offsets = [3], sizes = [1], strides = [1]} : vector<16xf32> to vector<1xf32>
      %squeeze3A_85 = vector.extract %slice3A_84[0] : f32 from vector<1xf32>
      %slice3A_86 = vector.extract_strided_slice %get3A_81 {offsets = [4], sizes = [1], strides = [1]} : vector<16xf32> to vector<1xf32>
      %squeeze3A_87 = vector.extract %slice3A_86[0] : f32 from vector<1xf32>
      %slice3A_88 = vector.extract_strided_slice %get3A_81 {offsets = [5], sizes = [1], strides = [1]} : vector<16xf32> to vector<1xf32>
      %squeeze3A_89 = vector.extract %slice3A_88[0] : f32 from vector<1xf32>
      %slice3A_90 = vector.extract_strided_slice %get3A_81 {offsets = [6], sizes = [1], strides = [1]} : vector<16xf32> to vector<1xf32>
      %squeeze3A_91 = vector.extract %slice3A_90[0] : f32 from vector<1xf32>
      %slice3A_92 = vector.extract_strided_slice %get3A_81 {offsets = [7], sizes = [1], strides = [1]} : vector<16xf32> to vector<1xf32>
      %squeeze3A_93 = vector.extract %slice3A_92[0] : f32 from vector<1xf32>
      %slice3A_94 = vector.extract_strided_slice %get3A_81 {offsets = [8], sizes = [1], strides = [1]} : vector<16xf32> to vector<1xf32>
      %squeeze3A_95 = vector.extract %slice3A_94[0] : f32 from vector<1xf32>
      %slice3A_96 = vector.extract_strided_slice %get3A_81 {offsets = [9], sizes = [1], strides = [1]} : vector<16xf32> to vector<1xf32>
      %squeeze3A_97 = vector.extract %slice3A_96[0] : f32 from vector<1xf32>
      %slice3A_98 = vector.extract_strided_slice %get3A_81 {offsets = [10], sizes = [1], strides = [1]} : vector<16xf32> to vector<1xf32>
      %squeeze3A_99 = vector.extract %slice3A_98[0] : f32 from vector<1xf32>
      %slice3A_100 = vector.extract_strided_slice %get3A_81 {offsets = [11], sizes = [1], strides = [1]} : vector<16xf32> to vector<1xf32>
      %squeeze3A_101 = vector.extract %slice3A_100[0] : f32 from vector<1xf32>
      %sub3A_102 = arith.subf %squeeze3A_83, %squeeze3A_99 : f32
      %sub3A_103 = arith.constant 5.000000e-01 : f32
      %sub3A_104 = arith.subf %sub3A_102, %sub3A_103 : f32
      %max3A = arith.maximumf %sub3A_104, %convert_element_type3A : f32
      %convert_element_type3A_105 = arith.fptosi %max3A : f32 to i32
      %add3A_106 = arith.addf %squeeze3A_83, %squeeze3A_99 : f32
      %add3A_107 = arith.constant 5.000000e-01 : f32
      %add3A_108 = arith.addf %add3A_106, %add3A_107 : f32
      %add3A_109 = arith.constant 1.500000e+01 : f32
      %add3A_110 = arith.addf %convert_element_type3A, %add3A_109 : f32
      %min3A = arith.minimumf %add3A_108, %add3A_110 : f32
      %convert_element_type3A_111 = arith.fptosi %min3A : f32 to i32
      %add3A_112 = arith.constant 1 : i32
      %add3A_113 = arith.addi %convert_element_type3A_111, %add3A_112 : i32
      %sub3A_114 = arith.subf %squeeze3A, %squeeze3A_101 : f32
      %sub3A_115 = arith.constant 5.000000e-01 : f32
      %sub3A_116 = arith.subf %sub3A_114, %sub3A_115 : f32
      %add3A_117 = arith.constant 1.600000e+01 : f32
      %add3A_118 = arith.addf %convert_element_type3A_35, %add3A_117 : f32
      %lt3A_119 = arith.cmpf olt, %sub3A_116, %add3A_118 : f32
      %add3A_120 = arith.addf %squeeze3A, %squeeze3A_101 : f32
      %add3A_121 = arith.constant 5.000000e-01 : f32
      %add3A_122 = arith.addf %add3A_120, %add3A_121 : f32
      %add3A_123 = arith.constant 1.600000e+01 : f32
      %add3A_124 = arith.addf %convert_element_type3A_35, %add3A_123 : f32
      %gt3A = arith.cmpf ogt, %add3A_122, %add3A_124 : f32
      %sub3A_125 = vector.broadcast %squeeze3A : f32 to vector<16xf32>
      %sub3A_126 = arith.subf %add3A_55, %sub3A_125 : vector<16xf32>
      %mul3A_127 = vector.broadcast %squeeze3A_85 : f32 to vector<16xf32>
      %mul3A_128 = arith.mulf %mul3A_127, %sub3A_126 : vector<16xf32>
      %mul3A_129 = arith.mulf %mul3A_128, %sub3A_126 : vector<16xf32>
      %mul3A_130 = vector.broadcast %squeeze3A_87 : f32 to vector<16xf32>
      %mul3A_131 = arith.mulf %mul3A_130, %sub3A_126 : vector<16xf32>
      %sub3A_132 = vector.broadcast %squeeze3A : f32 to vector<16xf32>
      %sub3A_133 = arith.subf %add3A_58, %sub3A_132 : vector<16xf32>
      %mul3A_134 = vector.broadcast %squeeze3A_85 : f32 to vector<16xf32>
      %mul3A_135 = arith.mulf %mul3A_134, %sub3A_133 : vector<16xf32>
      %mul3A_136 = arith.mulf %mul3A_135, %sub3A_133 : vector<16xf32>
      %mul3A_137 = vector.broadcast %squeeze3A_87 : f32 to vector<16xf32>
      %mul3A_138 = arith.mulf %mul3A_137, %sub3A_133 : vector<16xf32>
      %and3A_139 = arith.andi %lt3A_119, %gt3A : i1
      %convert_element_type3A_140 = arith.extui %and3A_139 : i1 to i32
      %cond3A = arith.constant 0 : i32
      %cond3A_141 = arith.cmpi ne, %convert_element_type3A_140, %cond3A : i32
      scf.if %cond3A_141 {
        %parallel_loop3A = arith.constant 1 : i32
        scf.for %parallel_loop3A_153 = %convert_element_type3A_105 to %add3A_113 step %parallel_loop3A  : i32 {
          %parallel_loop3A_154 = arith.sitofp %parallel_loop3A_153 : i32 to f32
          %parallel_loop3A_155 = arith.constant 5.000000e-01 : f32
          %parallel_loop3A_156 = arith.addf %parallel_loop3A_154, %parallel_loop3A_155 : f32
          %parallel_loop3A_157 = arith.subf %parallel_loop3A_156, %squeeze3A_83 : f32
          %parallel_loop3A_158 = arith.mulf %squeeze3A_89, %parallel_loop3A_157 : f32
          %parallel_loop3A_159 = arith.mulf %parallel_loop3A_158, %parallel_loop3A_157 : f32
          %parallel_loop3A_160 = arith.addf %parallel_loop3A_159, %squeeze3A_97 : f32
          %parallel_loop3A_161 = vector.broadcast %parallel_loop3A_157 : f32 to vector<16xf32>
          %parallel_loop3A_162 = arith.mulf %mul3A_131, %parallel_loop3A_161 : vector<16xf32>
          %parallel_loop3A_163 = vector.broadcast %parallel_loop3A_160 : f32 to vector<16xf32>
          %parallel_loop3A_164 = arith.addf %parallel_loop3A_162, %parallel_loop3A_163 : vector<16xf32>
          %parallel_loop3A_165 = arith.addf %parallel_loop3A_164, %mul3A_129 : vector<16xf32>
          %parallel_loop3A_166 = math.exp %parallel_loop3A_165 : vector<16xf32>
          %parallel_loop3A_167 = arith.subi %parallel_loop3A_153, %mul3A_18 : i32
          %parallel_loop3A_168 = arith.constant 32 : i32
          %parallel_loop3A_169 = arith.muli %parallel_loop3A_167, %parallel_loop3A_168 : i32
          %parallel_loop3A_170 = arith.constant 0 : i32
          %parallel_loop3A_171 = arith.addi %parallel_loop3A_169, %parallel_loop3A_170 : i32
          %parallel_loop3A_172 = arith.index_cast %parallel_loop3A_171 : i32 to index
          %parallel_loop3A_173 = tpu.vector_load %arg9[%parallel_loop3A_172] {strides = array<i32>} : memref<512xf32, #tpu.memory_space<vmem>>, vector<16xf32>,
          %parallel_loop3A_174 = vector.shape_cast %parallel_loop3A_173 : vector<16xf32> to vector<16xf32>
          %parallel_loop3A_175 = arith.mulf %parallel_loop3A_166, %parallel_loop3A_174 : vector<16xf32>
          %parallel_loop3A_176 = arith.subf %parallel_loop3A_174, %parallel_loop3A_175 : vector<16xf32>
          %parallel_loop3A_177 = arith.index_cast %parallel_loop3A_171 : i32 to index
          %parallel_loop3A_178 = tpu.vector_load %arg9[%parallel_loop3A_177] {strides = array<i32>} : memref<512xf32, #tpu.memory_space<vmem>>, vector<16xf32>,
          %parallel_loop3A_179 = vector.shape_cast %parallel_loop3A_178 : vector<16xf32> to vector<16xf32>
          %parallel_loop3A_180 = vector.shape_cast %parallel_loop3A_176 : vector<16xf32> to vector<16xf32>
          tpu.vector_store %arg9[%parallel_loop3A_177], %parallel_loop3A_180 {strides = array<i32>} : memref<512xf32, #tpu.memory_space<vmem>>, vector<16xf32>,
          %parallel_loop3A_181 = vector.broadcast %squeeze3A_91 : f32 to vector<16xf32>
          %parallel_loop3A_182 = arith.mulf %parallel_loop3A_181, %parallel_loop3A_175 : vector<16xf32>
          %parallel_loop3A_183 = arith.index_cast %parallel_loop3A_171 : i32 to index
          %parallel_loop3A_184 = tpu.vector_load %arg10[%parallel_loop3A_183] {strides = array<i32>} : memref<2048xf32, #tpu.memory_space<vmem>>, vector<16xf32>,
          %parallel_loop3A_185 = vector.shape_cast %parallel_loop3A_184 : vector<16xf32> to vector<16xf32>
          %parallel_loop3A_186 = vector.shape_cast %parallel_loop3A_182 : vector<16xf32> to vector<16xf32>
          tpu.vector_store %arg10[%parallel_loop3A_183], %parallel_loop3A_186 {add = true, strides = array<i32>} : memref<2048xf32, #tpu.memory_space<vmem>>, vector<16xf32>,
          %parallel_loop3A_187 = arith.constant 512 : i32
          %parallel_loop3A_188 = arith.addi %parallel_loop3A_171, %parallel_loop3A_187 : i32
          %parallel_loop3A_189 = vector.broadcast %squeeze3A_93 : f32 to vector<16xf32>
          %parallel_loop3A_190 = arith.mulf %parallel_loop3A_189, %parallel_loop3A_175 : vector<16xf32>
          %parallel_loop3A_191 = arith.index_cast %parallel_loop3A_188 : i32 to index
          %parallel_loop3A_192 = tpu.vector_load %arg10[%parallel_loop3A_191] {strides = array<i32>} : memref<2048xf32, #tpu.memory_space<vmem>>, vector<16xf32>,
          %parallel_loop3A_193 = vector.shape_cast %parallel_loop3A_192 : vector<16xf32> to vector<16xf32>
          %parallel_loop3A_194 = vector.shape_cast %parallel_loop3A_190 : vector<16xf32> to vector<16xf32>
          tpu.vector_store %arg10[%parallel_loop3A_191], %parallel_loop3A_194 {add = true, strides = array<i32>} : memref<2048xf32, #tpu.memory_space<vmem>>, vector<16xf32>,
          %parallel_loop3A_195 = arith.constant 1024 : i32
          %parallel_loop3A_196 = arith.addi %parallel_loop3A_171, %parallel_loop3A_195 : i32
          %parallel_loop3A_197 = vector.broadcast %squeeze3A_95 : f32 to vector<16xf32>
          %parallel_loop3A_198 = arith.mulf %parallel_loop3A_197, %parallel_loop3A_175 : vector<16xf32>
          %parallel_loop3A_199 = arith.index_cast %parallel_loop3A_196 : i32 to index
          %parallel_loop3A_200 = tpu.vector_load %arg10[%parallel_loop3A_199] {strides = array<i32>} : memref<2048xf32, #tpu.memory_space<vmem>>, vector<16xf32>,
          %parallel_loop3A_201 = vector.shape_cast %parallel_loop3A_200 : vector<16xf32> to vector<16xf32>
          %parallel_loop3A_202 = vector.shape_cast %parallel_loop3A_198 : vector<16xf32> to vector<16xf32>
          tpu.vector_store %arg10[%parallel_loop3A_199], %parallel_loop3A_202 {add = true, strides = array<i32>} : memref<2048xf32, #tpu.memory_space<vmem>>, vector<16xf32>,
          %parallel_loop3A_203 = arith.constant 1536 : i32
          %parallel_loop3A_204 = arith.addi %parallel_loop3A_171, %parallel_loop3A_203 : i32
          %parallel_loop3A_205 = arith.index_cast %parallel_loop3A_204 : i32 to index
          %parallel_loop3A_206 = tpu.vector_load %arg10[%parallel_loop3A_205] {strides = array<i32>} : memref<2048xf32, #tpu.memory_space<vmem>>, vector<16xf32>,
          %parallel_loop3A_207 = vector.shape_cast %parallel_loop3A_206 : vector<16xf32> to vector<16xf32>
          %parallel_loop3A_208 = vector.shape_cast %parallel_loop3A_175 : vector<16xf32> to vector<16xf32>
          tpu.vector_store %arg10[%parallel_loop3A_205], %parallel_loop3A_208 {add = true, strides = array<i32>} : memref<2048xf32, #tpu.memory_space<vmem>>, vector<16xf32>,
          %parallel_loop3A_209 = vector.broadcast %parallel_loop3A_157 : f32 to vector<16xf32>
          %parallel_loop3A_210 = arith.mulf %mul3A_138, %parallel_loop3A_209 : vector<16xf32>
          %parallel_loop3A_211 = vector.broadcast %parallel_loop3A_160 : f32 to vector<16xf32>
          %parallel_loop3A_212 = arith.addf %parallel_loop3A_210, %parallel_loop3A_211 : vector<16xf32>
          %parallel_loop3A_213 = arith.addf %parallel_loop3A_212, %mul3A_136 : vector<16xf32>
          %parallel_loop3A_214 = math.exp %parallel_loop3A_213 : vector<16xf32>
          %parallel_loop3A_215 = arith.subi %parallel_loop3A_153, %mul3A_18 : i32
          %parallel_loop3A_216 = arith.constant 32 : i32
          %parallel_loop3A_217 = arith.muli %parallel_loop3A_215, %parallel_loop3A_216 : i32
          %parallel_loop3A_218 = arith.constant 16 : i32
          %parallel_loop3A_219 = arith.addi %parallel_loop3A_217, %parallel_loop3A_218 : i32
          %parallel_loop3A_220 = arith.index_cast %parallel_loop3A_219 : i32 to index
          %parallel_loop3A_221 = tpu.vector_load %arg9[%parallel_loop3A_220] {strides = array<i32>} : memref<512xf32, #tpu.memory_space<vmem>>, vector<16xf32>,
          %parallel_loop3A_222 = vector.shape_cast %parallel_loop3A_221 : vector<16xf32> to vector<16xf32>
          %parallel_loop3A_223 = arith.mulf %parallel_loop3A_214, %parallel_loop3A_222 : vector<16xf32>
          %parallel_loop3A_224 = arith.subf %parallel_loop3A_222, %parallel_loop3A_223 : vector<16xf32>
          %parallel_loop3A_225 = arith.index_cast %parallel_loop3A_219 : i32 to index
          %parallel_loop3A_226 = tpu.vector_load %arg9[%parallel_loop3A_225] {strides = array<i32>} : memref<512xf32, #tpu.memory_space<vmem>>, vector<16xf32>,
          %parallel_loop3A_227 = vector.shape_cast %parallel_loop3A_226 : vector<16xf32> to vector<16xf32>
          %parallel_loop3A_228 = vector.shape_cast %parallel_loop3A_224 : vector<16xf32> to vector<16xf32>
          tpu.vector_store %arg9[%parallel_loop3A_225], %parallel_loop3A_228 {strides = array<i32>} : memref<512xf32, #tpu.memory_space<vmem>>, vector<16xf32>,
          %parallel_loop3A_229 = vector.broadcast %squeeze3A_91 : f32 to vector<16xf32>
          %parallel_loop3A_230 = arith.mulf %parallel_loop3A_229, %parallel_loop3A_223 : vector<16xf32>
          %parallel_loop3A_231 = arith.index_cast %parallel_loop3A_219 : i32 to index
          %parallel_loop3A_232 = tpu.vector_load %arg10[%parallel_loop3A_231] {strides = array<i32>} : memref<2048xf32, #tpu.memory_space<vmem>>, vector<16xf32>,
          %parallel_loop3A_233 = vector.shape_cast %parallel_loop3A_232 : vector<16xf32> to vector<16xf32>
          %parallel_loop3A_234 = vector.shape_cast %parallel_loop3A_230 : vector<16xf32> to vector<16xf32>
          tpu.vector_store %arg10[%parallel_loop3A_231], %parallel_loop3A_234 {add = true, strides = array<i32>} : memref<2048xf32, #tpu.memory_space<vmem>>, vector<16xf32>,
          %parallel_loop3A_235 = arith.constant 512 : i32
          %parallel_loop3A_236 = arith.addi %parallel_loop3A_219, %parallel_loop3A_235 : i32
          %parallel_loop3A_237 = vector.broadcast %squeeze3A_93 : f32 to vector<16xf32>
          %parallel_loop3A_238 = arith.mulf %parallel_loop3A_237, %parallel_loop3A_223 : vector<16xf32>
          %parallel_loop3A_239 = arith.index_cast %parallel_loop3A_236 : i32 to index
          %parallel_loop3A_240 = tpu.vector_load %arg10[%parallel_loop3A_239] {strides = array<i32>} : memref<2048xf32, #tpu.memory_space<vmem>>, vector<16xf32>,
          %parallel_loop3A_241 = vector.shape_cast %parallel_loop3A_240 : vector<16xf32> to vector<16xf32>
          %parallel_loop3A_242 = vector.shape_cast %parallel_loop3A_238 : vector<16xf32> to vector<16xf32>
          tpu.vector_store %arg10[%parallel_loop3A_239], %parallel_loop3A_242 {add = true, strides = array<i32>} : memref<2048xf32, #tpu.memory_space<vmem>>, vector<16xf32>,
          %parallel_loop3A_243 = arith.constant 1024 : i32
          %parallel_loop3A_244 = arith.addi %parallel_loop3A_219, %parallel_loop3A_243 : i32
          %parallel_loop3A_245 = vector.broadcast %squeeze3A_95 : f32 to vector<16xf32>
          %parallel_loop3A_246 = arith.mulf %parallel_loop3A_245, %parallel_loop3A_223 : vector<16xf32>
          %parallel_loop3A_247 = arith.index_cast %parallel_loop3A_244 : i32 to index
          %parallel_loop3A_248 = tpu.vector_load %arg10[%parallel_loop3A_247] {strides = array<i32>} : memref<2048xf32, #tpu.memory_space<vmem>>, vector<16xf32>,
          %parallel_loop3A_249 = vector.shape_cast %parallel_loop3A_248 : vector<16xf32> to vector<16xf32>
          %parallel_loop3A_250 = vector.shape_cast %parallel_loop3A_246 : vector<16xf32> to vector<16xf32>
          tpu.vector_store %arg10[%parallel_loop3A_247], %parallel_loop3A_250 {add = true, strides = array<i32>} : memref<2048xf32, #tpu.memory_space<vmem>>, vector<16xf32>,
          %parallel_loop3A_251 = arith.constant 1536 : i32
          %parallel_loop3A_252 = arith.addi %parallel_loop3A_219, %parallel_loop3A_251 : i32
          %parallel_loop3A_253 = arith.index_cast %parallel_loop3A_252 : i32 to index
          %parallel_loop3A_254 = tpu.vector_load %arg10[%parallel_loop3A_253] {strides = array<i32>} : memref<2048xf32, #tpu.memory_space<vmem>>, vector<16xf32>,
          %parallel_loop3A_255 = vector.shape_cast %parallel_loop3A_254 : vector<16xf32> to vector<16xf32>
          %parallel_loop3A_256 = vector.shape_cast %parallel_loop3A_223 : vector<16xf32> to vector<16xf32>
          tpu.vector_store %arg10[%parallel_loop3A_253], %parallel_loop3A_256 {add = true, strides = array<i32>} : memref<2048xf32, #tpu.memory_space<vmem>>, vector<16xf32>,
        } {sc.loop_unroll_factor = 2 : i64, sc.parallel_access}
      } else {
      }
      %not3A = arith.constant true
      %not3A_142 = arith.xori %gt3A, %not3A : i1
      %and3A_143 = arith.andi %lt3A_119, %not3A_142 : i1
      %convert_element_type3A_144 = arith.extui %and3A_143 : i1 to i32
      %cond3A_145 = arith.constant 0 : i32
      %cond3A_146 = arith.cmpi ne, %convert_element_type3A_144, %cond3A_145 : i32
      scf.if %cond3A_146 {
        %parallel_loop3A = arith.constant 1 : i32
        scf.for %parallel_loop3A_153 = %convert_element_type3A_105 to %add3A_113 step %parallel_loop3A  : i32 {
          %parallel_loop3A_154 = arith.sitofp %parallel_loop3A_153 : i32 to f32
          %parallel_loop3A_155 = arith.constant 5.000000e-01 : f32
          %parallel_loop3A_156 = arith.addf %parallel_loop3A_154, %parallel_loop3A_155 : f32
          %parallel_loop3A_157 = arith.subf %parallel_loop3A_156, %squeeze3A_83 : f32
          %parallel_loop3A_158 = arith.mulf %squeeze3A_89, %parallel_loop3A_157 : f32
          %parallel_loop3A_159 = arith.mulf %parallel_loop3A_158, %parallel_loop3A_157 : f32
          %parallel_loop3A_160 = arith.addf %parallel_loop3A_159, %squeeze3A_97 : f32
          %parallel_loop3A_161 = vector.broadcast %parallel_loop3A_157 : f32 to vector<16xf32>
          %parallel_loop3A_162 = arith.mulf %mul3A_131, %parallel_loop3A_161 : vector<16xf32>
          %parallel_loop3A_163 = vector.broadcast %parallel_loop3A_160 : f32 to vector<16xf32>
          %parallel_loop3A_164 = arith.addf %parallel_loop3A_162, %parallel_loop3A_163 : vector<16xf32>
          %parallel_loop3A_165 = arith.addf %parallel_loop3A_164, %mul3A_129 : vector<16xf32>
          %parallel_loop3A_166 = math.exp %parallel_loop3A_165 : vector<16xf32>
          %parallel_loop3A_167 = arith.subi %parallel_loop3A_153, %mul3A_18 : i32
          %parallel_loop3A_168 = arith.constant 32 : i32
          %parallel_loop3A_169 = arith.muli %parallel_loop3A_167, %parallel_loop3A_168 : i32
          %parallel_loop3A_170 = arith.constant 0 : i32
          %parallel_loop3A_171 = arith.addi %parallel_loop3A_169, %parallel_loop3A_170 : i32
          %parallel_loop3A_172 = arith.index_cast %parallel_loop3A_171 : i32 to index
          %parallel_loop3A_173 = tpu.vector_load %arg9[%parallel_loop3A_172] {strides = array<i32>} : memref<512xf32, #tpu.memory_space<vmem>>, vector<16xf32>,
          %parallel_loop3A_174 = vector.shape_cast %parallel_loop3A_173 : vector<16xf32> to vector<16xf32>
          %parallel_loop3A_175 = arith.mulf %parallel_loop3A_166, %parallel_loop3A_174 : vector<16xf32>
          %parallel_loop3A_176 = arith.subf %parallel_loop3A_174, %parallel_loop3A_175 : vector<16xf32>
          %parallel_loop3A_177 = arith.index_cast %parallel_loop3A_171 : i32 to index
          %parallel_loop3A_178 = tpu.vector_load %arg9[%parallel_loop3A_177] {strides = array<i32>} : memref<512xf32, #tpu.memory_space<vmem>>, vector<16xf32>,
          %parallel_loop3A_179 = vector.shape_cast %parallel_loop3A_178 : vector<16xf32> to vector<16xf32>
          %parallel_loop3A_180 = vector.shape_cast %parallel_loop3A_176 : vector<16xf32> to vector<16xf32>
          tpu.vector_store %arg9[%parallel_loop3A_177], %parallel_loop3A_180 {strides = array<i32>} : memref<512xf32, #tpu.memory_space<vmem>>, vector<16xf32>,
          %parallel_loop3A_181 = vector.broadcast %squeeze3A_91 : f32 to vector<16xf32>
          %parallel_loop3A_182 = arith.mulf %parallel_loop3A_181, %parallel_loop3A_175 : vector<16xf32>
          %parallel_loop3A_183 = arith.index_cast %parallel_loop3A_171 : i32 to index
          %parallel_loop3A_184 = tpu.vector_load %arg10[%parallel_loop3A_183] {strides = array<i32>} : memref<2048xf32, #tpu.memory_space<vmem>>, vector<16xf32>,
          %parallel_loop3A_185 = vector.shape_cast %parallel_loop3A_184 : vector<16xf32> to vector<16xf32>
          %parallel_loop3A_186 = vector.shape_cast %parallel_loop3A_182 : vector<16xf32> to vector<16xf32>
          tpu.vector_store %arg10[%parallel_loop3A_183], %parallel_loop3A_186 {add = true, strides = array<i32>} : memref<2048xf32, #tpu.memory_space<vmem>>, vector<16xf32>,
          %parallel_loop3A_187 = arith.constant 512 : i32
          %parallel_loop3A_188 = arith.addi %parallel_loop3A_171, %parallel_loop3A_187 : i32
          %parallel_loop3A_189 = vector.broadcast %squeeze3A_93 : f32 to vector<16xf32>
          %parallel_loop3A_190 = arith.mulf %parallel_loop3A_189, %parallel_loop3A_175 : vector<16xf32>
          %parallel_loop3A_191 = arith.index_cast %parallel_loop3A_188 : i32 to index
          %parallel_loop3A_192 = tpu.vector_load %arg10[%parallel_loop3A_191] {strides = array<i32>} : memref<2048xf32, #tpu.memory_space<vmem>>, vector<16xf32>,
          %parallel_loop3A_193 = vector.shape_cast %parallel_loop3A_192 : vector<16xf32> to vector<16xf32>
          %parallel_loop3A_194 = vector.shape_cast %parallel_loop3A_190 : vector<16xf32> to vector<16xf32>
          tpu.vector_store %arg10[%parallel_loop3A_191], %parallel_loop3A_194 {add = true, strides = array<i32>} : memref<2048xf32, #tpu.memory_space<vmem>>, vector<16xf32>,
          %parallel_loop3A_195 = arith.constant 1024 : i32
          %parallel_loop3A_196 = arith.addi %parallel_loop3A_171, %parallel_loop3A_195 : i32
          %parallel_loop3A_197 = vector.broadcast %squeeze3A_95 : f32 to vector<16xf32>
          %parallel_loop3A_198 = arith.mulf %parallel_loop3A_197, %parallel_loop3A_175 : vector<16xf32>
          %parallel_loop3A_199 = arith.index_cast %parallel_loop3A_196 : i32 to index
          %parallel_loop3A_200 = tpu.vector_load %arg10[%parallel_loop3A_199] {strides = array<i32>} : memref<2048xf32, #tpu.memory_space<vmem>>, vector<16xf32>,
          %parallel_loop3A_201 = vector.shape_cast %parallel_loop3A_200 : vector<16xf32> to vector<16xf32>
          %parallel_loop3A_202 = vector.shape_cast %parallel_loop3A_198 : vector<16xf32> to vector<16xf32>
          tpu.vector_store %arg10[%parallel_loop3A_199], %parallel_loop3A_202 {add = true, strides = array<i32>} : memref<2048xf32, #tpu.memory_space<vmem>>, vector<16xf32>,
          %parallel_loop3A_203 = arith.constant 1536 : i32
          %parallel_loop3A_204 = arith.addi %parallel_loop3A_171, %parallel_loop3A_203 : i32
          %parallel_loop3A_205 = arith.index_cast %parallel_loop3A_204 : i32 to index
          %parallel_loop3A_206 = tpu.vector_load %arg10[%parallel_loop3A_205] {strides = array<i32>} : memref<2048xf32, #tpu.memory_space<vmem>>, vector<16xf32>,
          %parallel_loop3A_207 = vector.shape_cast %parallel_loop3A_206 : vector<16xf32> to vector<16xf32>
          %parallel_loop3A_208 = vector.shape_cast %parallel_loop3A_175 : vector<16xf32> to vector<16xf32>
          tpu.vector_store %arg10[%parallel_loop3A_205], %parallel_loop3A_208 {add = true, strides = array<i32>} : memref<2048xf32, #tpu.memory_space<vmem>>, vector<16xf32>,
        } {sc.loop_unroll_factor = 2 : i64, sc.parallel_access}
      } else {
      }
      %not3A_147 = arith.constant true
      %not3A_148 = arith.xori %lt3A_119, %not3A_147 : i1
      %and3A_149 = arith.andi %gt3A, %not3A_148 : i1
      %convert_element_type3A_150 = arith.extui %and3A_149 : i1 to i32
      %cond3A_151 = arith.constant 0 : i32
      %cond3A_152 = arith.cmpi ne, %convert_element_type3A_150, %cond3A_151 : i32
      scf.if %cond3A_152 {
        %parallel_loop3A = arith.constant 1 : i32
        scf.for %parallel_loop3A_153 = %convert_element_type3A_105 to %add3A_113 step %parallel_loop3A  : i32 {
          %parallel_loop3A_154 = arith.sitofp %parallel_loop3A_153 : i32 to f32
          %parallel_loop3A_155 = arith.constant 5.000000e-01 : f32
          %parallel_loop3A_156 = arith.addf %parallel_loop3A_154, %parallel_loop3A_155 : f32
          %parallel_loop3A_157 = arith.subf %parallel_loop3A_156, %squeeze3A_83 : f32
          %parallel_loop3A_158 = arith.mulf %squeeze3A_89, %parallel_loop3A_157 : f32
          %parallel_loop3A_159 = arith.mulf %parallel_loop3A_158, %parallel_loop3A_157 : f32
          %parallel_loop3A_160 = arith.addf %parallel_loop3A_159, %squeeze3A_97 : f32
          %parallel_loop3A_161 = vector.broadcast %parallel_loop3A_157 : f32 to vector<16xf32>
          %parallel_loop3A_162 = arith.mulf %mul3A_138, %parallel_loop3A_161 : vector<16xf32>
          %parallel_loop3A_163 = vector.broadcast %parallel_loop3A_160 : f32 to vector<16xf32>
          %parallel_loop3A_164 = arith.addf %parallel_loop3A_162, %parallel_loop3A_163 : vector<16xf32>
          %parallel_loop3A_165 = arith.addf %parallel_loop3A_164, %mul3A_136 : vector<16xf32>
          %parallel_loop3A_166 = math.exp %parallel_loop3A_165 : vector<16xf32>
          %parallel_loop3A_167 = arith.subi %parallel_loop3A_153, %mul3A_18 : i32
          %parallel_loop3A_168 = arith.constant 32 : i32
          %parallel_loop3A_169 = arith.muli %parallel_loop3A_167, %parallel_loop3A_168 : i32
          %parallel_loop3A_170 = arith.constant 16 : i32
          %parallel_loop3A_171 = arith.addi %parallel_loop3A_169, %parallel_loop3A_170 : i32
          %parallel_loop3A_172 = arith.index_cast %parallel_loop3A_171 : i32 to index
          %parallel_loop3A_173 = tpu.vector_load %arg9[%parallel_loop3A_172] {strides = array<i32>} : memref<512xf32, #tpu.memory_space<vmem>>, vector<16xf32>,
          %parallel_loop3A_174 = vector.shape_cast %parallel_loop3A_173 : vector<16xf32> to vector<16xf32>
          %parallel_loop3A_175 = arith.mulf %parallel_loop3A_166, %parallel_loop3A_174 : vector<16xf32>
          %parallel_loop3A_176 = arith.subf %parallel_loop3A_174, %parallel_loop3A_175 : vector<16xf32>
          %parallel_loop3A_177 = arith.index_cast %parallel_loop3A_171 : i32 to index
          %parallel_loop3A_178 = tpu.vector_load %arg9[%parallel_loop3A_177] {strides = array<i32>} : memref<512xf32, #tpu.memory_space<vmem>>, vector<16xf32>,
          %parallel_loop3A_179 = vector.shape_cast %parallel_loop3A_178 : vector<16xf32> to vector<16xf32>
          %parallel_loop3A_180 = vector.shape_cast %parallel_loop3A_176 : vector<16xf32> to vector<16xf32>
          tpu.vector_store %arg9[%parallel_loop3A_177], %parallel_loop3A_180 {strides = array<i32>} : memref<512xf32, #tpu.memory_space<vmem>>, vector<16xf32>,
          %parallel_loop3A_181 = vector.broadcast %squeeze3A_91 : f32 to vector<16xf32>
          %parallel_loop3A_182 = arith.mulf %parallel_loop3A_181, %parallel_loop3A_175 : vector<16xf32>
          %parallel_loop3A_183 = arith.index_cast %parallel_loop3A_171 : i32 to index
          %parallel_loop3A_184 = tpu.vector_load %arg10[%parallel_loop3A_183] {strides = array<i32>} : memref<2048xf32, #tpu.memory_space<vmem>>, vector<16xf32>,
          %parallel_loop3A_185 = vector.shape_cast %parallel_loop3A_184 : vector<16xf32> to vector<16xf32>
          %parallel_loop3A_186 = vector.shape_cast %parallel_loop3A_182 : vector<16xf32> to vector<16xf32>
          tpu.vector_store %arg10[%parallel_loop3A_183], %parallel_loop3A_186 {add = true, strides = array<i32>} : memref<2048xf32, #tpu.memory_space<vmem>>, vector<16xf32>,
          %parallel_loop3A_187 = arith.constant 512 : i32
          %parallel_loop3A_188 = arith.addi %parallel_loop3A_171, %parallel_loop3A_187 : i32
          %parallel_loop3A_189 = vector.broadcast %squeeze3A_93 : f32 to vector<16xf32>
          %parallel_loop3A_190 = arith.mulf %parallel_loop3A_189, %parallel_loop3A_175 : vector<16xf32>
          %parallel_loop3A_191 = arith.index_cast %parallel_loop3A_188 : i32 to index
          %parallel_loop3A_192 = tpu.vector_load %arg10[%parallel_loop3A_191] {strides = array<i32>} : memref<2048xf32, #tpu.memory_space<vmem>>, vector<16xf32>,
          %parallel_loop3A_193 = vector.shape_cast %parallel_loop3A_192 : vector<16xf32> to vector<16xf32>
          %parallel_loop3A_194 = vector.shape_cast %parallel_loop3A_190 : vector<16xf32> to vector<16xf32>
          tpu.vector_store %arg10[%parallel_loop3A_191], %parallel_loop3A_194 {add = true, strides = array<i32>} : memref<2048xf32, #tpu.memory_space<vmem>>, vector<16xf32>,
          %parallel_loop3A_195 = arith.constant 1024 : i32
          %parallel_loop3A_196 = arith.addi %parallel_loop3A_171, %parallel_loop3A_195 : i32
          %parallel_loop3A_197 = vector.broadcast %squeeze3A_95 : f32 to vector<16xf32>
          %parallel_loop3A_198 = arith.mulf %parallel_loop3A_197, %parallel_loop3A_175 : vector<16xf32>
          %parallel_loop3A_199 = arith.index_cast %parallel_loop3A_196 : i32 to index
          %parallel_loop3A_200 = tpu.vector_load %arg10[%parallel_loop3A_199] {strides = array<i32>} : memref<2048xf32, #tpu.memory_space<vmem>>, vector<16xf32>,
          %parallel_loop3A_201 = vector.shape_cast %parallel_loop3A_200 : vector<16xf32> to vector<16xf32>
          %parallel_loop3A_202 = vector.shape_cast %parallel_loop3A_198 : vector<16xf32> to vector<16xf32>
          tpu.vector_store %arg10[%parallel_loop3A_199], %parallel_loop3A_202 {add = true, strides = array<i32>} : memref<2048xf32, #tpu.memory_space<vmem>>, vector<16xf32>,
          %parallel_loop3A_203 = arith.constant 1536 : i32
          %parallel_loop3A_204 = arith.addi %parallel_loop3A_171, %parallel_loop3A_203 : i32
          %parallel_loop3A_205 = arith.index_cast %parallel_loop3A_204 : i32 to index
          %parallel_loop3A_206 = tpu.vector_load %arg10[%parallel_loop3A_205] {strides = array<i32>} : memref<2048xf32, #tpu.memory_space<vmem>>, vector<16xf32>,
          %parallel_loop3A_207 = vector.shape_cast %parallel_loop3A_206 : vector<16xf32> to vector<16xf32>
          %parallel_loop3A_208 = vector.shape_cast %parallel_loop3A_175 : vector<16xf32> to vector<16xf32>
          tpu.vector_store %arg10[%parallel_loop3A_205], %parallel_loop3A_208 {add = true, strides = array<i32>} : memref<2048xf32, #tpu.memory_space<vmem>>, vector<16xf32>,
        } {sc.loop_unroll_factor = 2 : i64, sc.parallel_access}
      } else {
      }
    }
    "tpu.region"() ({
      %run_scoped3A = tpu.sem_alloc : memref<!tpu.dma_semaphore, #tpu.memory_space<semaphore_mem>>
      %dma_start3A = arith.constant 0 : i32
      %dma_start3A_75 = tpu.memref_slice %arg4[%add3A, %dma_start3A] : memref<32x2048xf32, #tpu.memory_space<hbm>> -> memref<1x2048xf32, #tpu.memory_space<hbm>>
      %dma_start3A_76 = tpu.memref_squeeze %dma_start3A_75 : memref<1x2048xf32, #tpu.memory_space<hbm>> -> memref<2048xf32, #tpu.memory_space<hbm>>
      %dma_start3A_77 = arith.constant 0 : i32
      %dma_start3A_78 = tpu.memref_slice %arg4[%add3A, %dma_start3A_77] : memref<32x2048xf32, #tpu.memory_space<hbm>> -> memref<1x2048xf32, #tpu.memory_space<hbm>>
      %dma_start3A_79 = tpu.memref_squeeze %dma_start3A_78 : memref<1x2048xf32, #tpu.memory_space<hbm>> -> memref<2048xf32, #tpu.memory_space<hbm>>
      tpu.enqueue_dma source(%arg10 : memref<2048xf32, #tpu.memory_space<vmem>>) target(%dma_start3A_79 : memref<2048xf32, #tpu.memory_space<hbm>>) target_semaphore(%run_scoped3A : memref<!tpu.dma_semaphore, #tpu.memory_space<semaphore_mem>>)
      %dma_wait3A = arith.constant 0 : i32
      %dma_wait3A_80 = tpu.memref_slice %arg4[%add3A, %dma_wait3A] : memref<32x2048xf32, #tpu.memory_space<hbm>> -> memref<1x2048xf32, #tpu.memory_space<hbm>>
      %dma_wait3A_81 = tpu.memref_squeeze %dma_wait3A_80 : memref<1x2048xf32, #tpu.memory_space<hbm>> -> memref<2048xf32, #tpu.memory_space<hbm>>
      %dma_wait3A_82 = arith.constant 0 : i32
      %dma_wait3A_83 = tpu.memref_slice %arg4[%add3A, %dma_wait3A_82] : memref<32x2048xf32, #tpu.memory_space<hbm>> -> memref<1x2048xf32, #tpu.memory_space<hbm>>
      %dma_wait3A_84 = tpu.memref_squeeze %dma_wait3A_83 : memref<1x2048xf32, #tpu.memory_space<hbm>> -> memref<2048xf32, #tpu.memory_space<hbm>>
      tpu.wait_dma2 semaphore(%run_scoped3A : memref<!tpu.dma_semaphore, #tpu.memory_space<semaphore_mem>>) src(%arg10 : memref<2048xf32, #tpu.memory_space<vmem>>) dst(%dma_wait3A_84 : memref<2048xf32, #tpu.memory_space<hbm>>)
      tpu.yield
    }) : () -> ()
    return
  }
}

module attributes {stable_mosaic.version = 14 : i64} {
  func.func @_tc_raster(%arg0: memref<1xi32, #tpu.memory_space<smem>>, %arg1: memref<16384xf32, #tpu.memory_space<smem>>, %arg2: memref<512x128xf32, #tpu.memory_space<vmem>>, %arg3: memref<128x128xf32, #tpu.memory_space<vmem>>) attributes {dimension_semantics = [], scalar_prefetch = 0 : i64, scratch_operands = 1 : i64, tpu.core_type = #tpu.core_type<tc>} {
    %broadcast_in_dim3A = arith.constant 0.000000e+00 : f32
    %broadcast_in_dim3A_0 = vector.broadcast %broadcast_in_dim3A : f32 to vector<512x128xf32>
    %swap3A = arith.constant 0 : index
    %swap3A_1 = arith.constant 0 : index
    %swap3A_2 = vector.load %arg2[%swap3A, %swap3A_1] : memref<512x128xf32, #tpu.memory_space<vmem>>, vector<512x128xf32>
    tpu.vector_store %arg2[%swap3A, %swap3A_1], %broadcast_in_dim3A_0 {strides = array<i32>} : memref<512x128xf32, #tpu.memory_space<vmem>>, vector<512x128xf32>,
    %broadcast_in_dim3A_3 = arith.constant 1.000000e+00 : f32
    %broadcast_in_dim3A_4 = vector.broadcast %broadcast_in_dim3A_3 : f32 to vector<128x128xf32>
    %swap3A_5 = arith.constant 0 : index
    %swap3A_6 = arith.constant 0 : index
    %swap3A_7 = vector.load %arg3[%swap3A_5, %swap3A_6] : memref<128x128xf32, #tpu.memory_space<vmem>>, vector<128x128xf32>
    tpu.vector_store %arg3[%swap3A_5, %swap3A_6], %broadcast_in_dim3A_4 {strides = array<i32>} : memref<128x128xf32, #tpu.memory_space<vmem>>, vector<128x128xf32>,
    %iota3A = tpu.iota {dimensions = array<i32: 1>} : vector<1x128xi32>
    %convert_element_type3A = arith.sitofp %iota3A : vector<1x128xi32> to vector<1x128xf32>
    %add3A = arith.constant 5.000000e-01 : f32
    %add3A_8 = vector.broadcast %add3A : f32 to vector<1x128xf32>
    %add3A_9 = arith.addf %convert_element_type3A, %add3A_8 : vector<1x128xf32>
    %iota3A_10 = tpu.iota {dimensions = array<i32: 0>} : vector<48x1xi32>
    %convert_element_type3A_11 = arith.sitofp %iota3A_10 : vector<48x1xi32> to vector<48x1xf32>
    %add3A_12 = arith.constant 5.000000e-01 : f32
    %add3A_13 = vector.broadcast %add3A_12 : f32 to vector<48x1xf32>
    %add3A_14 = arith.addf %convert_element_type3A_11, %add3A_13 : vector<48x1xf32>
    %get3A = arith.constant 0 : index
    %get3A_15 = memref.load %arg0[%get3A] : memref<1xi32, #tpu.memory_space<smem>>
    %while3A = arith.constant 0 : i32
    %while3A_16 = arith.constant 0 : i32
    %while3A_17 = arith.subi %get3A_15, %while3A_16 : i32
    %while3A_18 = arith.addi %while3A_16, %while3A_17 : i32
    %while3A_19 = arith.constant 1 : i32
    %while3A_20 = arith.divsi %while3A_17, %while3A_19 : i32
    %while3A_21 = arith.muli %while3A_20, %while3A_19 : i32
    %while3A_22 = arith.addi %while3A_16, %while3A_21 : i32
    %while3A_23 = arith.constant 1 : i32
    scf.for %while3A_25 = %while3A_16 to %while3A_22 step %while3A_23  : i32 {
      %mul3A = arith.constant 16 : i32
      %mul3A_26 = arith.muli %while3A_25, %mul3A : i32
      %add3A_27 = arith.constant 1 : i32
      %add3A_28 = arith.addi %mul3A_26, %add3A_27 : i32
      %get3A_29 = arith.index_cast %add3A_28 : i32 to index
      %get3A_30 = memref.load %arg1[%get3A_29] : memref<16384xf32, #tpu.memory_space<smem>>
      %add3A_31 = arith.constant 2 : i32
      %add3A_32 = arith.addi %mul3A_26, %add3A_31 : i32
      %get3A_33 = arith.index_cast %add3A_32 : i32 to index
      %get3A_34 = memref.load %arg1[%get3A_33] : memref<16384xf32, #tpu.memory_space<smem>>
      %floor3A = math.floor %get3A_34 : f32
      %convert_element_type3A_35 = arith.fptosi %floor3A : f32 to i32
      %sub3A = arith.constant 22 : i32
      %sub3A_36 = arith.subi %convert_element_type3A_35, %sub3A : i32
      %jit3A = arith.constant 0 : i32
      %jit3A_37 = arith.constant 80 : i32
      %max3A = arith.maxsi %jit3A, %sub3A_36 : i32
      %min3A = arith.minsi %jit3A_37, %max3A : i32
      %shift_right_arithmetic3A = arith.constant 3 : i32
      %shift_right_arithmetic3A_38 = arith.shrsi %min3A, %shift_right_arithmetic3A : i32
      %shift_left3A = arith.constant 3 : i32
      %shift_left3A_39 = arith.shli %shift_right_arithmetic3A_38, %shift_left3A : i32
      %sub3A_40 = vector.broadcast %get3A_30 : f32 to vector<1x128xf32>
      %sub3A_41 = arith.subf %add3A_9, %sub3A_40 : vector<1x128xf32>
      %convert_element_type3A_42 = arith.sitofp %shift_left3A_39 : i32 to f32
      %add3A_43 = vector.broadcast %convert_element_type3A_42 : f32 to vector<48x1xf32>
      %add3A_44 = arith.addf %add3A_14, %add3A_43 : vector<48x1xf32>
      %sub3A_45 = vector.broadcast %get3A_34 : f32 to vector<48x1xf32>
      %sub3A_46 = arith.subf %add3A_44, %sub3A_45 : vector<48x1xf32>
      %add3A_47 = arith.constant 5 : i32
      %add3A_48 = arith.addi %mul3A_26, %add3A_47 : i32
      %get3A_49 = arith.index_cast %add3A_48 : i32 to index
      %get3A_50 = memref.load %arg1[%get3A_49] : memref<16384xf32, #tpu.memory_space<smem>>
      %mul3A_51 = vector.broadcast %get3A_50 : f32 to vector<48x1xf32>
      %mul3A_52 = arith.mulf %mul3A_51, %sub3A_46 : vector<48x1xf32>
      %add3A_53 = arith.constant 4 : i32
      %add3A_54 = arith.addi %mul3A_26, %add3A_53 : i32
      %get3A_55 = arith.index_cast %add3A_54 : i32 to index
      %get3A_56 = memref.load %arg1[%get3A_55] : memref<16384xf32, #tpu.memory_space<smem>>
      %mul3A_57 = vector.broadcast %get3A_56 : f32 to vector<1x128xf32>
      %mul3A_58 = arith.mulf %mul3A_57, %sub3A_41 : vector<1x128xf32>
      %add3A_59 = vector.broadcast %mul3A_52 : vector<48x1xf32> to vector<48x128xf32>
      %add3A_60 = vector.broadcast %mul3A_58 : vector<1x128xf32> to vector<48x128xf32>
      %add3A_61 = arith.addf %add3A_59, %add3A_60 : vector<48x128xf32>
      %mul3A_62 = vector.broadcast %sub3A_46 : vector<48x1xf32> to vector<48x128xf32>
      %mul3A_63 = arith.mulf %add3A_61, %mul3A_62 : vector<48x128xf32>
      %add3A_64 = arith.constant 3 : i32
      %add3A_65 = arith.addi %mul3A_26, %add3A_64 : i32
      %get3A_66 = arith.index_cast %add3A_65 : i32 to index
      %get3A_67 = memref.load %arg1[%get3A_66] : memref<16384xf32, #tpu.memory_space<smem>>
      %mul3A_68 = vector.broadcast %get3A_67 : f32 to vector<1x128xf32>
      %mul3A_69 = arith.mulf %mul3A_68, %sub3A_41 : vector<1x128xf32>
      %mul3A_70 = arith.mulf %mul3A_69, %sub3A_41 : vector<1x128xf32>
      %add3A_71 = vector.broadcast %mul3A_70 : vector<1x128xf32> to vector<48x128xf32>
      %add3A_72 = arith.addf %mul3A_63, %add3A_71 : vector<48x128xf32>
      %add3A_73 = arith.constant 9 : i32
      %add3A_74 = arith.addi %mul3A_26, %add3A_73 : i32
      %get3A_75 = arith.index_cast %add3A_74 : i32 to index
      %get3A_76 = memref.load %arg1[%get3A_75] : memref<16384xf32, #tpu.memory_space<smem>>
      %add3A_77 = vector.broadcast %get3A_76 : f32 to vector<48x128xf32>
      %add3A_78 = arith.addf %add3A_72, %add3A_77 : vector<48x128xf32>
      %exp3A = math.exp %add3A_78 : vector<48x128xf32>
      %get3A_79 = arith.index_cast %shift_left3A_39 : i32 to index
      %get3A_80 = arith.constant 0 : index
      %get3A_81 = vector.load %arg3[%get3A_79, %get3A_80] : memref<128x128xf32, #tpu.memory_space<vmem>>, vector<48x128xf32>
      %mul3A_82 = arith.mulf %exp3A, %get3A_81 : vector<48x128xf32>
      %sub3A_83 = arith.subf %get3A_81, %mul3A_82 : vector<48x128xf32>
      %swap3A_84 = arith.index_cast %shift_left3A_39 : i32 to index
      %swap3A_85 = arith.constant 0 : index
      %swap3A_86 = vector.load %arg3[%swap3A_84, %swap3A_85] : memref<128x128xf32, #tpu.memory_space<vmem>>, vector<48x128xf32>
      tpu.vector_store %arg3[%swap3A_84, %swap3A_85], %sub3A_83 {strides = array<i32>} : memref<128x128xf32, #tpu.memory_space<vmem>>, vector<48x128xf32>,
      %get3A_87 = arith.index_cast %shift_left3A_39 : i32 to index
      %get3A_88 = arith.constant 0 : index
      %get3A_89 = vector.load %arg2[%get3A_87, %get3A_88] : memref<512x128xf32, #tpu.memory_space<vmem>>, vector<48x128xf32>
      %add3A_90 = arith.constant 6 : i32
      %add3A_91 = arith.addi %mul3A_26, %add3A_90 : i32
      %get3A_92 = arith.index_cast %add3A_91 : i32 to index
      %get3A_93 = memref.load %arg1[%get3A_92] : memref<16384xf32, #tpu.memory_space<smem>>
      %mul3A_94 = vector.broadcast %get3A_93 : f32 to vector<48x128xf32>
      %mul3A_95 = arith.mulf %mul3A_94, %mul3A_82 : vector<48x128xf32>
      %add3A_96 = arith.addf %get3A_89, %mul3A_95 : vector<48x128xf32>
      %swap3A_97 = arith.index_cast %shift_left3A_39 : i32 to index
      %swap3A_98 = arith.constant 0 : index
      %swap3A_99 = vector.load %arg2[%swap3A_97, %swap3A_98] : memref<512x128xf32, #tpu.memory_space<vmem>>, vector<48x128xf32>
      tpu.vector_store %arg2[%swap3A_97, %swap3A_98], %add3A_96 {strides = array<i32>} : memref<512x128xf32, #tpu.memory_space<vmem>>, vector<48x128xf32>,
      %add3A_100 = arith.constant 128 : i32
      %add3A_101 = arith.addi %shift_left3A_39, %add3A_100 : i32
      %get3A_102 = arith.index_cast %add3A_101 : i32 to index
      %get3A_103 = arith.constant 0 : index
      %get3A_104 = vector.load %arg2[%get3A_102, %get3A_103] : memref<512x128xf32, #tpu.memory_space<vmem>>, vector<48x128xf32>
      %add3A_105 = arith.constant 7 : i32
      %add3A_106 = arith.addi %mul3A_26, %add3A_105 : i32
      %get3A_107 = arith.index_cast %add3A_106 : i32 to index
      %get3A_108 = memref.load %arg1[%get3A_107] : memref<16384xf32, #tpu.memory_space<smem>>
      %mul3A_109 = vector.broadcast %get3A_108 : f32 to vector<48x128xf32>
      %mul3A_110 = arith.mulf %mul3A_109, %mul3A_82 : vector<48x128xf32>
      %add3A_111 = arith.addf %get3A_104, %mul3A_110 : vector<48x128xf32>
      %swap3A_112 = arith.index_cast %add3A_101 : i32 to index
      %swap3A_113 = arith.constant 0 : index
      %swap3A_114 = vector.load %arg2[%swap3A_112, %swap3A_113] : memref<512x128xf32, #tpu.memory_space<vmem>>, vector<48x128xf32>
      tpu.vector_store %arg2[%swap3A_112, %swap3A_113], %add3A_111 {strides = array<i32>} : memref<512x128xf32, #tpu.memory_space<vmem>>, vector<48x128xf32>,
      %add3A_115 = arith.constant 256 : i32
      %add3A_116 = arith.addi %shift_left3A_39, %add3A_115 : i32
      %get3A_117 = arith.index_cast %add3A_116 : i32 to index
      %get3A_118 = arith.constant 0 : index
      %get3A_119 = vector.load %arg2[%get3A_117, %get3A_118] : memref<512x128xf32, #tpu.memory_space<vmem>>, vector<48x128xf32>
      %add3A_120 = arith.constant 8 : i32
      %add3A_121 = arith.addi %mul3A_26, %add3A_120 : i32
      %get3A_122 = arith.index_cast %add3A_121 : i32 to index
      %get3A_123 = memref.load %arg1[%get3A_122] : memref<16384xf32, #tpu.memory_space<smem>>
      %mul3A_124 = vector.broadcast %get3A_123 : f32 to vector<48x128xf32>
      %mul3A_125 = arith.mulf %mul3A_124, %mul3A_82 : vector<48x128xf32>
      %add3A_126 = arith.addf %get3A_119, %mul3A_125 : vector<48x128xf32>
      %swap3A_127 = arith.index_cast %add3A_116 : i32 to index
      %swap3A_128 = arith.constant 0 : index
      %swap3A_129 = vector.load %arg2[%swap3A_127, %swap3A_128] : memref<512x128xf32, #tpu.memory_space<vmem>>, vector<48x128xf32>
      tpu.vector_store %arg2[%swap3A_127, %swap3A_128], %add3A_126 {strides = array<i32>} : memref<512x128xf32, #tpu.memory_space<vmem>>, vector<48x128xf32>,
      %add3A_130 = arith.constant 384 : i32
      %add3A_131 = arith.addi %shift_left3A_39, %add3A_130 : i32
      %get3A_132 = arith.index_cast %add3A_131 : i32 to index
      %get3A_133 = arith.constant 0 : index
      %get3A_134 = vector.load %arg2[%get3A_132, %get3A_133] : memref<512x128xf32, #tpu.memory_space<vmem>>, vector<48x128xf32>
      %add3A_135 = arith.addf %get3A_134, %mul3A_82 : vector<48x128xf32>
      %swap3A_136 = arith.index_cast %add3A_131 : i32 to index
      %swap3A_137 = arith.constant 0 : index
      %swap3A_138 = vector.load %arg2[%swap3A_136, %swap3A_137] : memref<512x128xf32, #tpu.memory_space<vmem>>, vector<48x128xf32>
      tpu.vector_store %arg2[%swap3A_136, %swap3A_137], %add3A_135 {strides = array<i32>} : memref<512x128xf32, #tpu.memory_space<vmem>>, vector<48x128xf32>,
    }
    %while3A_24 = arith.constant 1 : i32
    scf.for %while3A_25 = %while3A_22 to %while3A_18 step %while3A_24  : i32 {
      %mul3A = arith.constant 16 : i32
      %mul3A_26 = arith.muli %while3A_25, %mul3A : i32
      %add3A_27 = arith.constant 1 : i32
      %add3A_28 = arith.addi %mul3A_26, %add3A_27 : i32
      %get3A_29 = arith.index_cast %add3A_28 : i32 to index
      %get3A_30 = memref.load %arg1[%get3A_29] : memref<16384xf32, #tpu.memory_space<smem>>
      %add3A_31 = arith.constant 2 : i32
      %add3A_32 = arith.addi %mul3A_26, %add3A_31 : i32
      %get3A_33 = arith.index_cast %add3A_32 : i32 to index
      %get3A_34 = memref.load %arg1[%get3A_33] : memref<16384xf32, #tpu.memory_space<smem>>
      %floor3A = math.floor %get3A_34 : f32
      %convert_element_type3A_35 = arith.fptosi %floor3A : f32 to i32
      %sub3A = arith.constant 22 : i32
      %sub3A_36 = arith.subi %convert_element_type3A_35, %sub3A : i32
      %jit3A = arith.constant 0 : i32
      %jit3A_37 = arith.constant 80 : i32
      %max3A = arith.maxsi %jit3A, %sub3A_36 : i32
      %min3A = arith.minsi %jit3A_37, %max3A : i32
      %shift_right_arithmetic3A = arith.constant 3 : i32
      %shift_right_arithmetic3A_38 = arith.shrsi %min3A, %shift_right_arithmetic3A : i32
      %shift_left3A = arith.constant 3 : i32
      %shift_left3A_39 = arith.shli %shift_right_arithmetic3A_38, %shift_left3A : i32
      %sub3A_40 = vector.broadcast %get3A_30 : f32 to vector<1x128xf32>
      %sub3A_41 = arith.subf %add3A_9, %sub3A_40 : vector<1x128xf32>
      %convert_element_type3A_42 = arith.sitofp %shift_left3A_39 : i32 to f32
      %add3A_43 = vector.broadcast %convert_element_type3A_42 : f32 to vector<48x1xf32>
      %add3A_44 = arith.addf %add3A_14, %add3A_43 : vector<48x1xf32>
      %sub3A_45 = vector.broadcast %get3A_34 : f32 to vector<48x1xf32>
      %sub3A_46 = arith.subf %add3A_44, %sub3A_45 : vector<48x1xf32>
      %add3A_47 = arith.constant 5 : i32
      %add3A_48 = arith.addi %mul3A_26, %add3A_47 : i32
      %get3A_49 = arith.index_cast %add3A_48 : i32 to index
      %get3A_50 = memref.load %arg1[%get3A_49] : memref<16384xf32, #tpu.memory_space<smem>>
      %mul3A_51 = vector.broadcast %get3A_50 : f32 to vector<48x1xf32>
      %mul3A_52 = arith.mulf %mul3A_51, %sub3A_46 : vector<48x1xf32>
      %add3A_53 = arith.constant 4 : i32
      %add3A_54 = arith.addi %mul3A_26, %add3A_53 : i32
      %get3A_55 = arith.index_cast %add3A_54 : i32 to index
      %get3A_56 = memref.load %arg1[%get3A_55] : memref<16384xf32, #tpu.memory_space<smem>>
      %mul3A_57 = vector.broadcast %get3A_56 : f32 to vector<1x128xf32>
      %mul3A_58 = arith.mulf %mul3A_57, %sub3A_41 : vector<1x128xf32>
      %add3A_59 = vector.broadcast %mul3A_52 : vector<48x1xf32> to vector<48x128xf32>
      %add3A_60 = vector.broadcast %mul3A_58 : vector<1x128xf32> to vector<48x128xf32>
      %add3A_61 = arith.addf %add3A_59, %add3A_60 : vector<48x128xf32>
      %mul3A_62 = vector.broadcast %sub3A_46 : vector<48x1xf32> to vector<48x128xf32>
      %mul3A_63 = arith.mulf %add3A_61, %mul3A_62 : vector<48x128xf32>
      %add3A_64 = arith.constant 3 : i32
      %add3A_65 = arith.addi %mul3A_26, %add3A_64 : i32
      %get3A_66 = arith.index_cast %add3A_65 : i32 to index
      %get3A_67 = memref.load %arg1[%get3A_66] : memref<16384xf32, #tpu.memory_space<smem>>
      %mul3A_68 = vector.broadcast %get3A_67 : f32 to vector<1x128xf32>
      %mul3A_69 = arith.mulf %mul3A_68, %sub3A_41 : vector<1x128xf32>
      %mul3A_70 = arith.mulf %mul3A_69, %sub3A_41 : vector<1x128xf32>
      %add3A_71 = vector.broadcast %mul3A_70 : vector<1x128xf32> to vector<48x128xf32>
      %add3A_72 = arith.addf %mul3A_63, %add3A_71 : vector<48x128xf32>
      %add3A_73 = arith.constant 9 : i32
      %add3A_74 = arith.addi %mul3A_26, %add3A_73 : i32
      %get3A_75 = arith.index_cast %add3A_74 : i32 to index
      %get3A_76 = memref.load %arg1[%get3A_75] : memref<16384xf32, #tpu.memory_space<smem>>
      %add3A_77 = vector.broadcast %get3A_76 : f32 to vector<48x128xf32>
      %add3A_78 = arith.addf %add3A_72, %add3A_77 : vector<48x128xf32>
      %exp3A = math.exp %add3A_78 : vector<48x128xf32>
      %get3A_79 = arith.index_cast %shift_left3A_39 : i32 to index
      %get3A_80 = arith.constant 0 : index
      %get3A_81 = vector.load %arg3[%get3A_79, %get3A_80] : memref<128x128xf32, #tpu.memory_space<vmem>>, vector<48x128xf32>
      %mul3A_82 = arith.mulf %exp3A, %get3A_81 : vector<48x128xf32>
      %sub3A_83 = arith.subf %get3A_81, %mul3A_82 : vector<48x128xf32>
      %swap3A_84 = arith.index_cast %shift_left3A_39 : i32 to index
      %swap3A_85 = arith.constant 0 : index
      %swap3A_86 = vector.load %arg3[%swap3A_84, %swap3A_85] : memref<128x128xf32, #tpu.memory_space<vmem>>, vector<48x128xf32>
      tpu.vector_store %arg3[%swap3A_84, %swap3A_85], %sub3A_83 {strides = array<i32>} : memref<128x128xf32, #tpu.memory_space<vmem>>, vector<48x128xf32>,
      %get3A_87 = arith.index_cast %shift_left3A_39 : i32 to index
      %get3A_88 = arith.constant 0 : index
      %get3A_89 = vector.load %arg2[%get3A_87, %get3A_88] : memref<512x128xf32, #tpu.memory_space<vmem>>, vector<48x128xf32>
      %add3A_90 = arith.constant 6 : i32
      %add3A_91 = arith.addi %mul3A_26, %add3A_90 : i32
      %get3A_92 = arith.index_cast %add3A_91 : i32 to index
      %get3A_93 = memref.load %arg1[%get3A_92] : memref<16384xf32, #tpu.memory_space<smem>>
      %mul3A_94 = vector.broadcast %get3A_93 : f32 to vector<48x128xf32>
      %mul3A_95 = arith.mulf %mul3A_94, %mul3A_82 : vector<48x128xf32>
      %add3A_96 = arith.addf %get3A_89, %mul3A_95 : vector<48x128xf32>
      %swap3A_97 = arith.index_cast %shift_left3A_39 : i32 to index
      %swap3A_98 = arith.constant 0 : index
      %swap3A_99 = vector.load %arg2[%swap3A_97, %swap3A_98] : memref<512x128xf32, #tpu.memory_space<vmem>>, vector<48x128xf32>
      tpu.vector_store %arg2[%swap3A_97, %swap3A_98], %add3A_96 {strides = array<i32>} : memref<512x128xf32, #tpu.memory_space<vmem>>, vector<48x128xf32>,
      %add3A_100 = arith.constant 128 : i32
      %add3A_101 = arith.addi %shift_left3A_39, %add3A_100 : i32
      %get3A_102 = arith.index_cast %add3A_101 : i32 to index
      %get3A_103 = arith.constant 0 : index
      %get3A_104 = vector.load %arg2[%get3A_102, %get3A_103] : memref<512x128xf32, #tpu.memory_space<vmem>>, vector<48x128xf32>
      %add3A_105 = arith.constant 7 : i32
      %add3A_106 = arith.addi %mul3A_26, %add3A_105 : i32
      %get3A_107 = arith.index_cast %add3A_106 : i32 to index
      %get3A_108 = memref.load %arg1[%get3A_107] : memref<16384xf32, #tpu.memory_space<smem>>
      %mul3A_109 = vector.broadcast %get3A_108 : f32 to vector<48x128xf32>
      %mul3A_110 = arith.mulf %mul3A_109, %mul3A_82 : vector<48x128xf32>
      %add3A_111 = arith.addf %get3A_104, %mul3A_110 : vector<48x128xf32>
      %swap3A_112 = arith.index_cast %add3A_101 : i32 to index
      %swap3A_113 = arith.constant 0 : index
      %swap3A_114 = vector.load %arg2[%swap3A_112, %swap3A_113] : memref<512x128xf32, #tpu.memory_space<vmem>>, vector<48x128xf32>
      tpu.vector_store %arg2[%swap3A_112, %swap3A_113], %add3A_111 {strides = array<i32>} : memref<512x128xf32, #tpu.memory_space<vmem>>, vector<48x128xf32>,
      %add3A_115 = arith.constant 256 : i32
      %add3A_116 = arith.addi %shift_left3A_39, %add3A_115 : i32
      %get3A_117 = arith.index_cast %add3A_116 : i32 to index
      %get3A_118 = arith.constant 0 : index
      %get3A_119 = vector.load %arg2[%get3A_117, %get3A_118] : memref<512x128xf32, #tpu.memory_space<vmem>>, vector<48x128xf32>
      %add3A_120 = arith.constant 8 : i32
      %add3A_121 = arith.addi %mul3A_26, %add3A_120 : i32
      %get3A_122 = arith.index_cast %add3A_121 : i32 to index
      %get3A_123 = memref.load %arg1[%get3A_122] : memref<16384xf32, #tpu.memory_space<smem>>
      %mul3A_124 = vector.broadcast %get3A_123 : f32 to vector<48x128xf32>
      %mul3A_125 = arith.mulf %mul3A_124, %mul3A_82 : vector<48x128xf32>
      %add3A_126 = arith.addf %get3A_119, %mul3A_125 : vector<48x128xf32>
      %swap3A_127 = arith.index_cast %add3A_116 : i32 to index
      %swap3A_128 = arith.constant 0 : index
      %swap3A_129 = vector.load %arg2[%swap3A_127, %swap3A_128] : memref<512x128xf32, #tpu.memory_space<vmem>>, vector<48x128xf32>
      tpu.vector_store %arg2[%swap3A_127, %swap3A_128], %add3A_126 {strides = array<i32>} : memref<512x128xf32, #tpu.memory_space<vmem>>, vector<48x128xf32>,
      %add3A_130 = arith.constant 384 : i32
      %add3A_131 = arith.addi %shift_left3A_39, %add3A_130 : i32
      %get3A_132 = arith.index_cast %add3A_131 : i32 to index
      %get3A_133 = arith.constant 0 : index
      %get3A_134 = vector.load %arg2[%get3A_132, %get3A_133] : memref<512x128xf32, #tpu.memory_space<vmem>>, vector<48x128xf32>
      %add3A_135 = arith.addf %get3A_134, %mul3A_82 : vector<48x128xf32>
      %swap3A_136 = arith.index_cast %add3A_131 : i32 to index
      %swap3A_137 = arith.constant 0 : index
      %swap3A_138 = vector.load %arg2[%swap3A_136, %swap3A_137] : memref<512x128xf32, #tpu.memory_space<vmem>>, vector<48x128xf32>
      tpu.vector_store %arg2[%swap3A_136, %swap3A_137], %add3A_135 {strides = array<i32>} : memref<512x128xf32, #tpu.memory_space<vmem>>, vector<48x128xf32>,
    }
    return
  }
}

</mosaic_0001>

<sc_bundles>
// kernel: kernel.4.cloned.1.call-start
scs
__scs_entry_jumppad:
0x0: {  	(pc) =	sbr.rel $0x88, $3  }
0x1: {  	(tag) =	ssettag $0x0;
	lr =	simm.s32 $0x1  }
0x2: {  	[smem:$0x3F9B] =	sst lr;
	_ =	strace $0xD0000000  }
0x3: {  	_ = 	snop  }
0x4: {  	_ = 	snop  }
0x5: {  	_ = 	snop  }
0x6: {  	_ = 	snop  }
0x7: {  	_ = 	snop  }
__scs_overlays_trampoline_lowered:
0x8: {  	[smem:$0x3FAA] =	sst s0  }
0x9: {  	[smem:$0x3FAB] =	sst s1  }
0xa: {  	[smem:$0x3FAC] =	sst s2  }
0xb: {  	[smem:$0x3FAD] =	sst s3  }
0xc: {  	[smem:$0x3FAE] =	sst s4  }
0xd: {  	[smem:$0x3FAF] =	sst s5  }
0xe: {  	[smem:$0x3FB0] =	sst s6  }
0xf: {  	[smem:$0x3FB1] =	sst s7  }
0x10: {  	[smem:$0x3FB2] =	sst s8  }
0x11: {  	[smem:$0x3FB3] =	sst s9;
	s0 =	simm.s32 @!p0 $0x0  }
0x12: {  	s1 =	sld [smem:$0x3F99];
	s0 =	simm.s32 @p0 $0x1  }
0x13: {  	[smem:$0x3FB4] =	sst s0;
	s0 =	simm.s32 @!p1 $0x0  }
0x14: {  	s2 =	sld [smem:$0x3F98];
	s0 =	simm.s32 @p1 $0x1  }
0x15: {  	[smem:$0x3FB5] =	sst s0;
	s0 =	simm.s32 @!p2 $0x0  }
0x16: {  	s3 =	sld [smem:$0x3FDB];
	s0 =	simm.s32 @p2 $0x1  }
0x17: {  	s4 =	simm.s32 $0x1BF5;
	[smem:$0x3FB7] =	sst s0  }
0x18: {  	s0 =	sld [smem:$0x3F9A];
	_ =	swait.ge [sflag:s4], $0x0  }
0x19: {  	s7 =	sld [smem:$0x3F9B]  }
0x1a: {  	s8 =	sadd.s32 $0xFFFFE003, lr  }
0x1b: {  	s9 =	sadd.s32 $0xFFFFFEF7, lr;
	s5 =	simm.s32 $0xFFFFFFFF;
	p2 =	slt.u32 s8, $0xFFFFF086  }
0x1c: {  	p1 =	slt.u32 s9, $0xF7A;
	s5 =	simm.s32 @!p2 $0x0  }
0x1d: {  	s5 =	simm.s32 @p1 $0x1;
	p0 =	seq.s32 s7, s2  }
0x1e: {  	s7 =	smul.u32 @!p0 $0xF7A, s2;
	p2 =	seq.s32 @!p0 s5, $0x0  }
0x1f: {  	s9 =	smul.u32 $0xF7A, s1;
	s8 =	simm.s32 @!p0 $0x1BF5;
	p2 =	por !p2, p0  }
0x20: {  	[sflag:s8] =	ssyncset.s32 @!p0 $0xFFFFF086;
	s6 =	sadd.s32 @!p0 s3, s7;
	s7 =	simm.s32 @!p0 $0x108  }
0x21: {  	s3 =	sadd.s32 s3, s9;
	s6 =	sadd.s32 @!p0 $0x88, s6;
	s7 =	simm.s32 @p2 $0x1082  }
0x22: {  	[simem:s7], [sflag:s8] =	dma.local @!p0 [hbm:s6], $0xF7A  }
0x23: {  	s9 =	sor.u32 $0xD0000000, s2;
	s6 =	simm.s32 $0x108;
	_ =	swait.ge @!p0 [sflag:s8], $0x0  }
0x24: {  	s3 =	sadd.s32 $0x88, s3;
	s6 =	simm.s32 @!p1 $0x1082;
	[sflag:s4] =	ssyncset.s32 $0xFFFFF086  }
0x25: {  	[simem:s6], [sflag:s4] =	dma.local [hbm:s3], $0xF7A  }
0x26: {  	[smem:$0x3F9B] =	sst s1;
	(tag) =	ssettag s2;
	_ =	strace s9  }
0x27: {  	s1 =	sld [smem:$0x3FAB]  }
0x28: {  	s2 =	sld [smem:$0x3FAC]  }
0x29: {  	s4 =	sld [smem:$0x3FAE]  }
0x2a: {  	p0 =	seq.s32 s5, $0x0;
	s5 =	sld [smem:$0x3FAF]  }
0x2b: {  	s6 =	sld [smem:$0x3FB0]  }
0x2c: {  	s7 =	sld [smem:$0x3FB1]  }
0x2d: {  	s3 =	simm.s32 $0x108;
	s8 =	sld [smem:$0x3FB2]  }
0x2e: {  	s3 =	simm.s32 @!p0 $0x1082;
	s9 =	sld [smem:$0x3FB3]  }
0x2f: {  	lr =	sadd.s32 s0, s3;
	s0 =	sld [smem:$0x3FAA]  }
0x30: {  	s3 =	sld [smem:$0x3FAD]  }
0x31: {  	[smem:$0x3FB6] =	sst s10  }
0x32: {  	s10 =	sld [smem:$0x3FB4];
	_ =	sdelay $0x3  }
0x33: {  	p0 =	seq.s32 s10, $0x1;
	s10 =	sld [smem:$0x3FB6];
	_ =	sdelay $0x3  }
0x34: {  	[smem:$0x3FB6] =	sst s10  }
0x35: {  	s10 =	sld [smem:$0x3FB5];
	_ =	sdelay $0x3  }
0x36: {  	p1 =	seq.s32 s10, $0x1;
	s10 =	sld [smem:$0x3FB6];
	_ =	sdelay $0x3  }
0x37: {  	[smem:$0x3FB6] =	sst s10  }
0x38: {  	s10 =	sld [smem:$0x3FB7]  }
0x39: {  	_ = 	snop;
	(pc) =	sbr.ind lr, $3  }
0x3a: {  	_ = 	snop  }
0x3b: {  	_ = 	snop  }
0x3c: {  	p2 =	seq.s32 s10, $0x1;
	s10 =	sld [smem:$0x3FB6]  }
0x3d: {  	_ =	shalt  }
0x3e: {  	_ =	shalt  }
0x3f: {  	_ =	shalt  }
0x40: {  	_ =	shalt  }
0x41: {  	_ =	shalt  }
0x42: {  	_ =	shalt  }
0x43: {  	_ =	shalt  }
0x44: {  	_ =	shalt  }
0x45: {  	_ =	shalt  }
0x46: {  	_ =	shalt  }
0x47: {  	_ =	shalt  }
0x48: {  	_ =	shalt  }
0x49: {  	_ =	shalt  }
0x4a: {  	_ =	shalt  }
0x4b: {  	_ =	shalt  }
0x4c: {  	_ =	shalt  }
0x4d: {  	_ =	shalt  }
0x4e: {  	_ =	shalt  }
0x4f: {  	_ =	shalt  }
0x50: {  	_ =	shalt  }
0x51: {  	_ =	shalt  }
0x52: {  	_ =	shalt  }
0x53: {  	_ =	shalt  }
0x54: {  	_ =	shalt  }
0x55: {  	_ =	shalt  }
0x56: {  	_ =	shalt  }
0x57: {  	_ =	shalt  }
0x58: {  	_ =	shalt  }
0x59: {  	_ =	shalt  }
0x5a: {  	_ =	shalt  }
0x5b: {  	_ =	shalt  }
0x5c: {  	_ =	shalt  }
0x5d: {  	_ =	shalt  }
0x5e: {  	_ =	shalt  }
0x5f: {  	_ =	shalt  }
0x60: {  	_ =	shalt  }
0x61: {  	_ =	shalt  }
0x62: {  	_ =	shalt  }
0x63: {  	_ =	shalt  }
0x64: {  	_ =	shalt  }
0x65: {  	_ =	shalt  }
0x66: {  	_ =	shalt  }
0x67: {  	_ =	shalt  }
0x68: {  	_ =	shalt  }
0x69: {  	_ =	shalt  }
0x6a: {  	_ =	shalt  }
0x6b: {  	_ =	shalt  }
0x6c: {  	_ =	shalt  }
0x6d: {  	_ =	shalt  }
0x6e: {  	_ =	shalt  }
0x6f: {  	_ =	shalt  }
0x70: {  	_ =	shalt  }
0x71: {  	_ =	shalt  }
0x72: {  	_ =	shalt  }
0x73: {  	_ =	shalt  }
0x74: {  	_ =	shalt  }
0x75: {  	_ =	shalt  }
0x76: {  	_ =	shalt  }
0x77: {  	_ =	shalt  }
0x78: {  	_ =	shalt  }
0x79: {  	_ =	shalt  }
0x7a: {  	_ =	shalt  }
0x7b: {  	_ =	shalt  }
0x7c: {  	_ =	shalt  }
0x7d: {  	_ =	shalt  }
0x7e: {  	_ =	shalt  }
0x7f: {  	_ =	shalt  }
0x80: {  	_ =	shalt  }
0x81: {  	_ =	shalt  }
0x82: {  	_ =	shalt  }
0x83: {  	_ =	shalt  }
0x84: {  	_ =	shalt  }
0x85: {  	_ =	shalt  }
0x86: {  	_ =	shalt  }
0x87: {  	_ =	shalt  }
.Lfunc_end0:
.L_simem_size_0:
called_computation_lowered:
.L_overlay_start_0:
0x88: {  	s2 =	sld [smem:$0x3FD9]  }
0x89: {  	s3 =	sld [smem:$0x3FFE];
	_ =	sdelay $0x1  }
0x8a: {  	s1 =	srdreg.scid  }
0x8b: {  	s0 =	sand.u32 $0x1, s1  }
0x8c: {  	s17 =	sshll.u32 s0, $0xA;
	s2 =	sadd.s32 s3, s2  }
0x8d: {  	s2 =	sadd.s32 s2, s17  }
0x8e: {  	[smem:$0x3FC2] =	sst s2  }
0x8f: {  	_ = 	snop  }
0x90: {  	s2 =	sld [smem:$0x3FD0];
	(tm) =	ssettm $0x1  }
0x91: {  	s18 =	sld [smem:$0x3FFB];
	_ =	sdelay $0x3  }
0x92: {  	_ =	strace s18  }
0x93: {  	s3 =	sld [smem:$0x3FFC];
	_ =	sdelay $0x3  }
0x94: {  	_ =	strace s3  }
0x95: {  	s3 =	sld [smem:$0x3FFD];
	_ =	sdelay $0x3  }
0x96: {  	_ =	strace s3  }
0x97: {  	_ =	strace $0x8FFFFFFF  }
0x98: {  	s19 =	sld [smem:$0x3FDB];
	_ =	sdelay $0x1  }
0x99: {  	s4 =	simm.s32 $_scs_section_size  }
0x9a: {  	s5 =	simm.s32 $_size__tile_overlayer_lowered;
	s6 =	simm.s32 $_tile_overlayer_lowered  }
0x9b: {  	s22 =	simm.s32 $0x1BFF;
	s21 =	sshll.u32 s6, $0x1;
	s3 =	sadd.s32 s4, s19  }
0x9c: {  	s7 =	simm.s32 $0x0;
	s20 =	sshll.u32 s5, $0x1;
	s5 =	sadd.s32 s21, s3  }
0x9d: {  	[timem:s7], [sflag:s22] =	dma.local [hbm:s5], s20  }
0x9e: {  	_ =	swait.ge [sflag:s22], s20  }
0x9f: {  	s4 =	ssub.s32 $0x0, s20;
	[sflag:s22] =	ssyncset.done $0x0  }
0xa0: {  	[sflag:s22] =	ssyncadd.s32 s4;
	_ =	sdelay $0x1  }
0xa1: {  	s23 =	simm.s32 $0x1B8B  }
0xa2: {  	_ =	swait.ge [sflag:s23], $0x1  }
0xa3: {  	[sflag:s23] =	ssyncset.done $0x0  }
0xa4: {  	s25 =	simm.s32 $0x1B8E;
	s24 =	sld [smem:$0x3FFE];
	[sflag:s23] =	ssyncadd.s32 $0xFFFFFFFF  }
0xa5: {  	s26 =	simm.s32 $execute0_lowered;
	[smem:$0x3FD2] =	sst s25  }
0xa6: {  	s5 =	sshll.u32 s26, $0x1;
	_ =	strace $0x80000046;
	[dreg:$0x1] =	wrdreg $0xFFFFFFFF  }
0xa7: {  	s28 =	simm.s32 $_size_execute0_lowered;
	s3 =	sadd.s32 s3, s5;
	[dreg:$0x0] =	wrdreg $0x0  }
0xa8: {  	s5 =	sshll.u32 s28, $0x1;
	[dreg:$0x2] =	wrdreg s3  }
0xa9: {  	[dreg:$0x3] =	wrdreg s5  }
0xaa: {  	[dreg:$0x4] =	wrdreg $0xC0  }
0xab: {  	_ =	task [dreg:s7], $0x5FFFF  }
0xac: {  	[dreg:$0x1] =	wrdreg $0xFFFFFFFF  }
0xad: {  	[dreg:$0x0] =	wrdreg $0x60  }
0xae: {  	[dreg:$0x2] =	wrdreg s24  }
0xaf: {  	[dreg:$0x3] =	wrdreg s2  }
0xb0: {  	[dreg:$0x4] =	wrdreg $0x9  }
0xb1: {  	_ =	task.clear_ibuf [dreg:s7], $0x5FFFF;
	_ =	strace $0x90000046  }
0xb2: {  	s29 =	simm.s32 $0x9;
	_ =	strace $0x80000048  }
0xb3: {  	_ =	swait.ge [sflag:s29], $0x1  }
0xb4: {  	[sflag:s29] =	ssyncadd.s32 $0xFFFFFFFF  }
0xb5: {  	_ =	strace $0x90000048  }
0xb6: {  	_ =	sfence  }
0xb7: {  	s30 =	sld [smem:$0x0];
	_ =	sdelay $0x2  }
0xb8: {  	s31 =	sshll.u32 s1, $0xD;
	s1 =	sshrl.u32 s1, $0x2  }
0xb9: {  	s3 =	sand.u32 $0x4000, s31;
	s1 =	sadd.s32 s1, s30  }
0xba: {  	s0 =	sor.u32 s3, s0;
	s1 =	sshll.u32 s1, $0x11  }
0xbb: {  	s0 =	sor.u32 s1, s0  }
0xbc: {  	s0 =	sadd.s32 $0x8F2B, s0  }
0xbd: {  	[sflag:s0] =	ssyncadd.remote.s32 $0x1  }
0xbe: {  	_ =	sfence.sel $0xFFFF  }
0xbf: {  	[dreg:$0x0] =	wrdreg $0xFFFFFFFF;
	(pc) =	sbr.abs _section_cstart, $3  }
0xc0: {  	[dreg:$0x1] =	wrdreg $0xFFFFFFFF  }
0xc1: {  	_ =	task.clear_ibuf [dreg:s7], $0x2FFFF;
	_ =	strace $0x9FFFFFFF  }
0xc2: {  	(tm) =	ssettm $0x7FFFFFFF  }
0xc3: {  	_ =	shalt  }
tec
execute0_lowered:
.L_overlay_start_1:
0x0: {  	(tag) =	ssettag $0x1  }
0x1: {  	s0 =	rddreg [dreg:$0x0]  }
0x2: {  	s1 =	rddreg [dreg:$0x1];
	s2 =	simm.s32 $0x0;
	s12 =	srdreg.scid  }
0x3: {  	s8 =	stileid.u32;
	[smem:$0x7FF] =	sst s2  }
0x4: {  	s11 =	sadd.s32 $0x1C00, s0;
	s0 =	sadd.s32 $0x2400, s0;
	s13 =	sand.u32 $0x1, s12  }
0x5: {  	s14 =	sshll.u32 s8, $0x1;
	s15 =	sshll.u32 s8, $0x3;
	s19 =	sshll.u32 s8, $0x9  }
0x6: {  	v0 =	vimm.f32 $1.550000000e+01;
	vm0 =	vcmask $0x300;
	s20 =	sshrl.u32 s8, $0x1;
	_ =	strace $0x80000047;
	[dreg:$0x3] =	wrdreg s11  }
0x7: {  	vm14 =	vcmask $0x704;
	v0 =	vsel vm0, $0x3F000000, v0;
	[dreg:$0x4] =	wrdreg s0;
	s3 =	ssub.s32 $0x2, s13;
	s0 =	sor.u32 s13, s14  }
0x8: {  	vm15 =	vcmask $0xB08;
	v0 =	vsel vm14, $0x3FC00000, v0;
	s5 =	sand.u32 $0x70, s15;
	s2 =	sor.u32 $0xF, s15;
	s8 =	sshll.u32 s20, $0xB  }
0x9: {  	vm4 =	vcmask $0xF0C;
	s25 =	sshll.u32 s20, $0x9;
	v0 =	vsel vm15, $0x40200000, v0;
	s4 =	sshrl.u32 s3, $0x1;
	s6 =	sshll.u32 s0, $0x5  }
0xa: {  	vm5 =	vcmask $0x1310;
	s31 =	scvt.s32.f32 s5;
	s30 =	scvt.s32.f32 s2;
	s0 =	sshll.u32 s0, $0x4;
	v0 =	vsel vm4, $0x40600000, v0  }
0xb: {  	vm6 =	vcmask $0x1714;
	s21 =	ssub.s32 $0x0, s8;
	s26 =	ssub.s32 $0x80, s8;
	s29 =	ssub.s32 $0x1, s5;
	v0 =	vsel vm5, $0x40900000, v0  }
0xc: {  	vm7 =	vcmask $0x1B18;
	s3 =	ssub.s32 s3, s4;
	s16 =	sand.u32 $0x60, s6;
	[dreg:$0xd] =	wrdreg s29;
	v0 =	vsel vm6, $0x40B00000, v0  }
0xd: {  	vm8 =	vcmask $0x1F1C;
	s23 =	sshra.s32 s21, $0x2;
	s4 =	sor.u32 $0x10, s16;
	[dreg:$0x6] =	wrdreg s30;
	v0 =	vsel vm7, $0x40D00000, v0  }
0xe: {  	vm9 =	vcmask $0x2320;
	s3 =	smax.u32 s3, $0x1;
	s24 =	sadd.s32 $0x5680, s23;
	[dreg:$0x5] =	wrdreg s31;
	v0 =	vsel vm8, $0x40F00000, v0  }
0xf: {  	vm10 =	vcmask $0x2724;
	s22 =	scvt.s32.f32 s4;
	s4 =	sand.u32 $0x1800, s19;
	[dreg:$0x9] =	wrdreg s3;
	v0 =	vsel vm9, $0x41080000, v0  }
0x10: {  	vm11 =	vcmask $0x2B28;
	s0 =	sand.u32 $0x70, s0;
	[dreg:$0xa] =	wrdreg s24;
	s1 =	sadd.s32 s1, s4;
	v0 =	vsel vm10, $0x41180000, v0  }
0x11: {  	vm12 =	vcmask $0x2F2C;
	s6 =	scvt.s32.f32 s16;
	s0 =	sadd.s32 s0, s1;
	[dreg:$0x7] =	wrdreg s22;
	v0 =	vsel vm11, $0x41280000, v0  }
0x12: {  	vm13 =	vcmask $0x3330;
	s7 =	sadd.s32 $0x20, s16;
	s1 =	ssub.s32 $0x0, s25;
	[dreg:$0x8] =	wrdreg s0;
	v0 =	vsel vm12, $0x41380000, v0  }
0x13: {  	vm14 =	vcmask $0x3734;
	s28 =	ssub.s32 $0xC0, s8;
	s17 =	scvt.s32.f32 s7;
	[dreg:$0xb] =	wrdreg s1;
	v0 =	vsel vm13, $0x41480000, v0  }
.Ltmp0:
0x14: {  	vm15 =	vcmask $0x3B38;
	s0 =	sadd.s32 $0x5480, s23;
	s1 =	sshra.s32 s28, $0x2;
	v0 =	vsel vm14, $0x41580000, v0;
	(pc) =	sbr.rel .LBB2_1-.Ltmp0, $4  }
0x15: {  	[dreg:$0xc] =	wrdreg s0;
	s0 =	sshra.s32 s26, $0x2;
	s15 =	sadd.s32 $0x5480, s1;
	v0 =	vsel vm15, $0x41680000, v0  }
0x16: {  	v6 =	vimm.f32 $1.000000000e+00;
	v7 =	vimm.f32 $0.0e+00;
	s18 =	sadd.s32 $0x5480, s0;
	s0 =	sadd.s32 $0x5680, s0;
	[dreg:$0x10] =	wrdreg s15;
	v0 =	vadd.f32 s6, v0  }
0x17: {  	v8 =	vimm.s32 $0x0;
	v3 =	vmov s30;
	v4 =	vmov s31;
	[dreg:$0xf] =	wrdreg s0  }
0x18: {  	s2 =	simm.s32 $0x1;
	v1 =	vmov s6;
	v5 =	vmov s17;
	s1 =	simm.s32 $0x0;
	[dreg:$0xe] =	wrdreg s18;
	v2 =	vadd.f32 $1.600000000e+01, v0  }
.LBB2_46:
0x19: {  	s0 =	rddreg [dreg:$0x8]  }
0x1a: {  	s1 =	simm.s32 $0x80;
	s2 =	simm.s32 $0x400;
	s3 =	simm.s32 $0x5680  }
0x1b: {  	[hbm4b:s0+s1] =	stream.strided.scatter [tilespmem:s3], [sflag:$0x1], $0x800, s2, s1, $0x38;
	[tilespmem:$0x5E80] =	vst v63  }
0x1c: {  	s2 =	simm.s32 $0x1  }
0x1d: {  	_ =	swait.ge [sflag:s2], $0x800  }
0x1e: {  	s28 =	rddreg [dreg:$0x11]  }
0x1f: {  	s29 =	rddreg [dreg:$0x9];
	s1 =	sadd.s32 $0x1, s28  }
0x20: {  	p0 =	sne.s32 s1, s29  }
.Ltmp1:
0x21: {  	_ = 	snop;
	(pc) =	sbr.rel @!p0 .LBB2_47-.Ltmp1, $3  }
0x22: {  	_ =	sdelay $0x1  }
0x23: {  	[sflag:s2] =	ssyncset.done $0x0  }
0x24: {  	[sflag:s2] =	ssyncadd.s32 $0xFFFFF800  }
.LBB2_1:
0x25: {  	[dreg:$0x11] =	wrdreg s1  }
0x26: {  	s0 =	simm.s32 $0x0;
	s28 =	rddreg [dreg:$0x3]  }
0x27: {  	[tilespmem:s0], [sflag:$0x1] =	stream.linear.gather [hbm4b:s28+s0], $0x4000, $0x38;
	[tilespmem:$0x5E80] =	vst v63  }
0x28: {  	_ =	swait.ge [sflag:s2], $0x4000  }
0x29: {  	[sflag:s2] =	ssyncset.done $0x0  }
0x2a: {  	s3 =	simm.s32 $0x4000;
	s29 =	rddreg [dreg:$0x4];
	[sflag:s2] =	ssyncadd.s32 $0xFFFFC000  }
0x2b: {  	[tilespmem:s3], [sflag:$0x1] =	stream.linear.gather [hbm4b:s29+s0], $0x1400, $0x38;
	[tilespmem:$0x5E80] =	vst v63  }
0x2c: {  	_ =	swait.ge [sflag:s2], $0x1400  }
0x2d: {  	[sflag:s2] =	ssyncset.done $0x0  }
0x2e: {  	[sflag:s2] =	ssyncadd.s32 $0xFFFFEC00  }
0x2f: {  	[tilespmem:$0x5480] =	vst v6  }
0x30: {  	[tilespmem:$0x5490] =	vst v6  }
0x31: {  	[tilespmem:$0x54A0] =	vst v6  }
0x32: {  	[tilespmem:$0x54B0] =	vst v6  }
0x33: {  	[tilespmem:$0x54C0] =	vst v6  }
0x34: {  	[tilespmem:$0x54D0] =	vst v6  }
0x35: {  	[tilespmem:$0x54E0] =	vst v6  }
0x36: {  	[tilespmem:$0x54F0] =	vst v6  }
0x37: {  	[tilespmem:$0x5500] =	vst v6  }
0x38: {  	[tilespmem:$0x5510] =	vst v6  }
0x39: {  	[tilespmem:$0x5520] =	vst v6  }
0x3a: {  	[tilespmem:$0x5530] =	vst v6  }
0x3b: {  	[tilespmem:$0x5540] =	vst v6  }
0x3c: {  	[tilespmem:$0x5550] =	vst v6  }
0x3d: {  	[tilespmem:$0x5560] =	vst v6  }
0x3e: {  	[tilespmem:$0x5570] =	vst v6  }
0x3f: {  	[tilespmem:$0x5580] =	vst v6  }
0x40: {  	[tilespmem:$0x5590] =	vst v6  }
0x41: {  	[tilespmem:$0x55A0] =	vst v6  }
0x42: {  	[tilespmem:$0x55B0] =	vst v6  }
0x43: {  	[tilespmem:$0x55C0] =	vst v6  }
0x44: {  	[tilespmem:$0x55D0] =	vst v6  }
0x45: {  	[tilespmem:$0x55E0] =	vst v6  }
0x46: {  	[tilespmem:$0x55F0] =	vst v6  }
0x47: {  	[tilespmem:$0x5600] =	vst v6  }
0x48: {  	[tilespmem:$0x5610] =	vst v6  }
0x49: {  	[tilespmem:$0x5620] =	vst v6  }
0x4a: {  	[tilespmem:$0x5630] =	vst v6  }
0x4b: {  	[tilespmem:$0x5640] =	vst v6  }
0x4c: {  	[tilespmem:$0x5650] =	vst v6  }
0x4d: {  	[tilespmem:$0x5660] =	vst v6  }
0x4e: {  	s0 =	simm.s32 $0x0;
	[tilespmem:$0x5670] =	vst v6  }
.LBB2_2:
0x4f: {  	p0 =	seq.s32 s0, $0x1FC0  }
.Ltmp2:
0x50: {  	_ = 	snop;
	(pc) =	sbr.rel @!p0 .LBB2_2-.Ltmp2, $3  }
0x51: {  	_ =	sdelay $0x1  }
0x52: {  	s1 =	sshra.s32 s0, $0x2  }
0x53: {  	s0 =	sadd.s32 $0x40, s0;
	[tilespmem:s1+$0x5680] =	vst v7  }
0x54: {  	s15 =	simm.s32 $0x0  }
0x55: {  	s1 =	sand.u32 $0x3F0, s15  }
0x56: {  	v9 =	vld [tilespmem:s1+$0x4800]  }
0x57: {  	v10 =	vld [tilespmem:s1+$0x4400]  }
0x58: {  	v11 =	vld [tilespmem:s1+$0x4C00]  }
0x59: {  	v12 =	vld [tilespmem:s1+$0x5000]  }
0x5a: {  	s0 =	simm.s32 $0x4000  }
0x5b: {  	v13 =	vld [tilespmem:s0+$0x0]  }
0x5c: {  	v14 =	vsub.f32 v10, v9  }
0x5d: {  	v9 =	vadd.f32 v9, v10  }
0x5e: {  	v10 =	vsub.f32 v11, v12;
	v14 =	vadd.f32 $-5.000000000e-01, v14  }
0x5f: {  	v11 =	vadd.f32 v12, v11;
	v9 =	vadd.f32 $5.000000000e-01, v9  }
0x60: {  	vm0 =	veq.f32 v13, $1.000000000e+00;
	v10 =	vadd.f32 $-5.000000000e-01, v10;
	vm1 =	vle.f32 v14, v3  }
0x61: {  	v11 =	vadd.f32 $5.000000000e-01, v11;
	vm8 =	vge.f32 v9, v4;
	vm0 =	vmand vm0, vm1  }
0x62: {  	vm9 =	vlt.f32 v10, v5;
	vm0 =	vmand vm8, vm0  }
0x63: {  	vm10 =	vgt.f32 v11, v1;
	vm0 =	vmand vm0, vm9  }
0x64: {  	vm0 =	vmand vm10, vm0  }
0x65: {  	v9 =	vsel vm0, $0x1, v8  }
0x66: {  	(v2sf) =	vpush v9, $0x5  }
0x67: {  	(v2sf) =	vpush v9, $0x4  }
0x68: {  	(v2sf) =	vpush v9, $0x3  }
0x69: {  	(v2sf) =	vpush v9, $0x2  }
0x6a: {  	(v2sf) =	vpush v9, $0x1  }
0x6b: {  	(v2sf) =	vpush v9, $0x0  }
0x6c: {  	s4 =	simm.s32 $0x10;
	(v2sf) =	vpush v9, $0x6  }
0x6d: {  	s23 =	sand.u32 $0x3F0, s4;
	[tilespmem:$0x5400] =	vst v9  }
0x6e: {  	v10 =	vld [tilespmem:s23+$0x4800];
	(v2sf) =	vpush v9, $0x7  }
0x6f: {  	v11 =	vld [tilespmem:s23+$0x4400];
	(v2sf) =	vpush v9, $0x8  }
0x70: {  	v61 =	vld [tilespmem:s23+$0x4C00];
	(v2sf) =	vpush v9, $0x9  }
0x71: {  	v62 =	vld [tilespmem:s23+$0x5000];
	(v2sf) =	vpush v9, $0xA  }
0x72: {  	s5 =	simm.s32 $0x4010;
	(v2sf) =	vpush v9, $0xB  }
0x73: {  	s13 =	simm.s32 $0x0;
	s8 =	simm.s32 $0xF;
	s2 =	simm.s32 $0x1F;
	v63 =	vld [tilespmem:s5+$0x0];
	(v2sf) =	vpush v9, $0xC  }
0x74: {  	s10 =	simm.s32 $0x9;
	s3 =	simm.s32 $0x19;
	s14 =	simm.s32 $0x3F  }
0x75: {  	s6 =	simm.s32 $0xE;
	s9 =	simm.s32 $0xC;
	v15 =	vsub.f32 v11, v10;
	s16 =	spop (v2sf)  }
0x76: {  	s7 =	simm.s32 $0xD;
	s12 =	simm.s32 $0xA;
	v10 =	vadd.f32 v10, v11;
	v11 =	vsub.f32 v61, v62;
	s17 =	spop (v2sf)  }
0x77: {  	s11 =	simm.s32 $0xB;
	s21 =	simm.s32 $0x3;
	v12 =	vadd.f32 v62, v61;
	v15 =	vadd.f32 $-5.000000000e-01, v15;
	s18 =	spop (v2sf)  }
0x78: {  	s25 =	simm.s32 $0x1;
	s26 =	simm.s32 $0x2;
	vm11 =	veq.f32 v63, $1.000000000e+00;
	v10 =	vadd.f32 $5.000000000e-01, v10;
	v11 =	vadd.f32 $-5.000000000e-01, v11;
	s19 =	spop (v2sf)  }
0x79: {  	s29 =	simm.s32 $0x4;
	s0 =	simm.s32 $0x2F;
	v12 =	vadd.f32 $5.000000000e-01, v12;
	vm12 =	vle.f32 v15, v3;
	s20 =	spop (v2sf);
	(v2sf) =	vpush v9, $0xD  }
0x7a: {  	[smem:s13] =	sst s15;
	s1 =	simm.s32 $0x29;
	vm13 =	vge.f32 v10, v4;
	vm0 =	vmand vm11, vm12;
	s24 =	spop (v2sf);
	(v2sf) =	vpush v9, $0xF  }
0x7b: {  	s23 =	simm.s32 $0x5;
	vm14 =	vlt.f32 v11, v5;
	vm0 =	vmand vm13, vm0;
	s13 =	sadd.s32 $0x0, s24;
	s28 =	spop (v2sf);
	(v2sf) =	vpush v9, $0xE  }
0x7c: {  	vm15 =	vgt.f32 v12, v1;
	vm0 =	vmand vm0, vm14;
	s24 =	simm.s32 $0x6;
	[smem:s13] =	sst s25;
	s13 =	sadd.s32 s20, s13  }
0x7d: {  	vm0 =	vmand vm15, vm0;
	s15 =	spop (v2sf);
	[smem:s13] =	sst s26;
	s13 =	sadd.s32 s19, s13  }
0x7e: {  	v9 =	vsel vm0, $0x1, v8;
	s22 =	spop (v2sf);
	[smem:s13] =	sst s21;
	s13 =	sadd.s32 s18, s13  }
0x7f: {  	(v2sf) =	vpush v9, $0x5;
	s21 =	spop (v2sf);
	[smem:s13] =	sst s29;
	s13 =	sadd.s32 s17, s13  }
0x80: {  	(v2sf) =	vpush v9, $0x4;
	s18 =	spop (v2sf);
	s17 =	simm.s32 $0x7;
	[smem:s13] =	sst s23  }
0x81: {  	(v2sf) =	vpush v9, $0x3;
	s13 =	sadd.s32 s16, s13;
	s19 =	spop (v2sf);
	s16 =	simm.s32 $0x8  }
0x82: {  	[tilespmem:$0x5400] =	vst v9;
	(v2sf) =	vpush v9, $0x2;
	[smem:s13] =	sst s24;
	s23 =	sadd.s32 s28, s13;
	s20 =	spop (v2sf)  }
.LBB2_4:
0x83: {  	[smem:s23] =	sst s17;
	s13 =	sadd.s32 s15, s23;
	s15 =	smov.u32 s4  }
0x84: {  	(v2sf) =	vpush v9, $0x1;
	s4 =	sadd.s32 $0xFFFFFFF1, s0;
	s17 =	smov.u32 s14;
	s23 =	smov.u32 s1  }
0x85: {  	s1 =	sand.u32 $0x3F0, s4;
	(v2sf) =	vpush v9, $0x0;
	[smem:s13] =	sst s16;
	s16 =	sadd.s32 s22, s13  }
0x86: {  	s13 =	sadd.s32 $0x10, s14;
	v10 =	vld [tilespmem:s1+$0x4C00];
	(v2sf) =	vpush v9, $0x6;
	[smem:s16] =	sst s10;
	s10 =	sadd.s32 s21, s16  }
0x87: {  	s5 =	sadd.s32 $0x10, s5;
	v11 =	vld [tilespmem:s1+$0x5000];
	(v2sf) =	vpush v9, $0x7;
	[smem:s10] =	sst s12;
	s10 =	sadd.s32 s18, s10  }
0x88: {  	v12 =	vld [tilespmem:s1+$0x4800];
	(v2sf) =	vpush v9, $0x8;
	[smem:s10] =	sst s11;
	s10 =	sadd.s32 s19, s10;
	s11 =	spop (v2sf)  }
0x89: {  	v13 =	vld [tilespmem:s1+$0x4400];
	(v2sf) =	vpush v9, $0x9;
	[smem:s10] =	sst s9;
	s1 =	sadd.s32 s20, s10;
	s9 =	spop (v2sf)  }
0x8a: {  	(v2sf) =	vpush v9, $0xA;
	[smem:s1] =	sst s7;
	s7 =	sadd.s32 s11, s1;
	s10 =	spop (v2sf)  }
0x8b: {  	s1 =	sadd.s32 $0xFFFFFFFA, s17;
	(v2sf) =	vpush v9, $0xB;
	[smem:s7] =	sst s6;
	s6 =	sadd.s32 s10, s7  }
0x8c: {  	p0 =	seq.s32 s14, $0x3FF;
	(v2sf) =	vpush v9, $0xC;
	[smem:s6] =	sst s8;
	s14 =	sadd.s32 s9, s6  }
0x8d: {  	v15 =	vsub.f32 v10, v11;
	v10 =	vadd.f32 v11, v10;
	s8 =	smov.u32 s2;
	s2 =	smov.u32 s0;
	s0 =	smov.u32 s17;
	v14 =	vld [tilespmem:s5+$0x0]  }
0x8e: {  	s10 =	smov.u32 s3;
	s3 =	smov.u32 s23;
	s6 =	sadd.s32 $0xFFFFFFFF, s8;
	v11 =	vsub.f32 v13, v12;
	v12 =	vadd.f32 v12, v13  }
0x8f: {  	s9 =	sadd.s32 $0xFFFFFFFD, s8;
	s7 =	sadd.s32 $0xFFFFFFFE, s8;
	v13 =	vadd.f32 $-5.000000000e-01, v15;
	v10 =	vadd.f32 $5.000000000e-01, v10;
	s19 =	spop (v2sf)  }
0x90: {  	s12 =	sadd.s32 $0xFFFFFFFB, s8;
	s11 =	sadd.s32 $0xFFFFFFFC, s8;
	v11 =	vadd.f32 $-5.000000000e-01, v11;
	v12 =	vadd.f32 $5.000000000e-01, v12;
	s18 =	spop (v2sf)  }
0x91: {  	s17 =	sadd.s32 $0xFFFFFFF8, s8;
	s16 =	sadd.s32 $0xFFFFFFF9, s8;
	s20 =	spop (v2sf);
	(v2sf) =	vpush v9, $0xD  }
0x92: {  	s23 =	sadd.s32 $0xFFFFFFF6, s8;
	s24 =	sadd.s32 $0xFFFFFFF7, s8;
	vm0 =	veq.f32 v14, $1.000000000e+00;
	vm1 =	vle.f32 v11, v3;
	s21 =	spop (v2sf);
	(v2sf) =	vpush v9, $0xF  }
0x93: {  	s25 =	sadd.s32 $0xFFFFFFF4, s8;
	s26 =	sadd.s32 $0xFFFFFFF5, s8;
	vm0 =	vmand vm0, vm1;
	vm1 =	vge.f32 v12, v4;
	s22 =	spop (v2sf);
	(v2sf) =	vpush v9, $0xE  }
0x94: {  	vm0 =	vmand vm1, vm0;
	vm1 =	vlt.f32 v13, v5;
	[smem:s14] =	sst s15;
	s15 =	sadd.s32 $0xFFFFFFF2, s8;
	s28 =	spop (v2sf)  }
0x95: {  	vm0 =	vmand vm0, vm1;
	vm1 =	vgt.f32 v10, v1;
	s14 =	sadd.s32 s14, s28;
	s28 =	sadd.s32 $0xFFFFFFF3, s8;
	s29 =	spop (v2sf)  }
0x96: {  	vm0 =	vmand vm1, vm0;
	[smem:s14] =	sst s15;
	s14 =	sadd.s32 s22, s14;
	s15 =	spop (v2sf)  }
0x97: {  	v9 =	vsel vm0, $0x1, v8;
	[smem:s14] =	sst s28;
	s14 =	sadd.s32 s21, s14;
	s22 =	spop (v2sf)  }
0x98: {  	[smem:s14] =	sst s25  }
.Ltmp3:
0x99: {  	[tilespmem:$0x5400] =	vst v9;
	(v2sf) =	vpush v9, $0x5;
	s14 =	sadd.s32 s20, s14;
	s21 =	spop (v2sf);
	(pc) =	sbr.rel @!p0 .LBB2_4-.Ltmp3, $4  }
0x9a: {  	(v2sf) =	vpush v9, $0x4;
	[smem:s14] =	sst s26;
	s14 =	sadd.s32 s18, s14;
	s18 =	spop (v2sf)  }
0x9b: {  	(v2sf) =	vpush v9, $0x3;
	[smem:s14] =	sst s23;
	s14 =	sadd.s32 s19, s14;
	s19 =	spop (v2sf)  }
0x9c: {  	[smem:s14] =	sst s24  }
0x9d: {  	(v2sf) =	vpush v9, $0x2;
	s23 =	sadd.s32 s29, s14;
	s20 =	spop (v2sf);
	s14 =	smov.u32 s13  }
0x9e: {  	s13 =	sadd.s32 $0xFFFFFFF1, s0  }
0x9f: {  	s14 =	sand.u32 $0x3F0, s13  }
0xa0: {  	(v2sf) =	vpush v9, $0x1;
	v10 =	vld [tilespmem:s14+$0x4800]  }
0xa1: {  	(v2sf) =	vpush v9, $0x0;
	v11 =	vld [tilespmem:s14+$0x4400]  }
0xa2: {  	(v2sf) =	vpush v9, $0x6;
	v12 =	vld [tilespmem:s14+$0x4C00]  }
0xa3: {  	[smem:s23] =	sst s17;
	s15 =	sadd.s32 s15, s23;
	s5 =	sadd.s32 $0x10, s5;
	v13 =	vld [tilespmem:s14+$0x5000];
	(v2sf) =	vpush v9, $0x7  }
0xa4: {  	[smem:s15] =	sst s16;
	s15 =	sadd.s32 s22, s15;
	v14 =	vld [tilespmem:s5+$0x0];
	(v2sf) =	vpush v9, $0x8  }
0xa5: {  	[smem:s15] =	sst s10;
	s17 =	sadd.s32 s21, s15;
	(v2sf) =	vpush v9, $0x9  }
0xa6: {  	[smem:s17] =	sst s12;
	s10 =	sadd.s32 s18, s17;
	(v2sf) =	vpush v9, $0xA;
	v15 =	vsub.f32 v11, v10  }
0xa7: {  	[smem:s10] =	sst s11;
	s18 =	sadd.s32 s19, s10;
	s19 =	spop (v2sf);
	(v2sf) =	vpush v9, $0xB;
	v10 =	vadd.f32 v10, v11  }
0xa8: {  	[smem:s18] =	sst s9;
	s5 =	sadd.s32 s20, s18;
	s21 =	spop (v2sf);
	v11 =	vsub.f32 v12, v13;
	v15 =	vadd.f32 $-5.000000000e-01, v15  }
0xa9: {  	s22 =	spop (v2sf);
	[smem:s5] =	sst s7;
	s5 =	sadd.s32 s19, s5;
	vm0 =	veq.f32 v14, $1.000000000e+00;
	v12 =	vadd.f32 v13, v12;
	v10 =	vadd.f32 $5.000000000e-01, v10  }
0xaa: {  	[smem:s5] =	sst s6;
	s5 =	sadd.s32 s22, s5;
	(v2sf) =	vpush v9, $0xC;
	v11 =	vadd.f32 $-5.000000000e-01, v11;
	vm1 =	vle.f32 v15, v3  }
0xab: {  	s25 =	sadd.s32 $0xFFFFFFF4, s2;
	[smem:s5] =	sst s8;
	v12 =	vadd.f32 $5.000000000e-01, v12;
	s8 =	spop (v2sf);
	vm13 =	vge.f32 v10, v4;
	vm0 =	vmand vm0, vm1  }
0xac: {  	s28 =	sadd.s32 $0xFFFFFFF2, s2;
	s29 =	sadd.s32 $0xFFFFFFF3, s2;
	s10 =	spop (v2sf);
	vm14 =	vlt.f32 v11, v5;
	vm0 =	vmand vm13, vm0  }
0xad: {  	s16 =	sadd.s32 $0xFFFFFFF8, s2;
	s14 =	sadd.s32 $0xFFFFFFFC, s2;
	(v2sf) =	vpush v9, $0xD;
	vm15 =	vgt.f32 v12, v1;
	s11 =	spop (v2sf);
	vm0 =	vmand vm0, vm14  }
0xae: {  	s12 =	sadd.s32 $0xFFFFFFFB, s2;
	s17 =	sadd.s32 $0xFFFFFFF6, s2;
	s23 =	spop (v2sf);
	(v2sf) =	vpush v9, $0xF;
	vm0 =	vmand vm15, vm0  }
0xaf: {  	s18 =	sadd.s32 $0xFFFFFFF5, s2;
	s7 =	sadd.s32 $0xFFFFFFFD, s2;
	s24 =	spop (v2sf);
	(v2sf) =	vpush v9, $0xE;
	v9 =	vsel vm0, $0x1, v8  }
0xb0: {  	s19 =	sadd.s32 $0xFFFFFFF7, s2;
	s9 =	sadd.s32 s21, s5;
	s26 =	spop (v2sf);
	(v2sf) =	vpush v9, $0x5  }
0xb1: {  	s6 =	sadd.s32 $0xFFFFFFFE, s2;
	[smem:s9] =	sst s4;
	s9 =	sadd.s32 s9, s26;
	(v2sf) =	vpush v9, $0x4  }
0xb2: {  	s5 =	sadd.s32 $0xFFFFFFFF, s2;
	[smem:s9] =	sst s28;
	s9 =	sadd.s32 s24, s9;
	(v2sf) =	vpush v9, $0x3  }
0xb3: {  	s22 =	spop (v2sf);
	[smem:s9] =	sst s29;
	s4 =	sadd.s32 s23, s9;
	(v2sf) =	vpush v9, $0x2  }
0xb4: {  	s23 =	spop (v2sf);
	[smem:s4] =	sst s25;
	s4 =	sadd.s32 s11, s4;
	(v2sf) =	vpush v9, $0x1  }
0xb5: {  	s24 =	spop (v2sf);
	[smem:s4] =	sst s18;
	s4 =	sadd.s32 s10, s4;
	(v2sf) =	vpush v9, $0x0  }
0xb6: {  	s25 =	sadd.s32 $0xFFFFFFF9, s2;
	[smem:s4] =	sst s17;
	s4 =	sadd.s32 s8, s4  }
0xb7: {  	s26 =	spop (v2sf);
	[smem:s4] =	sst s19;
	s4 =	sadd.s32 s22, s4  }
0xb8: {  	s28 =	spop (v2sf);
	[smem:s4] =	sst s16;
	s4 =	sadd.s32 s23, s4  }
0xb9: {  	s29 =	spop (v2sf);
	[smem:s4] =	sst s25;
	s4 =	sadd.s32 s24, s4  }
0xba: {  	(v2sf) =	vpush v9, $0x6;
	s10 =	spop (v2sf);
	[smem:s4] =	sst s3;
	s9 =	sadd.s32 s26, s4  }
0xbb: {  	(v2sf) =	vpush v9, $0x7;
	s23 =	sadd.s32 $0xFFFFFFF6, s0;
	[smem:s9] =	sst s12;
	s3 =	sadd.s32 s28, s9  }
0xbc: {  	s24 =	sadd.s32 $0xFFFFFFF7, s0;
	[smem:s3] =	sst s14;
	s14 =	spop (v2sf);
	(v2sf) =	vpush v9, $0x8  }
0xbd: {  	s4 =	sadd.s32 $0xFFFFFFFF, s0;
	s26 =	sadd.s32 $0xFFFFFFF2, s0;
	s15 =	spop (v2sf);
	(v2sf) =	vpush v9, $0x9  }
0xbe: {  	s9 =	sadd.s32 $0xFFFFFFFB, s0;
	s12 =	sadd.s32 $0xFFFFFFF8, s0;
	s16 =	spop (v2sf);
	(v2sf) =	vpush v9, $0xA  }
0xbf: {  	s28 =	sadd.s32 $0xFFFFFFF3, s0;
	s3 =	sadd.s32 s29, s3;
	(v2sf) =	vpush v9, $0xB;
	s17 =	spop (v2sf)  }
0xc0: {  	s29 =	sadd.s32 $0xFFFFFFF4, s0;
	[smem:s3] =	sst s7;
	(v2sf) =	vpush v9, $0xC;
	s19 =	spop (v2sf)  }
0xc1: {  	s3 =	sadd.s32 s10, s3;
	s7 =	sadd.s32 $0xFFFFFFFE, s0;
	(v2sf) =	vpush v9, $0xD;
	s20 =	spop (v2sf)  }
0xc2: {  	[smem:s3] =	sst s6;
	s3 =	sadd.s32 s14, s3;
	(v2sf) =	vpush v9, $0xF;
	s21 =	spop (v2sf)  }
0xc3: {  	[smem:s3] =	sst s5;
	s3 =	sadd.s32 s16, s3;
	(v2sf) =	vpush v9, $0xE;
	s22 =	spop (v2sf)  }
0xc4: {  	[smem:s3] =	sst s2;
	s3 =	sadd.s32 s15, s3;
	s25 =	spop (v2sf)  }
0xc5: {  	s10 =	sadd.s32 $0xFFFFFFFC, s0;
	[smem:s3] =	sst s13;
	s3 =	sadd.s32 s3, s25  }
0xc6: {  	s6 =	sadd.s32 $0xFFFFFFFD, s0;
	[smem:s3] =	sst s26;
	s3 =	sadd.s32 s22, s3  }
0xc7: {  	s14 =	sadd.s32 $0xFFFFFFF9, s0;
	[smem:s3] =	sst s28;
	s3 =	sadd.s32 s21, s3  }
0xc8: {  	s15 =	sadd.s32 $0xFFFFFFF5, s0;
	[smem:s3] =	sst s29;
	s3 =	sadd.s32 s20, s3  }
0xc9: {  	s18 =	spop (v2sf);
	[smem:s3] =	sst s15;
	s3 =	sadd.s32 s19, s3  }
0xca: {  	s19 =	spop (v2sf);
	[smem:s3] =	sst s23;
	s2 =	sadd.s32 s17, s3  }
0xcb: {  	s20 =	spop (v2sf);
	[smem:s2] =	sst s24;
	s2 =	sadd.s32 s18, s2  }
0xcc: {  	s21 =	spop (v2sf);
	[smem:s2] =	sst s12;
	s2 =	sadd.s32 s19, s2  }
0xcd: {  	s22 =	spop (v2sf);
	[smem:s2] =	sst s14;
	s2 =	sadd.s32 s20, s2  }
0xce: {  	s23 =	spop (v2sf);
	[smem:s2] =	sst s1;
	s24 =	sadd.s32 s21, s2  }
0xcf: {  	s25 =	spop (v2sf);
	[smem:s24] =	sst s9;
	s1 =	sadd.s32 s22, s24  }
0xd0: {  	s26 =	spop (v2sf);
	[smem:s1] =	sst s10;
	s1 =	sadd.s32 s23, s1  }
0xd1: {  	s28 =	spop (v2sf);
	[smem:s1] =	sst s6;
	s1 =	sadd.s32 s25, s1  }
0xd2: {  	s29 =	spop (v2sf);
	[smem:s1] =	sst s7;
	s1 =	sadd.s32 s26, s1  }
0xd3: {  	[smem:s1] =	sst s4;
	s1 =	sadd.s32 s29, s1  }
0xd4: {  	s12 =	sadd.s32 s28, s1  }
0xd5: {  	s15 =	rddreg [dreg:$0x10];
	p0 =	sgt.s32 s12, $0x0  }
.Ltmp4:
0xd6: {  	s18 =	rddreg [dreg:$0xe];
	(pc) =	sbr.rel @p0 .LBB2_6-.Ltmp4, $4  }
.Ltmp5:
0xd7: {  	s24 =	rddreg [dreg:$0xa];
	(pc) =	sbr.rel @!p0 .LBB2_46-.Ltmp5, $4  }
0xd8: {  	s22 =	rddreg [dreg:$0x7]  }
0xd9: {  	[smem:s1] =	sst s0  }
0xda: {  	[tilespmem:$0x5400] =	vst v9;
	s23 =	simm.s32 $0x0;
	[dreg:$0x12] =	wrdreg s12  }
0xdb: {  	_ = 	snop  }
.LBB2_45:
0xdc: {  	s23 =	sadd.s32 $0x1, s23  }
0xdd: {  	p0 =	slt.s32 s23, s12  }
.Ltmp6:
0xde: {  	_ = 	snop;
	(pc) =	sbr.rel @!p0 .LBB2_46-.Ltmp6, $1  }
0xdf: {  	_ =	sdelay $0x3  }
.LBB2_6:
0xe0: {  	s0 =	sld [smem:s23+$0x0];
	_ =	sdelay $0x2  }
0xe1: {  	s0 =	sshll.u32 s0, $0x6  }
0xe2: {  	s0 =	sshra.s32 s0, $0x2  }
0xe3: {  	v11 =	vld [tilespmem:s0+$0x0];
	_ =	sdelay $0x4  }
0xe4: {  	(v2sf) =	vpush v11, $0x1  }
0xe5: {  	(v2sf) =	vpush v11, $0x2  }
0xe6: {  	(v2sf) =	vpush v11, $0x5  }
0xe7: {  	(v2sf) =	vpush v11, $0x9  }
0xe8: {  	(v2sf) =	vpush v11, $0xA  }
0xe9: {  	(v2sf) =	vpush v11, $0xB;
	_ =	sdelay $0x9  }
0xea: {  	s19 =	spop (v2sf)  }
0xeb: {  	s25 =	spop (v2sf)  }
0xec: {  	s26 =	spop (v2sf)  }
0xed: {  	s28 =	spop (v2sf)  }
0xee: {  	s1 =	spop (v2sf)  }
0xef: {  	s2 =	ssub.f32 s25, s1;
	s3 =	spop (v2sf)  }
0xf0: {  	s4 =	ssub.f32 s19, s3  }
0xf1: {  	s0 =	sadd.f32 s3, s19  }
0xf2: {  	s20 =	sadd.f32 $-5.000000000e-01, s4  }
0xf3: {  	s1 =	sadd.f32 s1, s25  }
0xf4: {  	s19 =	sadd.f32 $5.000000000e-01, s0;
	p0 =	slt.f32 s20, s22  }
0xf5: {  	s1 =	sadd.f32 $5.000000000e-01, s1  }
0xf6: {  	v9 =	vbroadcast v11, $0x1;
	s2 =	sadd.f32 $-5.000000000e-01, s2;
	p1 =	sgt.f32 @p0 s19, s22  }
0xf7: {  	_ = 	snop  }
0xf8: {  	v12 =	vbroadcast v11, $0x3;
	v10 =	vsub.f32 v0, v9;
	s1 =	smin.f32 s1, s30;
	s21 =	smax.f32 s2, s31;
	p2 =	por !p0, !p1  }
.Ltmp7:
0xf9: {  	v15 =	vbroadcast v11, $0x4;
	v14 =	vsub.f32 v2, v9;
	s16 =	scvt.f32.s32 s1;
	(pc) =	sbr.rel @p2 .LBB2_13-.Ltmp7, $4  }
0xfa: {  	v9 =	vmul.f32 v10, v12;
	s0 =	scvt.f32.s32 s21  }
0xfb: {  	v16 =	vmul.f32 v14, v12;
	v13 =	vmul.f32 v10, v15;
	s29 =	sadd.s32 $0x1, s16  }
0xfc: {  	v12 =	vmul.f32 v9, v10;
	v10 =	vmul.f32 v14, v15;
	s17 =	ssub.s32 s29, s0  }
0xfd: {  	v9 =	vmul.f32 v16, v14;
	s8 =	sshrl.u32 s17, $0x1F  }
0xfe: {  	s1 =	sadd.s32 s8, s17  }
0xff: {  	s1 =	sand.u32 $0xFFFFFFFE, s1  }
0x100: {  	s21 =	sadd.s32 s0, s1  }
0x101: {  	p2 =	sle.s32 s21, s0  }
.Ltmp8:
0x102: {  	_ = 	snop;
	(pc) =	sbr.rel @p2 .LBB2_10-.Ltmp8, $1  }
0x103: {  	_ =	sdelay $0x3  }
0x104: {  	s13 =	sadd.s32 $0x1, s0  }
0x105: {  	[dreg:$0x19] =	wrdreg s1;
	s1 =	scvt.s32.f32 s13  }
0x106: {  	_ = 	snop  }
0x107: {  	s1 =	sadd.f32 $5.000000000e-01, s1  }
0x108: {  	s4 =	scvt.s32.f32 s0  }
0x109: {  	s1 =	ssub.f32 s1, s25  }
0x10a: {  	s11 =	sshll.u32 s0, $0x7;
	s4 =	sadd.f32 $5.000000000e-01, s4  }
0x10b: {  	s12 =	rddreg [dreg:$0xb];
	s3 =	sshra.s32 s11, $0x2;
	s14 =	smul.f32 s1, s26  }
0x10c: {  	s2 =	sshll.u32 s0, $0x5;
	v17 =	vmov s3;
	s6 =	ssub.f32 s4, s25  }
0x10d: {  	s9 =	sadd.s32 s2, s12;
	s2 =	smul.f32 s14, s1  }
0x10e: {  	[dreg:$0x17] =	wrdreg s19;
	s15 =	smul.f32 s6, s26  }
0x10f: {  	v18 =	vmul.f32 s1, v13;
	s2 =	sadd.f32 s2, s28  }
0x110: {  	s19 =	smul.f32 s15, s6;
	s15 =	rddreg [dreg:$0xc]  }
0x111: {  	v19 =	vmul.f32 s1, v10;
	s1 =	sadd.s32 $0x2, s0;
	v26 =	vld.idx.msk [tilespmem:v17+s15+$0x0 ss:$0x1], $0xffff;
	[dreg:$0x13] =	wrdreg s23;
	v18 =	vadd.f32 s2, v18  }
0x112: {  	[dreg:$0x14] =	wrdreg s16;
	p5 =	slt.s32 s1, s21  }
.Ltmp9:
0x113: {  	[dreg:$0x15] =	wrdreg s17;
	v19 =	vadd.f32 s2, v19;
	v18 =	vadd.f32 v18, v12;
	(pc) =	sbr.rel @!p5 .LBB2_9-.Ltmp9, $4  }
0x114: {  	v14 =	vbroadcast v11, $0x6;
	[dreg:$0x16] =	wrdreg s20  }
0x115: {  	v15 =	vbroadcast v11, $0x7;
	[dreg:$0x18] =	wrdreg s8;
	v19 =	vadd.f32 v19, v9;
	v20 =	vmul.f32 $1.442695020e+00, v18  }
0x116: {  	v16 =	vbroadcast v11, $0x8;
	p2 =	por $0x0, $0x0;
	v33 =	vmul.f32 s6, v13;
	[dreg:$0x1a] =	wrdreg s9  }
0x117: {  	p3 =	por $0x0, $0x0;
	p4 =	por $0x0, $0x0;
	s30 =	sadd.f32 s19, s28;
	v18 =	vmul.f32 $1.442695020e+00, v19;
	(erf) = vpow2.f32 v20  }
0x118: {  	s2 =	sadd.s32 $0x1, s1  }
0x119: {  	s2 =	scvt.s32.f32 s2  }
0x11a: {  	v19 =	vadd.f32 s30, v33  }
0x11b: {  	s2 =	sadd.f32 $5.000000000e-01, s2  }
0x11c: {  	v19 =	vadd.f32 v19, v12  }
0x11d: {  	s2 =	ssub.f32 s2, s25  }
0x11e: {  	v20 =	vld.idx.msk [tilespmem:v17+s15+$0x20 ss:$0x1], $0xffff;
	v19 =	vmul.f32 $1.442695020e+00, v19  }
0x11f: {  	s4 =	smul.f32 s2, s26  }
0x120: {  	s5 =	scvt.s32.f32 s1;
	(erf) = vpow2.f32 v19  }
0x121: {  	s4 =	smul.f32 s4, s2  }
0x122: {  	s5 =	sadd.f32 $5.000000000e-01, s5;
	v19 =	vpop (erf)  }
0x123: {  	v21 =	vmul.f32 v20, v19;
	v19 =	vmul.f32 s2, v13;
	s4 =	sadd.f32 s4, s28;
	_ =	sdelay $0x1  }
0x124: {  	s18 =	ssub.f32 s5, s25;
	v22 =	vmul.f32 s2, v10;
	v19 =	vadd.f32 s4, v19  }
0x125: {  	s1 =	sadd.s32 $0x2, s1;
	v20 =	vsub.f32 v20, v21  }
0x126: {  	p5 =	slt.s32 s1, s21;
	s20 =	smul.f32 s18, s26;
	v22 =	vadd.f32 s4, v22  }
.Ltmp10:
0x127: {  	s11 =	sadd.s32 $0x40, s15;
	v23 =	vmul.f32 v21, v14;
	[tilespmem:v17+s15+$0x20 ss:$0x1] =	vst.idx.msk $0xffff, v20;
	v20 =	vadd.f32 v19, v12;
	(pc) =	sbr.rel @!p5 .LBB2_18-.Ltmp10, $4  }
0x128: {  	s19 =	sadd.s32 s3, s24;
	s23 =	sadd.s32 $0x20, s9;
	v32 =	vld.idx.msk [tilespmem:v17+s11+$0x0 ss:$0x1], $0xffff;
	v33 =	vmul.f32 s18, v13;
	v24 =	vmul.f32 v21, v15;
	v22 =	vadd.f32 v22, v9;
	v19 =	vpop (erf)  }
0x129: {  	s5 =	sand.u32 $0xFFFFFFE0, s23;
	s2 =	smul.f32 s20, s18;
	[tilespmem:s19+$0x20] =	vst.add.f32.msk $0xffff, v23;
	v20 =	vmul.f32 $1.442695020e+00, v20;
	v19 =	vmul.f32 v26, v19  }
0x12a: {  	v28 =	vmul.f32 v21, v16;
	[tilespmem:s5+$0x5C80] =	vst.add.f32.msk $0xffff, v21;
	v29 =	vmul.f32 $1.442695020e+00, v22  }
0x12b: {  	p2 =	por $0x1, $0x1;
	s14 =	sadd.f32 s2, s28;
	[tilespmem:s5+$0x5880] =	vst.add.f32.msk $0xffff, v24;
	(erf) = vpow2.f32 v20;
	v27 =	vsub.f32 v26, v19;
	v22 =	vmul.f32 v19, v14  }
0x12c: {  	s2 =	sadd.s32 $0x1, s1  }
0x12d: {  	v20 =	vadd.f32 s14, v33;
	s2 =	scvt.s32.f32 s2;
	_ =	sdelay $0x1  }
0x12e: {  	v20 =	vadd.f32 v20, v12;
	s2 =	sadd.f32 $5.000000000e-01, s2  }
0x12f: {  	v21 =	vld.idx.msk [tilespmem:v17+s11+$0x20 ss:$0x1], $0xffff  }
0x130: {  	v20 =	vmul.f32 $1.442695020e+00, v20;
	s2 =	ssub.f32 s2, s25  }
0x131: {  	(erf) = vpow2.f32 v18  }
0x132: {  	(erf) = vpow2.f32 v20;
	s4 =	smul.f32 s2, s26  }
0x133: {  	s7 =	scvt.s32.f32 s1;
	v18 =	vpop (erf)  }
0x134: {  	s4 =	smul.f32 s4, s2;
	v25 =	vmul.f32 v21, v18  }
0x135: {  	[tilespmem:s5+$0x5A80] =	vst.add.f32.msk $0xffff, v28;
	s16 =	sadd.f32 $5.000000000e-01, s7  }
0x136: {  	v30 =	vld.idx.msk [tilespmem:v17+s15+$0x30 ss:$0x1], $0xffff;
	v18 =	vmul.f32 s2, v13;
	s4 =	sadd.f32 s4, s28;
	v21 =	vsub.f32 v21, v25  }
0x137: {  	s8 =	ssub.f32 s16, s25;
	v23 =	vmul.f32 s2, v10  }
0x138: {  	s23 =	sadd.s32 $0x40, s9;
	[tilespmem:v17+s15+$0x0 ss:$0x1] =	vst.idx.msk $0xffff, v27;
	s2 =	sadd.s32 $0x2, s1;
	v18 =	vadd.f32 s4, v18  }
0x139: {  	s10 =	sadd.s32 $0x40, s24;
	[tilespmem:s19+$0x0] =	vst.add.f32.msk $0xffff, v22;
	s17 =	smul.f32 s8, s26;
	v20 =	vmul.f32 v19, v15;
	p5 =	slt.s32 s2, s21;
	v24 =	vmul.f32 v25, v14;
	v23 =	vadd.f32 s4, v23  }
.Ltmp11:
0x13a: {  	s20 =	sadd.s32 $0x20, s23;
	s16 =	sadd.s32 s3, s10;
	v33 =	vmul.f32 s8, v13;
	v31 =	vmul.f32 v25, v15;
	[tilespmem:v17+s11+$0x20 ss:$0x1] =	vst.idx.msk $0xffff, v21;
	v21 =	vpop (erf);
	v18 =	vadd.f32 v18, v12;
	(pc) =	sbr.rel @!p5 .LBB2_20-.Ltmp11, $4  }
0x13b: {  	s5 =	sand.u32 $0xFFFFFFE0, s20;
	s24 =	smul.f32 s17, s8;
	v28 =	vmul.f32 v25, v16;
	[tilespmem:s16+$0x20] =	vst.add.f32.msk $0xffff, v24;
	v63 =	vadd.f32 v23, v9;
	v27 =	vpop (erf);
	v21 =	vmul.f32 v30, v21  }
0x13c: {  	[tilespmem:s5+$0x5C80] =	vst.add.f32.msk $0xffff, v25;
	v23 =	vmul.f32 v32, v27;
	v34 =	vmul.f32 $1.442695020e+00, v18  }
0x13d: {  	s22 =	sadd.s32 $0x40, s11;
	s4 =	sadd.f32 s24, s28;
	v24 =	vmul.f32 s6, v10;
	[tilespmem:s5+$0x5880] =	vst.add.f32.msk $0xffff, v31;
	v18 =	vmul.f32 $1.442695020e+00, v63;
	v25 =	vsub.f32 v30, v21  }
0x13e: {  	p3 =	por $0x1, $0x1;
	v26 =	vld.idx.msk [tilespmem:v17+s22+$0x0 ss:$0x1], $0xffff;
	s20 =	sand.u32 $0xFFFFFFE0, s9;
	[dreg:$0x1b] =	wrdreg s30;
	v27 =	vsub.f32 v32, v23;
	v22 =	vmul.f32 v23, v14;
	(erf) = vpow2.f32 v34  }
0x13f: {  	s1 =	sadd.s32 $0x1, s2  }
0x140: {  	s1 =	scvt.s32.f32 s1  }
0x141: {  	v30 =	vadd.f32 s4, v33  }
0x142: {  	s1 =	sadd.f32 $5.000000000e-01, s1  }
0x143: {  	v30 =	vadd.f32 v30, v12  }
0x144: {  	v31 =	vadd.f32 s30, v24;
	s1 =	ssub.f32 s1, s25  }
0x145: {  	[tilespmem:s20+$0x5C80] =	vst.add.f32.msk $0xffff, v19;
	v30 =	vmul.f32 $1.442695020e+00, v30  }
0x146: {  	(erf) = vpow2.f32 v29;
	[tilespmem:s5+$0x5A80] =	vst.add.f32.msk $0xffff, v28;
	v31 =	vadd.f32 v31, v9;
	s17 =	smul.f32 s1, s26  }
0x147: {  	v32 =	vld.idx.msk [tilespmem:v17+s22+$0x20 ss:$0x1], $0xffff;
	[tilespmem:v17+s15+$0x30 ss:$0x1] =	vst.idx.msk $0xffff, v25;
	(erf) = vpow2.f32 v30  }
0x148: {  	[tilespmem:s20+$0x5880] =	vst.add.f32.msk $0xffff, v20;
	v28 =	vmul.f32 $1.442695020e+00, v31;
	s5 =	smul.f32 s17, s1  }
0x149: {  	v29 =	vmul.f32 v19, v16;
	s6 =	scvt.s32.f32 s2;
	v37 =	vmul.f32 v21, v14;
	v59 =	vld.idx.msk [tilespmem:v17+s11+$0x30 ss:$0x1], $0xffff;
	[tilespmem:v17+s11+$0x0 ss:$0x1] =	vst.idx.msk $0xffff, v27  }
0x14a: {  	[tilespmem:s19+$0x630] =	vst.add.f32.msk $0xffff, v21;
	v34 =	vmul.f32 s1, v10;
	v30 =	vpop (erf);
	(erf) = vpow2.f32 v28;
	s5 =	sadd.f32 s5, s28  }
0x14b: {  	[tilespmem:s20+$0x5A80] =	vst.add.f32.msk $0xffff, v29;
	s6 =	sadd.f32 $5.000000000e-01, s6  }
0x14c: {  	[tilespmem:s19+$0x30] =	vst.add.f32.msk $0xffff, v37;
	v31 =	vmul.f32 v21, v15;
	v29 =	vmul.f32 s1, v13;
	v34 =	vadd.f32 s5, v34  }
0x14d: {  	[tilespmem:s16+$0x0] =	vst.add.f32.msk $0xffff, v22;
	s6 =	ssub.f32 s6, s25;
	v28 =	vmul.f32 v21, v16;
	v35 =	vmul.f32 v32, v30  }
0x14e: {  	[tilespmem:s19+$0x230] =	vst.add.f32.msk $0xffff, v31;
	v29 =	vadd.f32 s5, v29;
	v40 =	vadd.f32 v34, v9;
	v34 =	vmul.f32 s18, v10;
	s18 =	sadd.s32 $0x2, s2  }
0x14f: {  	s12 =	sadd.s32 $0x40, s22;
	v31 =	vld.idx.msk [tilespmem:v17+s15+$0x10 ss:$0x1], $0xffff;
	s7 =	smul.f32 s6, s26;
	v33 =	vmul.f32 s6, v13;
	v30 =	vmul.f32 v23, v15;
	v60 =	vpop (erf);
	v36 =	vsub.f32 v32, v35;
	p5 =	slt.s32 s18, s21  }
.Ltmp12:
0x150: {  	s10 =	sadd.s32 $0x40, s10;
	s1 =	sadd.s32 $0x40, s23;
	[tilespmem:s19+$0x430] =	vst.add.f32.msk $0xffff, v28;
	v27 =	vmul.f32 v35, v14;
	v39 =	vmul.f32 v35, v15;
	v61 =	vadd.f32 v29, v12;
	v62 =	vpop (erf);
	(pc) =	sbr.rel @!p5 .LBB2_22-.Ltmp12, $4  }
0x151: {  	s9 =	sadd.s32 s3, s10;
	s30 =	smul.f32 s7, s6;
	s24 =	sadd.s32 $0x20, s1;
	v32 =	vld.idx.msk [tilespmem:v17+s12+$0x0 ss:$0x1], $0xffff;
	[tilespmem:v17+s22+$0x20 ss:$0x1] =	vst.idx.msk $0xffff, v36;
	v29 =	vmul.f32 v59, v60;
	v38 =	vmul.f32 v26, v62  }
0x152: {  	v28 =	vmul.f32 v35, v16;
	s5 =	sand.u32 $0xFFFFFFE0, s24;
	[tilespmem:s9+$0x20] =	vst.add.f32.msk $0xffff, v27;
	v37 =	vmul.f32 $1.442695020e+00, v61  }
0x153: {  	s13 =	sand.u32 $0xFFFFFFE0, s23;
	p4 =	por $0x1, $0x1;
	s17 =	sadd.f32 s30, s28;
	[tilespmem:s5+$0x5C80] =	vst.add.f32.msk $0xffff, v35;
	v40 =	vmul.f32 $1.442695020e+00, v40;
	v36 =	vsub.f32 v59, v29;
	v63 =	vpop (erf);
	v22 =	vmul.f32 v38, v14  }
0x154: {  	s31 =	smov.u32 s1;
	[tilespmem:s5+$0x5880] =	vst.add.f32.msk $0xffff, v39;
	s2 =	smov.u32 s15;
	s15 =	smov.u32 s19;
	v27 =	vsub.f32 v26, v38;
	v35 =	vmul.f32 v31, v63;
	(erf) = vpow2.f32 v37  }
.LBB2_23:
0x155: {  	s7 =	sadd.s32 $0x1, s18;
	v26 =	vadd.f32 s17, v33;
	[tilespmem:s13+$0x5C80] =	vst.add.f32.msk $0xffff, v23;
	s23 =	smov.u32 s18;
	s18 =	sadd.s32 $0x2, s18  }
0x156: {  	s7 =	scvt.s32.f32 s7;
	p5 =	slt.s32 s18, s21;
	[tilespmem:s5+$0x5A80] =	vst.add.f32.msk $0xffff, v28;
	v28 =	vadd.f32 s14, v34;
	v31 =	vsub.f32 v31, v35;
	s14 =	smov.u32 s4  }
0x157: {  	v34 =	vmul.f32 v23, v16;
	s4 =	smov.u32 s17;
	v26 =	vadd.f32 v26, v12;
	v33 =	vld.idx.msk [tilespmem:v17+s12+$0x20 ss:$0x1], $0xffff;
	[tilespmem:v17+s11+$0x30 ss:$0x1] =	vst.idx.msk $0xffff, v36  }
0x158: {  	v37 =	vmul.f32 v35, v16;
	s5 =	sadd.f32 $5.000000000e-01, s7;
	v36 =	vld.idx.msk [tilespmem:v17+s22+$0x30 ss:$0x1], $0xffff;
	[tilespmem:v17+s2+$0x10 ss:$0x1] =	vst.idx.msk $0xffff, v31;
	v31 =	vmul.f32 v35, v15;
	s2 =	smov.u32 s11;
	s11 =	smov.u32 s22  }
0x159: {  	v39 =	vmul.f32 v35, v14;
	v23 =	vmovc v38;
	v28 =	vadd.f32 v28, v9;
	s22 =	smov.u32 s12;
	v26 =	vmul.f32 $1.442695020e+00, v26;
	[tilespmem:s15+$0x610] =	vst.add.f32.msk $0xffff, v35  }
0x15a: {  	s5 =	ssub.f32 s5, s25;
	(erf) = vpow2.f32 v18;
	[tilespmem:s13+$0x5880] =	vst.add.f32.msk $0xffff, v30;
	v30 =	vmul.f32 v23, v15;
	v18 =	vmov v40  }
0x15b: {  	(erf) = vpow2.f32 v26;
	[tilespmem:s13+$0x5A80] =	vst.add.f32.msk $0xffff, v34;
	v26 =	vmul.f32 $1.442695020e+00, v28  }
0x15c: {  	v34 =	vmul.f32 v29, v14;
	s7 =	smul.f32 s5, s26;
	[tilespmem:s15+$0x410] =	vst.add.f32.msk $0xffff, v37  }
0x15d: {  	v35 =	vmul.f32 v29, v15;
	s13 =	scvt.s32.f32 s23;
	v28 =	vpop (erf);
	(erf) = vpow2.f32 v26;
	[tilespmem:s15+$0x210] =	vst.add.f32.msk $0xffff, v31  }
0x15e: {  	s7 =	smul.f32 s7, s5;
	v26 =	vmul.f32 v33, v28;
	v28 =	vmul.f32 v29, v16;
	[tilespmem:s15+$0x10] =	vst.add.f32.msk $0xffff, v39;
	s15 =	smov.u32 s16;
	s16 =	smov.u32 s9  }
0x15f: {  	s9 =	sadd.f32 $5.000000000e-01, s13;
	[tilespmem:s15+$0x230] =	vst.add.f32.msk $0xffff, v35  }
0x160: {  	s1 =	sadd.s32 $0x40, s1;
	v37 =	vmul.f32 s5, v10;
	v35 =	vmul.f32 s5, v13;
	s7 =	sadd.f32 s7, s28;
	v38 =	vsub.f32 v33, v26;
	[tilespmem:s15+$0x430] =	vst.add.f32.msk $0xffff, v28  }
0x161: {  	s10 =	sadd.s32 $0x40, s10;
	s12 =	sadd.s32 $0x40, s12;
	s13 =	ssub.f32 s9, s25;
	v39 =	vmul.f32 v26, v14;
	[tilespmem:v17+s11+$0x0 ss:$0x1] =	vst.idx.msk $0xffff, v27;
	v31 =	vld.idx.msk [tilespmem:v17+s2+$0x10 ss:$0x1], $0xffff  }
0x162: {  	v41 =	vld.idx.msk [tilespmem:v17+s12+$0x0 ss:$0x1], $0xffff;
	v27 =	vadd.f32 s7, v35;
	v35 =	vadd.f32 s7, v37;
	[tilespmem:v17+s22+$0x20 ss:$0x1] =	vst.idx.msk $0xffff, v38;
	v37 =	vmul.f32 v26, v15  }
0x163: {  	v28 =	vmul.f32 v26, v16;
	s5 =	smul.f32 s13, s26;
	v33 =	vpop (erf);
	[tilespmem:s15+$0x30] =	vst.add.f32.msk $0xffff, v34  }
.Ltmp13:
0x164: {  	s9 =	sadd.s32 s3, s10;
	s7 =	sadd.s32 $0x20, s1;
	v27 =	vadd.f32 v27, v12;
	v35 =	vadd.f32 v35, v9;
	v34 =	vpop (erf);
	[tilespmem:s16+$0x0] =	vst.add.f32.msk $0xffff, v22;
	v42 =	vmul.f32 v36, v33;
	(pc) =	sbr.rel @p5 .LBB2_23-.Ltmp13, $4  }
0x165: {  	s17 =	smul.f32 s5, s13;
	s5 =	sand.u32 $0xFFFFFFE0, s7;
	v38 =	vmul.f32 v32, v34;
	[tilespmem:s9+$0x20] =	vst.add.f32.msk $0xffff, v39;
	v34 =	vmul.f32 s8, v10;
	s8 =	smov.u32 s6  }
0x166: {  	s6 =	smov.u32 s13;
	v39 =	vmul.f32 $1.442695020e+00, v27;
	v40 =	vmul.f32 $1.442695020e+00, v35;
	[tilespmem:s5+$0x5C80] =	vst.add.f32.msk $0xffff, v26;
	v36 =	vsub.f32 v36, v42;
	v26 =	vpop (erf)  }
0x167: {  	s17 =	sadd.f32 s17, s28;
	v33 =	vmul.f32 s6, v13;
	v27 =	vsub.f32 v32, v38;
	v22 =	vmul.f32 v38, v14;
	[tilespmem:s5+$0x5880] =	vst.add.f32.msk $0xffff, v37  }
0x168: {  	s13 =	sand.u32 $0xFFFFFFE0, s31;
	s31 =	smov.u32 s1;
	v35 =	vmul.f32 v31, v26;
	v32 =	vmovc v41;
	(erf) = vpow2.f32 v39;
	[tilespmem:s15+$0x630] =	vst.add.f32.msk $0xffff, v29;
	v29 =	vmov v42  }
0x169: {  	s30 =	smov.u32 s14;
	s7 =	smov.u32 s11;
	s24 =	smov.u32 s16  }
0x16a: {  	s23 =	smov.u32 s1;
	s1 =	smov.u32 s31;
	s31 =	rddreg [dreg:$0x5]  }
0x16b: {  	s14 =	smov.u32 s4;
	s11 =	smov.u32 s22;
	s22 =	rddreg [dreg:$0x7]  }
0x16c: {  	v37 =	vmovc v23;
	v39 =	vmovc v18;
	v23 =	vmov v38;
	v18 =	vmov v40;
	s16 =	smov.u32 s9;
	v26 =	vmov v32;
	s4 =	smov.u32 s8;
	s18 =	rddreg [dreg:$0xe]  }
.LBB2_25:
0x16d: {  	_ =	sdelay $0x1  }
0x16e: {  	[tilespmem:s13+$0x5C80] =	vst.add.f32.msk @p3 $0xffff, v37  }
0x16f: {  	[tilespmem:s5+$0x5A80] =	vst.add.f32.msk @p2 $0xffff, v28  }
0x170: {  	[tilespmem:v17+s7+$0x30 ss:$0x1] =	vst.idx.msk @p3 $0xffff, v36  }
0x171: {  	v28 =	vsub.f32 @p4 v31, v35;
	[tilespmem:s13+$0x5880] =	vst.add.f32.msk @p3 $0xffff, v30;
	s8 =	smov.u32 @p2 s11  }
0x172: {  	v32 =	vadd.f32 s17, v33;
	v31 =	vadd.f32 @p3 s30, v34;
	v40 =	vld.idx.msk [tilespmem:v17+s12+$0x20 ss:$0x1], $0xffff;
	[tilespmem:v17+s8+$0x0 ss:$0x1] =	vst.idx.msk @p2 $0xffff, v27  }
0x173: {  	v34 =	vmul.f32 @p4 v35, v15;
	v36 =	vmul.f32 @p4 v35, v16;
	[tilespmem:v17+s2+$0x10 ss:$0x1] =	vst.idx.msk @p4 $0xffff, v28  }
0x174: {  	v32 =	vadd.f32 v32, v12;
	v28 =	vmul.f32 @p3 v37, v16;
	v31 =	vadd.f32 @p3 v31, v9;
	[tilespmem:s15+$0x610] =	vst.add.f32.msk @p4 $0xffff, v35  }
0x175: {  	(erf) = vpow2.f32 @p2 v39;
	v30 =	vmul.f32 @p4 v35, v14;
	[tilespmem:s15+$0x410] =	vst.add.f32.msk @p4 $0xffff, v36  }
0x176: {  	v32 =	vmul.f32 $1.442695020e+00, v32;
	[tilespmem:s13+$0x5A80] =	vst.add.f32.msk @p3 $0xffff, v28;
	v28 =	vmul.f32 @p3 $1.442695020e+00, v31;
	v41 =	vpop (erf)  }
0x177: {  	[tilespmem:s15+$0x210] =	vst.add.f32.msk @p4 $0xffff, v34;
	v31 =	vmul.f32 @p3 v29, v16;
	v42 =	vmul.f32 v40, v41  }
0x178: {  	s5 =	smov.u32 @p3 s24;
	[tilespmem:s15+$0x10] =	vst.add.f32.msk @p4 $0xffff, v30;
	(erf) = vpow2.f32 v32;
	v32 =	vmul.f32 @p3 v29, v15  }
0x179: {  	[tilespmem:s5+$0x430] =	vst.add.f32.msk @p3 $0xffff, v31;
	v43 =	vsub.f32 v40, v42  }
0x17a: {  	[tilespmem:s5+$0x230] =	vst.add.f32.msk @p3 $0xffff, v32  }
0x17b: {  	v32 =	vmul.f32 @p3 v29, v14;
	[tilespmem:v17+s12+$0x20 ss:$0x1] =	vst.idx.msk $0xffff, v43  }
0x17c: {  	v27 =	vld.idx.msk @p3 [tilespmem:v17+s7+$0x10 ss:$0x1], $0xffff;
	(erf) = vpow2.f32 @p3 v28;
	s24 =	rddreg [dreg:$0xa]  }
0x17d: {  	s9 =	sadd.s32 @p2 $0x40, s10;
	s2 =	sadd.s32 @p2 $0x40, s23;
	[tilespmem:s5+$0x30] =	vst.add.f32.msk @p3 $0xffff, v32;
	s10 =	smov.u32 s24  }
0x17e: {  	v31 =	vld.idx.msk @p2 [tilespmem:v17+s11+$0x30 ss:$0x1], $0xffff;
	s11 =	smov.u32 @p2 s16;
	s10 =	smov.u32 @p2 s9;
	s9 =	rddreg [dreg:$0x1a]  }
0x17f: {  	v44 =	vmul.f32 v42, v14;
	[tilespmem:s11+$0x0] =	vst.add.f32.msk @p2 $0xffff, v22;
	s9 =	smov.u32 @p2 s2  }
0x180: {  	[tilespmem:s5+$0x630] =	vst.add.f32.msk @p3 $0xffff, v29;
	s15 =	sadd.s32 s3, s10;
	s16 =	sadd.s32 $0x20, s9  }
0x181: {  	v45 =	vmul.f32 v42, v15;
	[tilespmem:s15+$0x20] =	vst.add.f32.msk $0xffff, v44;
	s3 =	sand.u32 $0xFFFFFFE0, s16  }
0x182: {  	[tilespmem:s3+$0x5C80] =	vst.add.f32.msk $0xffff, v42  }
0x183: {  	s1 =	sand.u32 @p2 $0xFFFFFFE0, s1;
	v19 =	vpsel p2, v23, v19;
	v23 =	vmul.f32 @p2 v23, v15;
	v32 =	vpop @p2 (erf);
	[tilespmem:s3+$0x5880] =	vst.add.f32.msk $0xffff, v45  }
0x184: {  	s20 =	smov.u32 @p2 s1;
	v28 =	vmul.f32 v42, v16;
	v30 =	vmul.f32 @p2 v31, v32;
	v46 =	vpop (erf);
	s10 =	rddreg [dreg:$0x1b]  }
0x185: {  	v32 =	vmul.f32 @p2 s4, v10;
	v34 =	vpop @p3 (erf);
	v49 =	vmul.f32 v26, v46;
	s1 =	rddreg [dreg:$0xc];
	[tilespmem:s20+$0x5C80] =	vst.add.f32.msk @p2 $0xffff, v19  }
0x186: {  	v20 =	vpsel p2, v23, v20;
	s4 =	smov.u32 @p2 s14;
	v22 =	vmul.f32 @p3 v27, v34;
	[tilespmem:s3+$0x5A80] =	vst.add.f32.msk $0xffff, v28;
	v19 =	vmul.f32 @p2 v19, v16  }
0x187: {  	v24 =	vpsel p2, v32, v24;
	v27 =	vpsel p3, v27, v0;
	[tilespmem:s20+$0x5880] =	vst.add.f32.msk @p2 $0xffff, v20;
	s10 =	smov.u32 @p2 s4;
	v51 =	vsub.f32 v26, v49  }
0x188: {  	v53 =	vmul.f32 v49, v14;
	v22 =	vpsel p3, v22, v0;
	v24 =	vadd.f32 @p2 s10, v24;
	[tilespmem:s20+$0x5A80] =	vst.add.f32.msk @p2 $0xffff, v19  }
0x189: {  	v27 =	vsub.f32 @p3 v27, v22;
	[tilespmem:v17+s12+$0x0 ss:$0x1] =	vst.idx.msk $0xffff, v51  }
0x18a: {  	(erf) = vpow2.f32 v18;
	s3 =	smov.u32 @p3 s7;
	v24 =	vadd.f32 @p2 v24, v9;
	[tilespmem:s15+$0x0] =	vst.add.f32.msk $0xffff, v53  }
0x18b: {  	v48 =	vmul.f32 s6, v10;
	s23 =	sand.u32 $0xFFFFFFE0, s9;
	v47 =	vld.idx.msk [tilespmem:v17+s12+$0x30 ss:$0x1], $0xffff;
	v56 =	vmul.f32 v49, v15;
	[tilespmem:v17+s3+$0x10 ss:$0x1] =	vst.idx.msk @p3 $0xffff, v27  }
0x18c: {  	[tilespmem:s23+$0x5C80] =	vst.add.f32.msk $0xffff, v49;
	v18 =	vmul.f32 @p2 $1.442695020e+00, v24  }
0x18d: {  	v50 =	vadd.f32 s17, v48;
	s4 =	smov.u32 @p3 s5;
	v23 =	vmul.f32 @p3 v22, v16;
	[tilespmem:s23+$0x5880] =	vst.add.f32.msk $0xffff, v56  }
0x18e: {  	v31 =	vsub.f32 @p2 v31, v30;
	v20 =	vmovc @p2 v30;
	v19 =	vmul.f32 @p3 v22, v14;
	[tilespmem:s4+$0x610] =	vst.add.f32.msk @p3 $0xffff, v22;
	(erf) = vpow2.f32 @p2 v18  }
0x18f: {  	[tilespmem:s4+$0x410] =	vst.add.f32.msk @p3 $0xffff, v23;
	v18 =	vpsel p2, v20, v21  }
0x190: {  	v52 =	vadd.f32 v50, v9;
	s19 =	smov.u32 @p2 s11;
	v25 =	vpsel p2, v31, v25;
	s1 =	smov.u32 @p2 s8;
	[tilespmem:s4+$0x10] =	vst.add.f32.msk @p3 $0xffff, v19;
	v19 =	vmul.f32 @p2 v18, v16  }
0x191: {  	[tilespmem:v17+s1+$0x30 ss:$0x1] =	vst.idx.msk @p2 $0xffff, v25;
	s3 =	smov.u32 @p2 s19;
	v24 =	vmul.f32 @p3 v22, v15;
	v23 =	vld.idx.msk @p2 [tilespmem:v17+s1+$0x10 ss:$0x1], $0xffff  }
0x192: {  	v22 =	vmul.f32 v49, v16;
	[tilespmem:s3+$0x430] =	vst.add.f32.msk @p2 $0xffff, v19;
	v19 =	vmul.f32 $1.442695020e+00, v52  }
0x193: {  	[tilespmem:s4+$0x210] =	vst.add.f32.msk @p3 $0xffff, v24;
	v54 =	vpop (erf);
	v20 =	vmul.f32 @p2 v18, v15  }
0x194: {  	[tilespmem:s23+$0x5A80] =	vst.add.f32.msk $0xffff, v22;
	v21 =	vmul.f32 v47, v54;
	(erf) = vpow2.f32 v19  }
0x195: {  	v24 =	vmul.f32 @p2 v18, v14;
	[tilespmem:s3+$0x630] =	vst.add.f32.msk @p2 $0xffff, v18  }
0x196: {  	[tilespmem:s3+$0x230] =	vst.add.f32.msk @p2 $0xffff, v20;
	v55 =	vsub.f32 v47, v21  }
0x197: {  	[tilespmem:s3+$0x30] =	vst.add.f32.msk @p2 $0xffff, v24;
	v58 =	vmul.f32 v21, v15;
	v20 =	vpop @p2 (erf)  }
0x198: {  	v57 =	vld.idx.msk [tilespmem:v17+s12+$0x10 ss:$0x1], $0xffff;
	v59 =	vmul.f32 v21, v16;
	[tilespmem:v17+s12+$0x30 ss:$0x1] =	vst.idx.msk $0xffff, v55;
	v20 =	vmul.f32 @p2 v23, v20  }
0x199: {  	v61 =	vmul.f32 v21, v14;
	[tilespmem:s15+$0x230] =	vst.add.f32.msk $0xffff, v58  }
0x19a: {  	v19 =	vpsel p2, v23, v0;
	[tilespmem:s15+$0x430] =	vst.add.f32.msk $0xffff, v59;
	v20 =	vpsel p2, v20, v0  }
0x19b: {  	[tilespmem:s15+$0x30] =	vst.add.f32.msk $0xffff, v61;
	v19 =	vsub.f32 @p2 v19, v20  }
0x19c: {  	s1 =	smov.u32 @p2 s1;
	[tilespmem:s15+$0x630] =	vst.add.f32.msk $0xffff, v21  }
0x19d: {  	s3 =	smov.u32 @p2 s3;
	v18 =	vmul.f32 @p2 v20, v16;
	v60 =	vpop (erf);
	[tilespmem:v17+s1+$0x10 ss:$0x1] =	vst.idx.msk @p2 $0xffff, v19  }
0x19e: {  	v22 =	vmul.f32 @p2 v20, v15;
	v62 =	vmul.f32 v57, v60;
	[tilespmem:s3+$0x610] =	vst.add.f32.msk @p2 $0xffff, v20  }
0x19f: {  	v20 =	vmul.f32 @p2 v20, v14;
	[tilespmem:s3+$0x410] =	vst.add.f32.msk @p2 $0xffff, v18  }
0x1a0: {  	[tilespmem:s3+$0x210] =	vst.add.f32.msk @p2 $0xffff, v22;
	v19 =	vsub.f32 v57, v62  }
0x1a1: {  	[tilespmem:s3+$0x10] =	vst.add.f32.msk @p2 $0xffff, v20  }
0x1a2: {  	v63 =	vmul.f32 v62, v16;
	[tilespmem:v17+s12+$0x10 ss:$0x1] =	vst.idx.msk $0xffff, v19  }
0x1a3: {  	v15 =	vmul.f32 v62, v15;
	[tilespmem:s15+$0x610] =	vst.add.f32.msk $0xffff, v62  }
0x1a4: {  	v14 =	vmul.f32 v62, v14;
	[tilespmem:s15+$0x410] =	vst.add.f32.msk $0xffff, v63  }
0x1a5: {  	[tilespmem:s15+$0x210] =	vst.add.f32.msk $0xffff, v15  }
0x1a6: {  	[tilespmem:s15+$0x10] =	vst.add.f32.msk $0xffff, v14  }
0x1a7: {  	s30 =	rddreg [dreg:$0x6]  }
0x1a8: {  	s15 =	rddreg [dreg:$0x10]  }
0x1a9: {  	s12 =	rddreg [dreg:$0x12]  }
0x1aa: {  	s23 =	rddreg [dreg:$0x13]  }
0x1ab: {  	s16 =	rddreg [dreg:$0x14]  }
0x1ac: {  	s17 =	rddreg [dreg:$0x15]  }
0x1ad: {  	s20 =	rddreg [dreg:$0x16]  }
0x1ae: {  	s19 =	rddreg [dreg:$0x17]  }
0x1af: {  	s8 =	rddreg [dreg:$0x18]  }
0x1b0: {  	s1 =	rddreg [dreg:$0x19]  }
.LBB2_10:
0x1b1: {  	p2 =	sge.s32 s21, s29  }
.Ltmp14:
0x1b2: {  	_ = 	snop;
	(pc) =	sbr.rel @p2 .LBB2_13-.Ltmp14, $1  }
0x1b3: {  	_ =	sdelay $0x3  }
0x1b4: {  	s2 =	ssub.s32 s17, s1  }
0x1b5: {  	s4 =	sshll.u32 s16, $0x7;
	s5 =	rddreg [dreg:$0xd];
	s3 =	sshll.u32 s2, $0x7  }
0x1b6: {  	s1 =	ssub.s32 $0x0, s2;
	s5 =	sadd.s32 s16, s5;
	s3 =	ssub.s32 $0x0, s3  }
0x1b7: {  	v14 =	vbroadcast v11, $0x6;
	s5 =	ssub.s32 s5, s2;
	s2 =	sshra.s32 s4, $0x2;
	s6 =	sshra.s32 s3, $0x2  }
0x1b8: {  	v15 =	vbroadcast v11, $0x7;
	v16 =	vbroadcast v11, $0x8;
	s4 =	sshll.u32 s5, $0x5;
	v17 =	vmov s2;
	s3 =	sadd.s32 s6, s24;
	s5 =	sadd.s32 s6, s18  }
.LBB2_12:
0x1b9: {  	s6 =	sadd.s32 s1, s29  }
0x1ba: {  	s6 =	scvt.s32.f32 s6;
	_ =	sdelay $0x1  }
0x1bb: {  	s6 =	sadd.f32 $5.000000000e-01, s6;
	_ =	sdelay $0x1  }
0x1bc: {  	s6 =	ssub.f32 s6, s25;
	_ =	sdelay $0x1  }
0x1bd: {  	s7 =	smul.f32 s6, s26;
	_ =	sdelay $0x1  }
0x1be: {  	s7 =	smul.f32 s7, s6;
	_ =	sdelay $0x1  }
0x1bf: {  	v18 =	vmul.f32 s6, v13;
	s7 =	sadd.f32 s7, s28;
	_ =	sdelay $0x1  }
0x1c0: {  	v18 =	vadd.f32 s7, v18;
	_ =	sdelay $0x1  }
0x1c1: {  	v18 =	vadd.f32 v18, v12;
	_ =	sdelay $0x1  }
0x1c2: {  	v18 =	vmul.f32 $1.442695020e+00, v18;
	_ =	sdelay $0x1  }
0x1c3: {  	(erf) = vpow2.f32 v18;
	_ =	sdelay $0x4  }
0x1c4: {  	v18 =	vld.idx.msk [tilespmem:v17+s5+$0x0 ss:$0x1], $0xffff  }
0x1c5: {  	v19 =	vmul.f32 s6, v10;
	_ =	sdelay $0x1  }
0x1c6: {  	v19 =	vadd.f32 s7, v19  }
0x1c7: {  	v20 =	vpop (erf)  }
0x1c8: {  	v19 =	vadd.f32 v19, v9;
	v20 =	vmul.f32 v18, v20;
	_ =	sdelay $0x1  }
0x1c9: {  	v19 =	vmul.f32 $1.442695020e+00, v19;
	v18 =	vsub.f32 v18, v20  }
0x1ca: {  	v21 =	vmul.f32 v20, v14  }
0x1cb: {  	s14 =	sadd.s32 s2, s3;
	(erf) = vpow2.f32 v19;
	[tilespmem:v17+s5+$0x0 ss:$0x1] =	vst.idx.msk $0xffff, v18;
	v18 =	vmul.f32 v20, v15  }
0x1cc: {  	s21 =	sand.u32 $0xFFFFFFE0, s4;
	v19 =	vmul.f32 v20, v16;
	[tilespmem:s14+$0x20] =	vst.add.f32.msk $0xffff, v21  }
0x1cd: {  	[tilespmem:s21+$0x5880] =	vst.add.f32.msk $0xffff, v18  }
0x1ce: {  	[tilespmem:s21+$0x5A80] =	vst.add.f32.msk $0xffff, v19  }
0x1cf: {  	[tilespmem:s21+$0x5C80] =	vst.add.f32.msk $0xffff, v20  }
0x1d0: {  	v18 =	vld.idx.msk [tilespmem:v17+s5+$0x10 ss:$0x1], $0xffff;
	_ =	sdelay $0x3  }
0x1d1: {  	v19 =	vpop (erf)  }
0x1d2: {  	v19 =	vmul.f32 v18, v19;
	_ =	sdelay $0x1  }
0x1d3: {  	s1 =	sadd.s32 $0x1, s1;
	v18 =	vsub.f32 v18, v19  }
0x1d4: {  	p2 =	seq.s32 s1, $0x0;
	v62 =	vmul.f32 v19, v14  }
.Ltmp15:
0x1d5: {  	v63 =	vmul.f32 v19, v16;
	[tilespmem:v17+s5+$0x10 ss:$0x1] =	vst.idx.msk $0xffff, v18;
	(pc) =	sbr.rel @!p2 .LBB2_12-.Ltmp15, $4  }
0x1d6: {  	[tilespmem:s14+$0x30] =	vst.add.f32.msk $0xffff, v62  }
0x1d7: {  	v18 =	vmul.f32 v19, v15;
	[tilespmem:s14+$0x430] =	vst.add.f32.msk $0xffff, v63  }
0x1d8: {  	[tilespmem:s14+$0x630] =	vst.add.f32.msk $0xffff, v19  }
0x1d9: {  	s3 =	sadd.s32 $0x20, s3;
	s4 =	sadd.s32 $0x20, s4;
	s5 =	sadd.s32 $0x20, s5;
	[tilespmem:s14+$0x230] =	vst.add.f32.msk $0xffff, v18  }
.LBB2_13:
0x1da: {  	p0 =	por !p0, p1  }
.Ltmp16:
0x1db: {  	_ = 	snop;
	(pc) =	sbr.rel @p0 .LBB2_29-.Ltmp16, $1  }
0x1dc: {  	_ =	sdelay $0x3  }
0x1dd: {  	s1 =	sadd.s32 s8, s17  }
0x1de: {  	s1 =	sand.u32 $0xFFFFFFFE, s1  }
0x1df: {  	s3 =	sadd.s32 s0, s1  }
0x1e0: {  	p0 =	sle.s32 s3, s0  }
.Ltmp17:
0x1e1: {  	_ = 	snop;
	(pc) =	sbr.rel @p0 .LBB2_26-.Ltmp17, $1  }
0x1e2: {  	_ =	sdelay $0x3  }
0x1e3: {  	[dreg:$0x18] =	wrdreg s8  }
0x1e4: {  	s2 =	sshll.u32 s0, $0x7;
	s4 =	sshll.u32 s0, $0x5;
	s5 =	rddreg [dreg:$0xb]  }
0x1e5: {  	s14 =	rddreg [dreg:$0xf];
	s15 =	scvt.s32.f32 s0;
	s21 =	sadd.s32 $0x1, s0  }
0x1e6: {  	s6 =	sadd.s32 $0x2, s0;
	s2 =	sshra.s32 s2, $0x2;
	s8 =	sadd.s32 s4, s5  }
0x1e7: {  	s5 =	scvt.s32.f32 s21;
	p3 =	slt.s32 s6, s3;
	s4 =	sadd.s32 s2, s14  }
.Ltmp18:
0x1e8: {  	s9 =	sadd.s32 s2, s18;
	s2 =	sadd.f32 $5.000000000e-01, s15;
	(pc) =	sbr.rel @!p3 .LBB2_16-.Ltmp18, $4  }
0x1e9: {  	s5 =	sadd.f32 $5.000000000e-01, s5  }
0x1ea: {  	s2 =	ssub.f32 s2, s25  }
0x1eb: {  	v15 =	vbroadcast v11, $0x6;
	p0 =	por $0x0, $0x0;
	p1 =	por $0x0, $0x0  }
0x1ec: {  	v16 =	vbroadcast v11, $0x7;
	v14 =	vbroadcast v11, $0x8;
	p2 =	por $0x0, $0x0;
	s5 =	ssub.f32 s5, s25;
	s12 =	smul.f32 s2, s26  }
0x1ed: {  	_ = 	snop  }
0x1ee: {  	s7 =	scvt.s32.f32 s6;
	s10 =	smul.f32 s5, s26  }
0x1ef: {  	s14 =	sadd.s32 $0x1, s6;
	s11 =	smul.f32 s12, s2  }
0x1f0: {  	s6 =	sadd.s32 $0x2, s6;
	s7 =	sadd.f32 $5.000000000e-01, s7;
	s10 =	smul.f32 s10, s5  }
0x1f1: {  	s12 =	scvt.s32.f32 s14;
	p3 =	slt.s32 s6, s3;
	s11 =	sadd.f32 s11, s28  }
.Ltmp19:
0x1f2: {  	v17 =	vmul.f32 s2, v13;
	v18 =	vmul.f32 s5, v13;
	s15 =	sadd.f32 s10, s28;
	(pc) =	sbr.rel @!p3 .LBB2_34-.Ltmp19, $3  }
0x1f3: {  	s21 =	sadd.f32 $5.000000000e-01, s12  }
0x1f4: {  	s2 =	ssub.f32 s7, s25;
	v17 =	vadd.f32 s11, v17;
	v18 =	vadd.f32 s15, v18;
	_ =	sdelay $0x1  }
0x1f5: {  	p0 =	por $0x1, $0x1;
	s5 =	ssub.f32 s21, s25;
	s12 =	smul.f32 s2, s26;
	v23 =	vadd.f32 v17, v12;
	v24 =	vadd.f32 v18, v12  }
0x1f6: {  	_ = 	snop  }
0x1f7: {  	s7 =	scvt.s32.f32 s6;
	s10 =	smul.f32 s5, s26  }
0x1f8: {  	s14 =	sadd.s32 $0x1, s6;
	s11 =	smul.f32 s12, s2  }
0x1f9: {  	s12 =	sadd.f32 $5.000000000e-01, s7;
	s7 =	sadd.s32 $0x2, s6;
	s13 =	smul.f32 s10, s5  }
0x1fa: {  	s11 =	sadd.f32 s11, s28;
	s10 =	scvt.s32.f32 s14;
	p3 =	slt.s32 s7, s3  }
.Ltmp20:
0x1fb: {  	v17 =	vmul.f32 s2, v13;
	v18 =	vmul.f32 s5, v13;
	s15 =	sadd.f32 s13, s28;
	(pc) =	sbr.rel @!p3 .LBB2_36-.Ltmp20, $4  }
0x1fc: {  	v19 =	vmul.f32 $1.442695020e+00, v24;
	s2 =	ssub.f32 s12, s25  }
0x1fd: {  	v20 =	vmul.f32 $1.442695020e+00, v23;
	s21 =	sadd.f32 $5.000000000e-01, s10;
	v17 =	vadd.f32 s11, v17;
	v21 =	vadd.f32 s15, v18  }
0x1fe: {  	(erf) = vpow2.f32 v19;
	v18 =	vld [tilespmem:s9+$0x0]  }
0x1ff: {  	p1 =	por $0x1, $0x1;
	(erf) = vpow2.f32 v20;
	s12 =	smul.f32 s2, s26;
	s5 =	ssub.f32 s21, s25;
	v23 =	vadd.f32 v17, v12;
	v17 =	vld [tilespmem:s9+$0xFFFFFFE0];
	v24 =	vadd.f32 v21, v12  }
0x200: {  	_ =	sdelay $0x2  }
0x201: {  	s6 =	smul.f32 s5, s26;
	_ =	sdelay $0x1  }
0x202: {  	[dreg:$0x1c] =	wrdreg s1;
	v19 =	vmul.f32 $1.442695020e+00, v24;
	s6 =	smul.f32 s6, s5  }
0x203: {  	s1 =	smov.u32 s22;
	s22 =	smov.u32 s19;
	s19 =	smov.u32 s24  }
0x204: {  	s24 =	smov.u32 s20;
	s20 =	smov.u32 s30;
	v21 =	vmul.f32 $1.442695020e+00, v23;
	v24 =	vmul.f32 s5, v13;
	s15 =	sadd.f32 s6, s28;
	v20 =	vpop (erf)  }
0x205: {  	s30 =	smov.u32 s31;
	s21 =	smov.u32 s16;
	s10 =	scvt.s32.f32 s7;
	(erf) = vpow2.f32 v19;
	v22 =	vmul.f32 v18, v20  }
0x206: {  	s13 =	sadd.s32 $0x1, s7;
	s11 =	smul.f32 s12, s2;
	v24 =	vadd.f32 s15, v24;
	s15 =	sadd.s32 $0x2, s7;
	v19 =	vpop (erf);
	(erf) = vpow2.f32 v21  }
0x207: {  	v23 =	vmul.f32 s2, v13;
	s14 =	scvt.s32.f32 s13;
	s10 =	sadd.f32 $5.000000000e-01, s10;
	p3 =	slt.s32 s15, s3;
	v25 =	vsub.f32 v18, v22  }
.Ltmp21:
0x208: {  	s16 =	sadd.f32 s11, s28;
	s6 =	sadd.s32 $0x40, s9;
	v20 =	vmul.f32 v17, v19;
	v26 =	vmul.f32 v22, v15;
	(pc) =	sbr.rel @!p3 .LBB2_38-.Ltmp21, $4  }
0x209: {  	s31 =	smov.u32 s17;
	s17 =	sadd.s32 $0x20, s8;
	s13 =	sadd.f32 $5.000000000e-01, s14;
	v19 =	vld [tilespmem:s6+$0x0];
	[tilespmem:s9+$0x0] =	vst v25  }
0x20a: {  	p2 =	por $0x1, $0x1;
	s14 =	sand.u32 $0xFFFFFFE0, s17;
	s2 =	ssub.f32 s10, s25;
	v23 =	vadd.f32 s16, v23;
	v21 =	vmul.f32 v22, v16;
	v29 =	vsub.f32 v17, v20;
	[tilespmem:s4+$0x0] =	vst.add.f32.msk $0xffff, v26  }
0x20b: {  	s11 =	sand.u32 $0xFFFFFFE0, s8;
	s5 =	ssub.f32 s13, s25;
	s13 =	smov.u32 s8;
	v24 =	vadd.f32 v24, v12;
	v27 =	vmul.f32 v20, v15;
	v28 =	vmul.f32 v20, v14;
	[tilespmem:s14+$0x5C80] =	vst.add.f32.msk $0xffff, v22  }
0x20c: {  	s12 =	smul.f32 s2, s26;
	s10 =	smov.u32 s6;
	v23 =	vadd.f32 v23, v12;
	s7 =	smov.u32 s4;
	v25 =	vmul.f32 v22, v14;
	v26 =	vmul.f32 v20, v16;
	[tilespmem:s9+$0xFFFFFFE0] =	vst v29;
	v22 =	vld [tilespmem:s6+$0xFFFFFFE0]  }
.LBB2_39:
0x20d: {  	s16 =	scvt.s32.f32 s15;
	s17 =	smul.f32 s5, s26;
	v29 =	vmul.f32 $1.442695020e+00, v24;
	[tilespmem:s14+$0x5880] =	vst.add.f32.msk $0xffff, v21  }
0x20e: {  	s12 =	smul.f32 s12, s2;
	v21 =	vmul.f32 $1.442695020e+00, v23;
	v23 =	vpop (erf);
	[tilespmem:s14+$0x5A80] =	vst.add.f32.msk $0xffff, v25  }
0x20f: {  	s13 =	sadd.s32 $0x40, s13;
	s14 =	sadd.f32 $5.000000000e-01, s16;
	s16 =	smul.f32 s17, s5;
	(erf) = vpow2.f32 v29;
	v23 =	vmul.f32 v19, v23;
	v24 =	vpop (erf);
	[tilespmem:s7+$0xFFFFFFE0] =	vst.add.f32.msk $0xffff, v27  }
0x210: {  	s17 =	sadd.s32 $0x1, s15;
	v27 =	vmul.f32 s2, v13;
	s15 =	sadd.s32 $0x2, s15;
	s12 =	sadd.f32 s12, s28;
	(erf) = vpow2.f32 v21;
	[tilespmem:s11+$0x5880] =	vst.add.f32.msk $0xffff, v26  }
0x211: {  	v25 =	vmul.f32 s5, v13;
	s2 =	scvt.s32.f32 s17;
	p3 =	slt.s32 s15, s3;
	s16 =	sadd.f32 s16, s28;
	v24 =	vmul.f32 v22, v24;
	v26 =	vsub.f32 v19, v23;
	[tilespmem:s11+$0x5A80] =	vst.add.f32.msk $0xffff, v28  }
.Ltmp22:
0x212: {  	s6 =	sadd.s32 $0x40, s6;
	s7 =	sadd.s32 $0x40, s7;
	v28 =	vmul.f32 v23, v15;
	v21 =	vmul.f32 v23, v16;
	[tilespmem:s11+$0x5C80] =	vst.add.f32.msk $0xffff, v20;
	(pc) =	sbr.rel @p3 .LBB2_39-.Ltmp22, $4  }
0x213: {  	s5 =	sadd.f32 $5.000000000e-01, s2;
	v29 =	vadd.f32 s16, v25;
	v19 =	vld [tilespmem:s6+$0x0];
	v30 =	vsub.f32 v22, v24;
	s16 =	sadd.s32 $0x20, s13;
	[tilespmem:s10+$0x0] =	vst v26;
	v25 =	vmul.f32 v23, v14;
	v20 =	vmovc v24  }
0x214: {  	s2 =	ssub.f32 s14, s25;
	s11 =	sand.u32 $0xFFFFFFE0, s13;
	v22 =	vadd.f32 s12, v27;
	v27 =	vmul.f32 v20, v15;
	v26 =	vmul.f32 v20, v16;
	[tilespmem:s7+$0x0] =	vst.add.f32.msk $0xffff, v28;
	s14 =	sand.u32 $0xFFFFFFE0, s16  }
0x215: {  	s5 =	ssub.f32 s5, s25;
	v28 =	vmul.f32 v20, v14;
	v24 =	vadd.f32 v29, v12;
	[tilespmem:s14+$0x5C80] =	vst.add.f32.msk $0xffff, v23  }
0x216: {  	s12 =	smul.f32 s2, s26;
	v23 =	vadd.f32 v22, v12;
	v22 =	vld [tilespmem:s6+$0xFFFFFFE0];
	[tilespmem:s10+$0xFFFFFFE0] =	vst v30;
	s10 =	smov.u32 s6  }
0x217: {  	s16 =	smov.u32 s21;
	s17 =	smov.u32 s31;
	s31 =	smov.u32 s30  }
0x218: {  	s30 =	smov.u32 s20;
	s20 =	smov.u32 s24;
	s24 =	smov.u32 s19  }
0x219: {  	s19 =	smov.u32 s22;
	s22 =	smov.u32 s1;
	s1 =	rddreg [dreg:$0x1c]  }
.LBB2_41:
0x21a: {  	s15 =	smul.f32 s5, s26  }
0x21b: {  	[tilespmem:s14+$0x5880] =	vst.add.f32.msk @p2 $0xffff, v21  }
0x21c: {  	v21 =	vmul.f32 @p0 $1.442695020e+00, v24;
	v24 =	vpop @p1 (erf);
	[tilespmem:s14+$0x5A80] =	vst.add.f32.msk @p2 $0xffff, v25;
	s15 =	smul.f32 s15, s5  }
0x21d: {  	[tilespmem:s7+$0xFFFFFFE0] =	vst.add.f32.msk @p2 $0xffff, v27;
	s12 =	smul.f32 s12, s2;
	s13 =	sadd.s32 @p2 $0x40, s13;
	v24 =	vmul.f32 @p1 v19, v24  }
0x21e: {  	s6 =	sadd.s32 @p1 $0x40, s6;
	[tilespmem:s11+$0x5880] =	vst.add.f32.msk @p2 $0xffff, v26;
	(erf) = vpow2.f32 @p0 v21;
	v21 =	vmul.f32 @p0 $1.442695020e+00, v23;
	s21 =	sadd.f32 s15, s28;
	s15 =	smov.u32 s8  }
0x21f: {  	v49 =	vmul.f32 s2, v13;
	s14 =	smov.u32 s9;
	v50 =	vmul.f32 s5, v13;
	[tilespmem:s11+$0x5A80] =	vst.add.f32.msk @p2 $0xffff, v28;
	v25 =	vpop @p1 (erf);
	s15 =	smov.u32 @p2 s13;
	s13 =	sadd.f32 s12, s28  }
0x220: {  	[tilespmem:s11+$0x5C80] =	vst.add.f32.msk @p2 $0xffff, v20;
	s14 =	smov.u32 @p1 s6;
	v20 =	vmul.f32 @p1 v22, v25;
	v19 =	vsub.f32 @p1 v19, v24;
	(erf) = vpow2.f32 @p0 v21  }
0x221: {  	s6 =	smov.u32 s4;
	s5 =	sadd.s32 @p2 $0x40, s7;
	v27 =	vmul.f32 @p1 v24, v15;
	v21 =	vld @p0 [tilespmem:s14+$0x0];
	v23 =	vadd.f32 s13, v49  }
0x222: {  	s6 =	smov.u32 @p2 s5;
	v22 =	vsub.f32 @p1 v22, v20;
	[tilespmem:s10+$0x0] =	vst @p1 v19;
	v51 =	vadd.f32 s21, v50  }
0x223: {  	v25 =	vmul.f32 @p1 v24, v16;
	s11 =	sadd.s32 @p1 $0x20, s15;
	[tilespmem:s6+$0x0] =	vst.add.f32.msk @p1 $0xffff, v27;
	v23 =	vadd.f32 v23, v12  }
0x224: {  	v26 =	vmul.f32 @p1 v20, v15;
	v27 =	vld @p0 [tilespmem:s14+$0xFFFFFFE0];
	[tilespmem:s10+$0xFFFFFFE0] =	vst @p1 v22;
	s2 =	sand.u32 @p1 $0xFFFFFFE0, s11;
	v19 =	vadd.f32 v51, v12  }
0x225: {  	v28 =	vmul.f32 @p1 v20, v16;
	v22 =	vpsel p1, v25, v0;
	[tilespmem:s2+$0x5C80] =	vst.add.f32.msk @p1 $0xffff, v24;
	v24 =	vmul.f32 @p1 v24, v14;
	s2 =	smov.u32 @p1 s2  }
0x226: {  	[tilespmem:s2+$0x5880] =	vst.add.f32.msk @p1 $0xffff, v22;
	v18 =	vpsel p0, v21, v18;
	v21 =	vpsel p1, v26, v0;
	v19 =	vmul.f32 $1.442695020e+00, v19  }
0x227: {  	v25 =	vmul.f32 @p1 v20, v14;
	s5 =	sand.u32 @p1 $0xFFFFFFE0, s15;
	v24 =	vpsel p1, v24, v0;
	[tilespmem:s6+$0xFFFFFFE0] =	vst.add.f32.msk @p1 $0xffff, v21;
	v52 =	vmul.f32 $1.442695020e+00, v23;
	v23 =	vpop @p0 (erf)  }
0x228: {  	s7 =	smov.u32 s9;
	[tilespmem:s2+$0x5A80] =	vst.add.f32.msk @p1 $0xffff, v24;
	v24 =	vpsel p1, v28, v0;
	s2 =	smov.u32 @p1 s5;
	(erf) = vpow2.f32 v19;
	v19 =	vmul.f32 @p0 v18, v23  }
0x229: {  	v20 =	vpsel p1, v20, v0;
	s10 =	sadd.s32 @p0 $0x40, s14;
	s11 =	smov.u32 s8;
	v21 =	vpsel p1, v25, v0;
	s5 =	smov.u32 @p0 s14;
	v17 =	vpsel p0, v27, v17;
	[tilespmem:s2+$0x5880] =	vst.add.f32.msk @p1 $0xffff, v24;
	v23 =	vpop @p0 (erf)  }
0x22a: {  	s9 =	smov.u32 @p0 s10;
	s7 =	smov.u32 @p0 s5;
	[tilespmem:s2+$0x5A80] =	vst.add.f32.msk @p1 $0xffff, v21;
	s5 =	sadd.s32 @p1 $0x40, s15;
	(erf) = vpow2.f32 v52;
	v21 =	vmul.f32 @p0 v17, v23;
	v18 =	vsub.f32 @p0 v18, v19  }
0x22b: {  	[tilespmem:s2+$0x5C80] =	vst.add.f32.msk @p1 $0xffff, v20;
	s2 =	sadd.s32 @p1 $0x40, s6;
	s11 =	smov.u32 @p1 s5;
	s5 =	smov.u32 s4;
	v22 =	vmul.f32 @p0 v19, v15  }
0x22c: {  	v53 =	vld [tilespmem:s9+$0x0];
	s5 =	smov.u32 @p1 s2;
	v17 =	vsub.f32 @p0 v17, v21;
	[tilespmem:s7+$0x0] =	vst @p0 v18  }
0x22d: {  	s6 =	sadd.s32 @p0 $0x20, s11;
	v18 =	vmul.f32 @p0 v19, v16;
	[tilespmem:s5+$0x0] =	vst.add.f32.msk @p0 $0xffff, v22  }
0x22e: {  	v54 =	vld [tilespmem:s9+$0xFFFFFFE0];
	s2 =	sand.u32 @p0 $0xFFFFFFE0, s6;
	v22 =	vmul.f32 @p0 v19, v14;
	[tilespmem:s7+$0xFFFFFFE0] =	vst @p0 v17  }
0x22f: {  	[tilespmem:s2+$0x5C80] =	vst.add.f32.msk @p0 $0xffff, v19;
	v19 =	vmul.f32 @p0 v21, v15;
	v17 =	vpsel p0, v18, v0;
	s2 =	smov.u32 @p0 s2  }
0x230: {  	v18 =	vmul.f32 @p0 v21, v16;
	v22 =	vpsel p0, v22, v0;
	[tilespmem:s2+$0x5880] =	vst.add.f32.msk @p0 $0xffff, v17  }
0x231: {  	s6 =	sand.u32 @p0 $0xFFFFFFE0, s11;
	v17 =	vmul.f32 @p0 v21, v14;
	v19 =	vpsel p0, v19, v0;
	v55 =	vpop (erf);
	[tilespmem:s2+$0x5A80] =	vst.add.f32.msk @p0 $0xffff, v22  }
0x232: {  	v18 =	vpsel p0, v18, v0;
	s2 =	smov.u32 @p0 s6;
	v56 =	vmul.f32 v53, v55;
	[tilespmem:s5+$0xFFFFFFE0] =	vst.add.f32.msk @p0 $0xffff, v19  }
0x233: {  	v17 =	vpsel p0, v17, v0;
	v57 =	vpop (erf);
	[tilespmem:s2+$0x5880] =	vst.add.f32.msk @p0 $0xffff, v18  }
0x234: {  	v18 =	vpsel p0, v21, v0;
	[tilespmem:s2+$0x5A80] =	vst.add.f32.msk @p0 $0xffff, v17;
	v58 =	vmul.f32 v54, v57;
	v20 =	vsub.f32 v53, v56  }
0x235: {  	s6 =	sadd.s32 @p0 $0x40, s11;
	v59 =	vmul.f32 v56, v15;
	[tilespmem:s2+$0x5C80] =	vst.add.f32.msk @p0 $0xffff, v18;
	s2 =	sadd.s32 @p0 $0x40, s5  }
0x236: {  	s8 =	smov.u32 @p0 s6;
	s4 =	smov.u32 @p0 s2;
	v60 =	vsub.f32 v54, v58;
	[tilespmem:s9+$0x0] =	vst v20  }
0x237: {  	s14 =	sadd.s32 $0x20, s8;
	[tilespmem:s4+$0x0] =	vst.add.f32.msk $0xffff, v59  }
0x238: {  	s15 =	sand.u32 $0xFFFFFFE0, s14;
	v61 =	vmul.f32 v56, v16;
	[tilespmem:s9+$0xFFFFFFE0] =	vst v60  }
0x239: {  	v62 =	vmul.f32 v56, v14;
	[tilespmem:s15+$0x5C80] =	vst.add.f32.msk $0xffff, v56  }
0x23a: {  	v15 =	vmul.f32 v58, v15;
	[tilespmem:s15+$0x5880] =	vst.add.f32.msk $0xffff, v61  }
0x23b: {  	v63 =	vmul.f32 v58, v16;
	[tilespmem:s15+$0x5A80] =	vst.add.f32.msk $0xffff, v62  }
0x23c: {  	s21 =	sand.u32 $0xFFFFFFE0, s8;
	v14 =	vmul.f32 v58, v14;
	[tilespmem:s4+$0xFFFFFFE0] =	vst.add.f32.msk $0xffff, v15  }
0x23d: {  	[tilespmem:s21+$0x5880] =	vst.add.f32.msk $0xffff, v63  }
0x23e: {  	[tilespmem:s21+$0x5A80] =	vst.add.f32.msk $0xffff, v14  }
0x23f: {  	[tilespmem:s21+$0x5C80] =	vst.add.f32.msk $0xffff, v58  }
0x240: {  	s8 =	rddreg [dreg:$0x18]  }
0x241: {  	s15 =	rddreg [dreg:$0x10]  }
0x242: {  	s12 =	rddreg [dreg:$0x12]  }
.LBB2_26:
0x243: {  	p0 =	sge.s32 s3, s29  }
.Ltmp23:
0x244: {  	_ = 	snop;
	(pc) =	sbr.rel @p0 .LBB2_29-.Ltmp23, $1  }
0x245: {  	_ =	sdelay $0x3  }
0x246: {  	s2 =	ssub.s32 s17, s1  }
0x247: {  	s14 =	sshll.u32 s16, $0x7;
	s4 =	rddreg [dreg:$0xd];
	s3 =	sshll.u32 s2, $0x7  }
0x248: {  	s5 =	rddreg [dreg:$0xf];
	s4 =	sadd.s32 s16, s4;
	s3 =	ssub.s32 s14, s3  }
0x249: {  	v14 =	vbroadcast v11, $0x6;
	s1 =	ssub.s32 $0x0, s2;
	s2 =	ssub.s32 s4, s2;
	s21 =	sshra.s32 s3, $0x2  }
0x24a: {  	v15 =	vbroadcast v11, $0x7;
	v16 =	vbroadcast v11, $0x8;
	s2 =	sshll.u32 s2, $0x5;
	s3 =	sadd.s32 s21, s18;
	s4 =	sadd.s32 s21, s5  }
.LBB2_28:
0x24b: {  	s5 =	sadd.s32 s1, s29  }
0x24c: {  	s5 =	scvt.s32.f32 s5;
	_ =	sdelay $0x1  }
0x24d: {  	s5 =	sadd.f32 $5.000000000e-01, s5;
	_ =	sdelay $0x1  }
0x24e: {  	s5 =	ssub.f32 s5, s25;
	_ =	sdelay $0x1  }
0x24f: {  	s6 =	smul.f32 s5, s26;
	_ =	sdelay $0x1  }
0x250: {  	s6 =	smul.f32 s6, s5;
	_ =	sdelay $0x1  }
0x251: {  	v17 =	vmul.f32 s5, v13;
	s6 =	sadd.f32 s6, s28;
	_ =	sdelay $0x1  }
0x252: {  	v17 =	vadd.f32 s6, v17;
	_ =	sdelay $0x1  }
0x253: {  	v17 =	vadd.f32 v17, v12;
	_ =	sdelay $0x1  }
0x254: {  	v17 =	vmul.f32 $1.442695020e+00, v17;
	_ =	sdelay $0x1  }
0x255: {  	(erf) = vpow2.f32 v17;
	_ =	sdelay $0x4  }
0x256: {  	v17 =	vld [tilespmem:s3+$0x0];
	_ =	sdelay $0x3  }
0x257: {  	v18 =	vpop (erf)  }
0x258: {  	v18 =	vmul.f32 v17, v18;
	_ =	sdelay $0x1  }
0x259: {  	s1 =	sadd.s32 $0x1, s1;
	v17 =	vsub.f32 v17, v18  }
0x25a: {  	p0 =	seq.s32 s1, $0x0;
	v19 =	vmul.f32 v18, v14  }
.Ltmp24:
0x25b: {  	[tilespmem:s3+$0x0] =	vst v17;
	v17 =	vmul.f32 v18, v15;
	(pc) =	sbr.rel @!p0 .LBB2_28-.Ltmp24, $4  }
0x25c: {  	s21 =	sand.u32 $0xFFFFFFE0, s2;
	[tilespmem:s4+$0x0] =	vst.add.f32.msk $0xffff, v19  }
0x25d: {  	v19 =	vmul.f32 v18, v16;
	[tilespmem:s21+$0x5880] =	vst.add.f32.msk $0xffff, v17  }
0x25e: {  	[tilespmem:s21+$0x5C80] =	vst.add.f32.msk $0xffff, v18  }
0x25f: {  	s2 =	sadd.s32 $0x20, s2;
	s3 =	sadd.s32 $0x20, s3;
	s4 =	sadd.s32 $0x20, s4;
	[tilespmem:s21+$0x5A80] =	vst.add.f32.msk $0xffff, v19  }
.LBB2_29:
0x260: {  	p0 =	sgt.f32 s19, s22;
	_ =	sdelay $0x1  }
0x261: {  	p1 =	slt.f32 @p0 s20, s22;
	_ =	sdelay $0x1  }
0x262: {  	p0 =	por !p0, p1  }
.Ltmp25:
0x263: {  	_ = 	snop;
	(pc) =	sbr.rel @p0 .LBB2_45-.Ltmp25, $1  }
0x264: {  	_ =	sdelay $0x3  }
0x265: {  	s1 =	sadd.s32 s8, s17  }
0x266: {  	s1 =	sand.u32 $0xFFFFFFFE, s1  }
0x267: {  	s2 =	sadd.s32 s0, s1  }
0x268: {  	p0 =	sle.s32 s2, s0  }
.Ltmp26:
0x269: {  	_ = 	snop;
	(pc) =	sbr.rel @p0 .LBB2_42-.Ltmp26, $3  }
0x26a: {  	_ =	sdelay $0x1  }
0x26b: {  	v12 =	vbroadcast v11, $0x6  }
0x26c: {  	v13 =	vbroadcast v11, $0x7;
	v11 =	vbroadcast v11, $0x8  }
0x26d: {  	s4 =	scvt.s32.f32 s0;
	s5 =	sadd.s32 $0x1, s0  }
0x26e: {  	s5 =	scvt.s32.f32 s5  }
0x26f: {  	s4 =	sadd.f32 $5.000000000e-01, s4  }
0x270: {  	s3 =	sshll.u32 s0, $0x7;
	s0 =	sadd.s32 $0x2, s0;
	s5 =	sadd.f32 $5.000000000e-01, s5  }
0x271: {  	p3 =	slt.s32 s0, s2;
	s6 =	ssub.f32 s4, s25  }
.Ltmp27:
0x272: {  	s5 =	ssub.f32 s5, s25;
	(pc) =	sbr.rel @!p3 .LBB2_32-.Ltmp27, $4  }
0x273: {  	s4 =	smul.f32 s6, s26  }
0x274: {  	p0 =	por $0x0, $0x0;
	s7 =	smul.f32 s5, s26  }
0x275: {  	p1 =	por $0x0, $0x0;
	s3 =	sshra.s32 s3, $0x2;
	s9 =	smul.f32 s4, s6  }
0x276: {  	p2 =	por $0x0, $0x0;
	v14 =	vmov s3;
	v20 =	vmul.f32 s6, v10;
	s4 =	sadd.s32 $0x40, s15;
	s10 =	smul.f32 s7, s5  }
0x277: {  	s6 =	scvt.s32.f32 s0;
	s7 =	sadd.s32 $0x1, s0;
	s8 =	sadd.f32 s9, s28  }
0x278: {  	v15 =	vmul.f32 s5, v10;
	s14 =	scvt.s32.f32 s7;
	s19 =	sadd.f32 s10, s28  }
0x279: {  	s6 =	sadd.f32 $5.000000000e-01, s6;
	v16 =	vadd.f32 s8, v20  }
0x27a: {  	s0 =	sadd.s32 $0x2, s0;
	s5 =	sadd.f32 $5.000000000e-01, s14;
	v15 =	vadd.f32 s19, v15  }
0x27b: {  	p3 =	slt.s32 s0, s2;
	s6 =	ssub.f32 s6, s25;
	v16 =	vadd.f32 v16, v9  }
.Ltmp28:
0x27c: {  	s5 =	ssub.f32 s5, s25;
	v15 =	vadd.f32 v15, v9;
	(pc) =	sbr.rel @!p3 .LBB2_49-.Ltmp28, $4  }
0x27d: {  	s20 =	smul.f32 s6, s26;
	v16 =	vmul.f32 $1.442695020e+00, v16  }
0x27e: {  	s21 =	smul.f32 s5, s26;
	v17 =	vmul.f32 $1.442695020e+00, v15  }
0x27f: {  	v15 =	vld.idx.msk [tilespmem:v14+s15+$0x0 ss:$0x1], $0xffff;
	s9 =	smul.f32 s20, s6;
	(erf) = vpow2.f32 v16  }
0x280: {  	p0 =	por $0x1, $0x1;
	v20 =	vmul.f32 s6, v10;
	v16 =	vld.idx.msk [tilespmem:v14+s15+$0xFFFFFFE0 ss:$0x1], $0xffff;
	s6 =	sadd.s32 $0x40, s4;
	s10 =	smul.f32 s21, s5;
	(erf) = vpow2.f32 v17  }
0x281: {  	s9 =	sadd.f32 s9, s28;
	_ =	sdelay $0x1  }
0x282: {  	s7 =	scvt.s32.f32 s0;
	s8 =	sadd.s32 $0x1, s0;
	v17 =	vmul.f32 s5, v10;
	s19 =	sadd.f32 s10, s28;
	v18 =	vadd.f32 s9, v20  }
0x283: {  	s14 =	scvt.s32.f32 s8  }
0x284: {  	s7 =	sadd.f32 $5.000000000e-01, s7;
	v17 =	vadd.f32 s19, v17;
	v18 =	vadd.f32 v18, v9  }
0x285: {  	s8 =	sadd.s32 $0x2, s0;
	s5 =	sadd.f32 $5.000000000e-01, s14  }
0x286: {  	p3 =	slt.s32 s8, s2;
	s7 =	ssub.f32 s7, s25;
	v17 =	vadd.f32 v17, v9;
	v18 =	vmul.f32 $1.442695020e+00, v18  }
.Ltmp29:
0x287: {  	v21 =	vld.idx.msk [tilespmem:v14+s4+$0xFFFFFFE0 ss:$0x1], $0xffff;
	s5 =	ssub.f32 s5, s25;
	(pc) =	sbr.rel @!p3 .LBB2_51-.Ltmp29, $4  }
0x288: {  	s20 =	smul.f32 s7, s26;
	v22 =	vmul.f32 $1.442695020e+00, v17;
	v17 =	vld.idx.msk [tilespmem:v14+s4+$0x0 ss:$0x1], $0xffff  }
0x289: {  	v20 =	vmul.f32 s7, v10;
	s21 =	smul.f32 s5, s26;
	v19 =	vpop (erf)  }
0x28a: {  	s9 =	smul.f32 s20, s7;
	(erf) = vpow2.f32 v18;
	v19 =	vmul.f32 v16, v19;
	v18 =	vpop (erf)  }
0x28b: {  	p1 =	por $0x1, $0x1;
	s0 =	sadd.s32 $0x40, s6;
	s10 =	smul.f32 s21, s5;
	(erf) = vpow2.f32 v22;
	v18 =	vmul.f32 v15, v18  }
0x28c: {  	s9 =	sadd.f32 s9, s28  }
0x28d: {  	v22 =	vmul.f32 s5, v10;
	s10 =	sadd.f32 s10, s28  }
0x28e: {  	s7 =	scvt.s32.f32 s8;
	s11 =	sadd.s32 $0x1, s8;
	v20 =	vadd.f32 s9, v20  }
0x28f: {  	s11 =	scvt.s32.f32 s11;
	v22 =	vadd.f32 s10, v22  }
0x290: {  	s19 =	smov.u32 s12;
	v23 =	vsub.f32 v16, v19;
	s12 =	sadd.f32 $5.000000000e-01, s7;
	v20 =	vadd.f32 v20, v9  }
0x291: {  	v24 =	vmul.f32 v19, v11;
	s13 =	sadd.f32 $5.000000000e-01, s11;
	s11 =	sadd.s32 $0x2, s8;
	v22 =	vadd.f32 v22, v9  }
0x292: {  	v25 =	vmul.f32 v19, v12;
	[tilespmem:v14+s15+$0xFFFFFFE0 ss:$0x1] =	vst.idx.msk $0xffff, v23;
	s14 =	ssub.f32 s12, s25;
	p3 =	slt.s32 s11, s2;
	v23 =	vmul.f32 $1.442695020e+00, v20  }
.Ltmp30:
0x293: {  	v27 =	vmul.f32 v19, v13;
	v29 =	vsub.f32 v15, v18;
	v26 =	vmul.f32 v18, v11;
	s5 =	ssub.f32 s13, s25;
	(pc) =	sbr.rel @!p3 .LBB2_53-.Ltmp30, $4  }
0x294: {  	v30 =	vld.idx.msk [tilespmem:v14+s6+$0x0 ss:$0x1], $0xffff;
	v32 =	vmul.f32 v18, v13;
	v28 =	vmul.f32 v18, v12;
	s7 =	sadd.s32 s3, s24;
	s20 =	smul.f32 s14, s26  }
0x295: {  	[tilespmem:s7+$0x610] =	vst.add.f32.msk $0xffff, v19;
	v20 =	vmul.f32 s14, v10;
	s21 =	smul.f32 s5, s26;
	v33 =	vmul.f32 $1.442695020e+00, v22;
	v22 =	vpop (erf)  }
0x296: {  	v31 =	vld.idx.msk [tilespmem:v14+s6+$0xFFFFFFE0 ss:$0x1], $0xffff;
	p2 =	por $0x1, $0x1;
	[tilespmem:v14+s15+$0x0 ss:$0x1] =	vst.idx.msk $0xffff, v29;
	s9 =	smul.f32 s20, s14;
	(erf) = vpow2.f32 v23;
	v22 =	vmul.f32 v21, v22;
	v23 =	vpop (erf)  }
0x297: {  	s8 =	sadd.s32 $0x40, s24;
	s12 =	sadd.s32 $0x40, s0;
	[tilespmem:s7+$0x230] =	vst.add.f32.msk $0xffff, v32;
	v29 =	vmov v18;
	s10 =	smul.f32 s21, s5;
	(erf) = vpow2.f32 v33;
	v23 =	vmul.f32 v17, v23  }
.LBB2_54:
0x298: {  	s13 =	scvt.s32.f32 s11;
	s14 =	sadd.s32 $0x1, s11;
	s9 =	sadd.f32 s9, s28;
	v32 =	vmul.f32 s5, v10;
	v21 =	vsub.f32 v21, v22;
	[tilespmem:s7+$0x30] =	vst.add.f32.msk $0xffff, v28  }
0x299: {  	s11 =	sadd.s32 $0x2, s11;
	s5 =	scvt.s32.f32 s14;
	s10 =	sadd.f32 s10, s28;
	v33 =	vsub.f32 v17, v23;
	v34 =	vmul.f32 v23, v11;
	[tilespmem:s7+$0x410] =	vst.add.f32.msk $0xffff, v24;
	v24 =	vmul.f32 v22, v11  }
0x29a: {  	p3 =	slt.s32 s11, s2;
	v35 =	vmul.f32 v23, v13;
	v17 =	vmovc v30;
	s14 =	smov.u32 s0;
	s13 =	sadd.f32 $5.000000000e-01, s13;
	v20 =	vadd.f32 s9, v20;
	[tilespmem:s7+$0x10] =	vst.add.f32.msk $0xffff, v25;
	v25 =	vmul.f32 v22, v12  }
0x29b: {  	v28 =	vmul.f32 v23, v12;
	s0 =	smov.u32 s12;
	s5 =	sadd.f32 $5.000000000e-01, s5;
	v32 =	vadd.f32 s10, v32;
	[tilespmem:s7+$0x210] =	vst.add.f32.msk $0xffff, v27;
	v27 =	vmul.f32 v22, v13  }
0x29c: {  	s9 =	ssub.f32 s13, s25;
	v36 =	vadd.f32 v20, v9;
	v30 =	vld.idx.msk [tilespmem:v14+s14+$0x0 ss:$0x1], $0xffff;
	[tilespmem:v14+s4+$0xFFFFFFE0 ss:$0x1] =	vst.idx.msk $0xffff, v21;
	v21 =	vmov v31  }
.Ltmp31:
0x29d: {  	s5 =	ssub.f32 s5, s25;
	v31 =	vadd.f32 v32, v9;
	[tilespmem:s7+$0x430] =	vst.add.f32.msk $0xffff, v26;
	v26 =	vmov v34;
	(pc) =	sbr.rel @p3 .LBB2_54-.Ltmp31, $4  }
0x29e: {  	s10 =	smul.f32 s9, s26;
	v20 =	vmul.f32 s9, v10;
	v36 =	vmul.f32 $1.442695020e+00, v36;
	[tilespmem:s7+$0x630] =	vst.add.f32.msk $0xffff, v29;
	s7 =	sadd.s32 s3, s8;
	v29 =	vmov v23  }
0x29f: {  	s13 =	smul.f32 s5, s26;
	v23 =	vmul.f32 $1.442695020e+00, v31;
	v34 =	vpop (erf);
	[tilespmem:s7+$0x610] =	vst.add.f32.msk $0xffff, v22  }
0x2a0: {  	s9 =	smul.f32 s10, s9;
	v31 =	vld.idx.msk [tilespmem:v14+s14+$0xFFFFFFE0 ss:$0x1], $0xffff;
	(erf) = vpow2.f32 v36;
	v22 =	vmul.f32 v21, v34;
	v32 =	vpop (erf);
	[tilespmem:v14+s4+$0x0 ss:$0x1] =	vst.idx.msk $0xffff, v33;
	s4 =	smov.u32 s6;
	s6 =	smov.u32 s14  }
0x2a1: {  	s12 =	sadd.s32 $0x40, s12;
	s8 =	sadd.s32 $0x40, s8;
	s10 =	smul.f32 s13, s5;
	(erf) = vpow2.f32 v23;
	v23 =	vmul.f32 v17, v32;
	[tilespmem:s7+$0x230] =	vst.add.f32.msk $0xffff, v35  }
0x2a2: {  	_ =	sdelay $0x2  }
0x2a3: {  	v32 =	vmovc v21;
	v33 =	vmov v17;
	s11 =	smov.u32 s4;
	v17 =	vmov v30;
	s4 =	smov.u32 s6;
	s12 =	smov.u32 s19;
	v21 =	vmov v31  }
.LBB2_56:
0x2a4: {  	[tilespmem:s7+$0x30] =	vst.add.f32.msk @p2 $0xffff, v28  }
0x2a5: {  	[tilespmem:s7+$0x410] =	vst.add.f32.msk @p2 $0xffff, v24  }
0x2a6: {  	[tilespmem:s7+$0x10] =	vst.add.f32.msk @p2 $0xffff, v25  }
0x2a7: {  	s6 =	sadd.f32 s9, s28;
	[tilespmem:s7+$0x210] =	vst.add.f32.msk @p2 $0xffff, v27  }
0x2a8: {  	v24 =	vsub.f32 @p1 v32, v22;
	v53 =	vmul.f32 s5, v10;
	[tilespmem:s7+$0x430] =	vst.add.f32.msk @p2 $0xffff, v26;
	s5 =	sadd.f32 s10, s28  }
0x2a9: {  	v25 =	vmul.f32 @p1 v22, v11;
	v27 =	vsub.f32 @p1 v33, v23;
	[tilespmem:s7+$0x630] =	vst.add.f32.msk @p2 $0xffff, v29  }
0x2aa: {  	v26 =	vmul.f32 @p1 v23, v11;
	v20 =	vadd.f32 s6, v20;
	[tilespmem:v14+s11+$0xFFFFFFE0 ss:$0x1] =	vst.idx.msk @p1 $0xffff, v24;
	v24 =	vadd.f32 s5, v53  }
0x2ab: {  	v29 =	vmul.f32 @p1 v23, v13;
	v30 =	vmul.f32 @p1 v23, v12;
	s6 =	sadd.s32 @p1 s3, s8;
	[tilespmem:v14+s11+$0x0 ss:$0x1] =	vst.idx.msk @p1 $0xffff, v27  }
0x2ac: {  	v28 =	vmul.f32 @p1 v22, v12;
	[tilespmem:s6+$0x610] =	vst.add.f32.msk @p1 $0xffff, v22;
	v31 =	vpop @p0 (erf);
	v20 =	vadd.f32 v20, v9;
	v24 =	vadd.f32 v24, v9  }
0x2ad: {  	v22 =	vmul.f32 @p1 v22, v13;
	[tilespmem:s6+$0x230] =	vst.add.f32.msk @p1 $0xffff, v29;
	v29 =	vpsel p1, v30, v0;
	s5 =	smov.u32 @p1 s6;
	v27 =	vmul.f32 @p0 v21, v31  }
0x2ae: {  	v16 =	vpsel p0, v21, v16;
	[tilespmem:s5+$0x30] =	vst.add.f32.msk @p1 $0xffff, v29;
	v21 =	vpsel p1, v28, v0;
	v20 =	vmul.f32 $1.442695020e+00, v20  }
0x2af: {  	v22 =	vpsel p1, v22, v0;
	[tilespmem:s5+$0x10] =	vst.add.f32.msk @p1 $0xffff, v21;
	v19 =	vpsel p0, v27, v19;
	v54 =	vmul.f32 $1.442695020e+00, v24  }
0x2b0: {  	s6 =	smov.u32 s15;
	[tilespmem:s5+$0x210] =	vst.add.f32.msk @p1 $0xffff, v22;
	v16 =	vsub.f32 @p0 v16, v19;
	(erf) = vpow2.f32 v20;
	v20 =	vpsel p1, v25, v0;
	v24 =	vpop @p0 (erf)  }
0x2b1: {  	s6 =	smov.u32 @p0 s4;
	v21 =	vmov @p1 v26;
	[tilespmem:s5+$0x410] =	vst.add.f32.msk @p1 $0xffff, v20;
	v24 =	vmul.f32 @p0 v17, v24  }
0x2b2: {  	v55 =	vld.idx.msk [tilespmem:v14+s0+$0xFFFFFFE0 ss:$0x1], $0xffff;
	s7 =	smov.u32 s24;
	s4 =	sadd.s32 @p1 $0x40, s8;
	v22 =	vmov @p1 v23;
	(erf) = vpow2.f32 v54;
	v20 =	vpsel p1, v21, v0;
	[tilespmem:v14+s6+$0xFFFFFFE0 ss:$0x1] =	vst.idx.msk @p0 $0xffff, v16  }
0x2b3: {  	v15 =	vpsel p0, v17, v15;
	s7 =	smov.u32 @p1 s4;
	v17 =	vpsel p1, v22, v0;
	[tilespmem:s5+$0x430] =	vst.add.f32.msk @p1 $0xffff, v20;
	v16 =	vpsel p0, v24, v18  }
0x2b4: {  	s4 =	sadd.s32 @p0 s3, s7;
	[tilespmem:s5+$0x630] =	vst.add.f32.msk @p1 $0xffff, v17;
	v15 =	vsub.f32 @p0 v15, v16  }
0x2b5: {  	[tilespmem:s4+$0x610] =	vst.add.f32.msk @p0 $0xffff, v19;
	v17 =	vmul.f32 @p0 v16, v13;
	v18 =	vmul.f32 @p0 v16, v12  }
0x2b6: {  	v56 =	vld.idx.msk [tilespmem:v14+s0+$0x0 ss:$0x1], $0xffff;
	v21 =	vmul.f32 @p0 v19, v11;
	[tilespmem:v14+s6+$0x0 ss:$0x1] =	vst.idx.msk @p0 $0xffff, v15;
	v15 =	vmul.f32 @p0 v19, v12  }
0x2b7: {  	[tilespmem:s4+$0x230] =	vst.add.f32.msk @p0 $0xffff, v17;
	v17 =	vpsel p0, v18, v0;
	s4 =	smov.u32 @p0 s4  }
0x2b8: {  	v21 =	vpsel p0, v21, v0;
	[tilespmem:s4+$0x30] =	vst.add.f32.msk @p0 $0xffff, v17;
	v15 =	vpsel p0, v15, v0  }
0x2b9: {  	v18 =	vmul.f32 @p0 v19, v13;
	v17 =	vmul.f32 @p0 v16, v11;
	[tilespmem:s4+$0x410] =	vst.add.f32.msk @p0 $0xffff, v21;
	v57 =	vpop (erf)  }
0x2ba: {  	v16 =	vpsel p0, v16, v0;
	[tilespmem:s4+$0x10] =	vst.add.f32.msk @p0 $0xffff, v15;
	v58 =	vmul.f32 v55, v57  }
0x2bb: {  	v18 =	vpsel p0, v18, v0;
	[tilespmem:s4+$0x630] =	vst.add.f32.msk @p0 $0xffff, v16;
	v60 =	vpop (erf);
	v15 =	vmov @p0 v17  }
0x2bc: {  	s5 =	sadd.s32 @p0 $0x40, s7;
	s6 =	smov.u32 s24;
	[tilespmem:s4+$0x210] =	vst.add.f32.msk @p0 $0xffff, v18;
	v17 =	vmul.f32 v56, v60;
	v59 =	vsub.f32 v55, v58;
	v15 =	vpsel p0, v15, v0  }
0x2bd: {  	s6 =	smov.u32 @p0 s5;
	[tilespmem:s4+$0x430] =	vst.add.f32.msk @p0 $0xffff, v15  }
0x2be: {  	s21 =	sadd.s32 s3, s6;
	v15 =	vsub.f32 v56, v17;
	[tilespmem:v14+s0+$0xFFFFFFE0 ss:$0x1] =	vst.idx.msk $0xffff, v59  }
0x2bf: {  	v63 =	vmul.f32 v58, v13;
	[tilespmem:s21+$0x610] =	vst.add.f32.msk $0xffff, v58  }
0x2c0: {  	v61 =	vmul.f32 v17, v13;
	[tilespmem:v14+s0+$0x0 ss:$0x1] =	vst.idx.msk $0xffff, v15  }
0x2c1: {  	v62 =	vmul.f32 v17, v12;
	[tilespmem:s21+$0x210] =	vst.add.f32.msk $0xffff, v63  }
0x2c2: {  	[tilespmem:s21+$0x230] =	vst.add.f32.msk $0xffff, v61  }
0x2c3: {  	v14 =	vmul.f32 v58, v11;
	[tilespmem:s21+$0x30] =	vst.add.f32.msk $0xffff, v62  }
0x2c4: {  	v15 =	vmul.f32 v58, v12;
	[tilespmem:s21+$0x630] =	vst.add.f32.msk $0xffff, v17  }
0x2c5: {  	[tilespmem:s21+$0x410] =	vst.add.f32.msk $0xffff, v14;
	v14 =	vmul.f32 v17, v11  }
0x2c6: {  	[tilespmem:s21+$0x10] =	vst.add.f32.msk $0xffff, v15  }
0x2c7: {  	[tilespmem:s21+$0x430] =	vst.add.f32.msk $0xffff, v14  }
.LBB2_42:
0x2c8: {  	p0 =	sge.s32 s2, s29  }
.Ltmp32:
0x2c9: {  	_ = 	snop;
	(pc) =	sbr.rel @p0 .LBB2_45-.Ltmp32, $1  }
0x2ca: {  	_ =	sdelay $0x3  }
0x2cb: {  	s1 =	ssub.s32 s17, s1  }
0x2cc: {  	s0 =	sshll.u32 s1, $0x7  }
0x2cd: {  	s2 =	sshll.u32 s16, $0x7;
	s0 =	ssub.s32 $0x0, s0  }
0x2ce: {  	s3 =	sshra.s32 s0, $0x2;
	s0 =	sshra.s32 s2, $0x2  }
0x2cf: {  	s1 =	ssub.s32 $0x0, s1;
	s2 =	sadd.s32 s3, s24;
	s3 =	sadd.s32 s3, s15;
	v14 =	vmov s0  }
.LBB2_44:
0x2d0: {  	s4 =	sadd.s32 s1, s29  }
0x2d1: {  	s4 =	scvt.s32.f32 s4;
	_ =	sdelay $0x1  }
0x2d2: {  	s4 =	sadd.f32 $5.000000000e-01, s4;
	_ =	sdelay $0x1  }
0x2d3: {  	s4 =	ssub.f32 s4, s25;
	_ =	sdelay $0x1  }
0x2d4: {  	s5 =	smul.f32 s4, s26;
	_ =	sdelay $0x1  }
0x2d5: {  	s5 =	smul.f32 s5, s4;
	_ =	sdelay $0x1  }
0x2d6: {  	v15 =	vmul.f32 s4, v10;
	s5 =	sadd.f32 s5, s28;
	_ =	sdelay $0x1  }
0x2d7: {  	v15 =	vadd.f32 s5, v15;
	_ =	sdelay $0x1  }
0x2d8: {  	v15 =	vadd.f32 v15, v9;
	_ =	sdelay $0x1  }
0x2d9: {  	v15 =	vmul.f32 $1.442695020e+00, v15;
	_ =	sdelay $0x1  }
0x2da: {  	(erf) = vpow2.f32 v15;
	_ =	sdelay $0x4  }
0x2db: {  	v15 =	vld.idx.msk [tilespmem:v14+s3+$0x0 ss:$0x1], $0xffff;
	_ =	sdelay $0x3  }
0x2dc: {  	v16 =	vpop (erf)  }
0x2dd: {  	v16 =	vmul.f32 v15, v16;
	_ =	sdelay $0x1  }
0x2de: {  	s1 =	sadd.s32 $0x1, s1;
	v15 =	vsub.f32 v15, v16  }
0x2df: {  	p0 =	seq.s32 s1, $0x0;
	v17 =	vmul.f32 v16, v12  }
.Ltmp33:
0x2e0: {  	s21 =	sadd.s32 s0, s2;
	v63 =	vmul.f32 v16, v11;
	[tilespmem:v14+s3+$0x0 ss:$0x1] =	vst.idx.msk $0xffff, v15;
	(pc) =	sbr.rel @!p0 .LBB2_44-.Ltmp33, $4  }
0x2e1: {  	[tilespmem:s21+$0x30] =	vst.add.f32.msk $0xffff, v17  }
0x2e2: {  	v15 =	vmul.f32 v16, v13;
	[tilespmem:s21+$0x430] =	vst.add.f32.msk $0xffff, v63  }
0x2e3: {  	[tilespmem:s21+$0x630] =	vst.add.f32.msk $0xffff, v16  }
0x2e4: {  	s2 =	sadd.s32 $0x20, s2;
	s3 =	sadd.s32 $0x20, s3;
	[tilespmem:s21+$0x230] =	vst.add.f32.msk $0xffff, v15  }
.Ltmp34:
0x2e5: {  	_ = 	snop;
	(pc) =	sbr.rel .LBB2_45-.Ltmp34, $1  }
0x2e6: {  	_ =	sdelay $0x3  }
.LBB2_9:
.Ltmp35:
0x2e7: {  	(pc) =	sbr.rel .LBB2_25-.Ltmp35, $3  }
0x2e8: {  	_ =	sdelay $0x1  }
0x2e9: {  	s12 =	smov.u32 s15  }
0x2ea: {  	s10 =	smov.u32 s24;
	s23 =	smov.u32 s9;
	s17 =	smov.u32 s30  }
.LBB2_16:
.Ltmp36:
0x2eb: {  	(pc) =	sbr.rel .LBB2_41-.Ltmp36, $2  }
0x2ec: {  	_ =	sdelay $0x2  }
0x2ed: {  	s7 =	smov.u32 s4;
	s13 =	smov.u32 s8;
	s6 =	smov.u32 s9  }
.LBB2_32:
.Ltmp37:
0x2ee: {  	(pc) =	sbr.rel .LBB2_56-.Ltmp37, $2  }
0x2ef: {  	_ =	sdelay $0x2  }
0x2f0: {  	s0 =	smov.u32 s15;
	s8 =	smov.u32 s24  }
.LBB2_18:
.Ltmp38:
0x2f1: {  	(pc) =	sbr.rel .LBB2_25-.Ltmp38, $4  }
0x2f2: {  	s12 =	smov.u32 s11;
	s16 =	smov.u32 s19  }
0x2f3: {  	s4 =	smov.u32 s6;
	s11 =	smov.u32 s15;
	s10 =	smov.u32 s24  }
0x2f4: {  	s23 =	smov.u32 s9;
	s6 =	smov.u32 s18;
	s1 =	smov.u32 s9  }
0x2f5: {  	v23 =	vmovc v19;
	v39 =	vmov v18;
	v18 =	vmov v29;
	s18 =	rddreg [dreg:$0xe];
	s17 =	smov.u32 s14;
	s14 =	smov.u32 s30;
	v26 =	vmov v32  }
.LBB2_34:
.Ltmp39:
0x2f6: {  	(pc) =	sbr.rel .LBB2_41-.Ltmp39, $2  }
0x2f7: {  	_ =	sdelay $0x2  }
0x2f8: {  	s7 =	smov.u32 s4;
	s13 =	smov.u32 s8;
	s6 =	smov.u32 s9  }
.LBB2_49:
.Ltmp40:
0x2f9: {  	_ = 	snop;
	(pc) =	sbr.rel .LBB2_56-.Ltmp40, $2  }
0x2fa: {  	_ =	sdelay $0x2  }
0x2fb: {  	s0 =	smov.u32 s4;
	s8 =	smov.u32 s24;
	s4 =	smov.u32 s15;
	v17 =	vmov v15;
	v21 =	vmov v16  }
.LBB2_20:
.Ltmp41:
0x2fc: {  	(pc) =	sbr.rel .LBB2_25-.Ltmp41, $4  }
0x2fd: {  	s17 =	smov.u32 s4  }
0x2fe: {  	s13 =	smov.u32 s20;
	s7 =	smov.u32 s15;
	s12 =	smov.u32 s22  }
0x2ff: {  	v37 =	vmov v19;
	s24 =	smov.u32 s19;
	s4 =	smov.u32 s18;
	s22 =	rddreg [dreg:$0x7]  }
0x300: {  	v34 =	vmovc v24;
	v36 =	vmovc v25;
	v39 =	vmov v29;
	v30 =	vmov v20;
	v29 =	vmov v21;
	s6 =	smov.u32 s8;
	s1 =	smov.u32 s23;
	s18 =	rddreg [dreg:$0xe]  }
.LBB2_36:
.Ltmp42:
0x301: {  	_ = 	snop;
	(pc) =	sbr.rel .LBB2_41-.Ltmp42, $3  }
0x302: {  	_ =	sdelay $0x1  }
0x303: {  	s7 =	smov.u32 s4  }
0x304: {  	s13 =	smov.u32 s8;
	s6 =	smov.u32 s9;
	s10 =	smov.u32 s9;
	v19 =	vmov v18;
	v22 =	vmov v17  }
.LBB2_51:
.Ltmp43:
0x305: {  	(pc) =	sbr.rel .LBB2_56-.Ltmp43, $2  }
0x306: {  	_ =	sdelay $0x2  }
0x307: {  	v32 =	vmovc v16;
	v22 =	vmov v19;
	v33 =	vmov v15;
	s0 =	smov.u32 s6;
	s11 =	smov.u32 s15;
	s8 =	smov.u32 s24;
	v23 =	vmov v18  }
.LBB2_22:
.Ltmp44:
0x308: {  	s30 =	smov.u32 s14;
	(pc) =	sbr.rel .LBB2_25-.Ltmp44, $4  }
0x309: {  	s7 =	smov.u32 s11;
	s24 =	smov.u32 s16;
	s2 =	rddreg [dreg:$0xc]  }
0x30a: {  	s14 =	smov.u32 s4;
	s11 =	smov.u32 s22;
	s31 =	rddreg [dreg:$0x5]  }
0x30b: {  	s15 =	smov.u32 s19;
	s16 =	smov.u32 s9;
	s22 =	rddreg [dreg:$0x7]  }
0x30c: {  	v37 =	vmovc v23;
	v39 =	vmovc v18;
	v23 =	vmov v38;
	v18 =	vmov v40;
	s23 =	smov.u32 s1;
	s4 =	smov.u32 s8;
	s18 =	rddreg [dreg:$0xe];
	v26 =	vmov v32  }
.LBB2_38:
.Ltmp45:
0x30d: {  	(pc) =	sbr.rel .LBB2_41-.Ltmp45, $4  }
0x30e: {  	s7 =	smov.u32 s4;
	s13 =	smov.u32 s8;
	s10 =	smov.u32 s6  }
0x30f: {  	s16 =	smov.u32 s21;
	s17 =	smov.u32 s31;
	s31 =	smov.u32 s30  }
0x310: {  	s30 =	smov.u32 s20;
	s20 =	smov.u32 s24;
	s24 =	smov.u32 s19  }
0x311: {  	s19 =	smov.u32 s22;
	s22 =	smov.u32 s1;
	s1 =	rddreg [dreg:$0x1c]  }
.LBB2_53:
.Ltmp46:
0x312: {  	(pc) =	sbr.rel .LBB2_56-.Ltmp46, $2  }
0x313: {  	_ =	sdelay $0x2  }
0x314: {  	v32 =	vmovc v21;
	v33 =	vmovc v17;
	s11 =	smov.u32 s4;
	v29 =	vmov v18;
	s4 =	smov.u32 s6;
	s12 =	smov.u32 s19;
	v17 =	vmov v30;
	v21 =	vmov v31  }
.LBB2_47:
0x315: {  	_ =	sfence.sel $0x180000  }
0x316: {  	[bflag:$0x0] =	sbarrier.arrive $0xFFFF  }
0x317: {  	_ =	strace $0x90000047  }
0x318: {  	s0 =	stileid.u32;
	[bflag:$0x2] =	sbarrier.arrive $0xFFFF  }
0x319: {  	p0 =	sne.s32 s0, $0x0;
	s0 =	rddreg [dreg:$0x2]  }
0x31a: {  	s0 =	sadd.s32 @!p0 $0x100000, s0  }
0x31b: {  	[sflag:s0] =	ssyncadd.tile.s32 @!p0 $0x1;
	_ =	shalt  }
.Lfunc_end2:
_tile_overlayer_lowered:
.L_overlay_start_2:
0x31c: {  	(tag) =	ssettag $0x2  }
0x31d: {  	s0 =	rddreg [dreg:$0x0];
	s2 =	stileid.u32  }
0x31e: {  	s1 =	rddreg [dreg:$0x1];
	p0 =	sne.s32 s2, $0x0  }
0x31f: {  	s3 =	rddreg [dreg:$0x2];
	[bflag:$0x3] =	sbarrier.arrive $0xFFFF;
	s2 =	simm.s32 @!p0 $0x1C01  }
0x320: {  	[timem:s3], [sflag:s2] =	dma.local @!p0 [hbm:s0], s1  }
0x321: {  	s0 =	simm.s32 @!p0 $0x1  }
0x322: {  	_ =	swait.ge @!p0 [sflag:s0], s1  }
0x323: {  	s1 =	ssub.s32 @!p0 $0x0, s1;
	[sflag:s0] =	ssyncset.done @!p0 $0x0  }
0x324: {  	[sflag:s0] =	ssyncadd.s32 @!p0 s1  }
0x325: {  	[bflag:$0x3] =	sbarrier.arrive $0xFFFF  }
0x326: {  	_ =	shalt  }

</sc_bundles>
